<compile_context>
chip_gen: v7x
topology: tpu7x:2x2x1
jax: 0.10.2.dev20260603
libtpu: 0.0.44.dev20260713+nightly
codegen_flags: <defaults>
</compile_context>

<pallas_src>
import functools

import jax
import jax.numpy as jnp
from jax import lax
from jax.experimental import pallas as pl
from jax.experimental.pallas import tpu as pltpu
from jax.experimental.pallas import tpu_sc as plsc

BATCH = 16384
HIDDEN = 1024
N_TAB = 1000
ROWS_PER_TILE = 64
GROUP = 16
NSLOT = 3


@jax.jit
def _embed(labels, table):
    info = plsc.get_sparse_core_info()
    nc, ns = info.num_cores, info.num_subcores
    b_per_w = BATCH // (nc * ns)
    n = b_per_w // GROUP

    table_flat = table.reshape(-1)
    mesh = plsc.VectorSubcoreMesh(core_axis_name="c", subcore_axis_name="s")

    @functools.partial(
        pl.kernel,
        mesh=mesh,
        out_type=jax.ShapeDtypeStruct((BATCH, HIDDEN), jnp.float32),
        scratch_types=[
            pltpu.VMEM((b_per_w,), jnp.int32),
            pltpu.VMEM((NSLOT, GROUP, HIDDEN), jnp.float32),
            pltpu.VMEM_SHARED((N_TAB * HIDDEN,), jnp.float32),
            pltpu.SemaphoreType.DMA((NSLOT,)),
            pltpu.SemaphoreType.DMA((NSLOT,)),
        ],
    )
    def k(labels_hbm, tabf_hbm, out_hbm, idx_v, rows_v, tab_sh,
          sem_f, sem_w):
        cid = lax.axis_index("c")
        sid = lax.axis_index("s")
        wid = sid * nc + cid
        base = wid * b_per_w
        off = jnp.minimum(sid * ROWS_PER_TILE, N_TAB - ROWS_PER_TILE) * HIDDEN
        pltpu.sync_copy(
            tabf_hbm.at[pl.ds(off, ROWS_PER_TILE * HIDDEN)],
            tab_sh.at[pl.ds(off, ROWS_PER_TILE * HIDDEN)],
        )
        pltpu.sync_copy(labels_hbm.at[pl.ds(base, b_per_w)], idx_v)
        plsc.subcore_barrier()

        def fetch(i):
            slot = i % NSLOT
            labs = idx_v[pl.ds(i * GROUP, GROUP)]
            for lane in range(GROUP):
                row = labs[lane] * HIDDEN
                pltpu.async_copy(
                    tab_sh.at[pl.ds(row, HIDDEN)],
                    rows_v.at[slot, lane],
                    sem_f.at[slot],
                )

        def fetch_wait(i):
            slot = i % NSLOT
            for _ in range(GROUP):
                pltpu.make_async_copy(
                    tab_sh.at[pl.ds(0, HIDDEN)],
                    rows_v.at[slot, 0],
                    sem_f.at[slot],
                ).wait()

        def w_copy(i):
            return pltpu.make_async_copy(
                rows_v.at[i % NSLOT],
                out_hbm.at[pl.ds(base + i * GROUP, GROUP)],
                sem_w.at[i % NSLOT],
            )

        fetch(0)
        fetch(1)

        def body(i, carry):
            fetch_wait(i)
            w_copy(i).start()

            @pl.when(i >= 2)
            def _():
                w_copy(i - 2).wait()

            @pl.when(i + 2 < n)
            def _():
                fetch(i + 2)

            return carry

        lax.fori_loop(0, n, body, 0)
        w_copy(n - 2).wait()
        w_copy(n - 1).wait()

    return k(labels, table_flat)


def kernel(labels, table):
    return _embed(labels, table)

# --- scband reference (transcript-rebuilt; emitter-appended) ---
"""Pipeline reference for scband-cond-embedder-label-45543833206962 (READ-ONLY COPY).

The authoritative reference and input builder live on the scoring server;
editing this copy changes nothing except your own understanding.
"""

import jax, jax.numpy as jnp
import numpy as np

NUM_CLASSES = 1000
HIDDEN_SIZE = 1024
BATCH = 16384

def setup_inputs(seed: int = 0) -> dict:
    key = jax.random.key(seed)
    k_lab, k_tab = jax.random.split(key)
    labels = jax.random.randint(k_lab, (BATCH,), 0, NUM_CLASSES, dtype=jnp.int64 if jax.config.jax_enable_x64 else jnp.int32).astype(jnp.int32)
    # Embedding table has num_classes + 1 rows (last row = null/unconditional token)
    table = jax.random.normal(k_tab, (NUM_CLASSES + 1, HIDDEN_SIZE), dtype=jnp.float32) * 0.02
    return {"labels": labels, "table": table}

def reference(labels, table):
    # Inference path (training=False): no label dropout, plain embedding lookup.
    return jnp.take(table, labels, axis=0)

if __name__ == "__main__":
    import jax
    _d = setup_inputs()
    print(jax.jit(kernel)(*tuple(_d.values())))

</pallas_src>

<mosaic_0001>
#map = affine_map<(d0, d1) -> (0)>
#map1 = affine_map<(d0, d1) -> (0, 0)>
module attributes {stable_mosaic.version = 14 : i64} {
  func.func @k(%arg0: i32, %arg1: i32, %arg2: memref<16384xi32, #tpu.memory_space<hbm>>, %arg3: memref<1025024xf32, #tpu.memory_space<hbm>>, %arg4: memref<16384x1024xf32, #tpu.memory_space<hbm>>, %arg5: memref<512xi32, #tpu.memory_space<vmem>>, %arg6: memref<3x16x1024xf32, #tpu.memory_space<vmem>>, %arg7: memref<1024000xf32, #tpu.memory_space<vmem_shared>>, %arg8: memref<3x!tpu.dma_semaphore, #tpu.memory_space<semaphore_mem>>, %arg9: memref<3x!tpu.dma_semaphore, #tpu.memory_space<semaphore_mem>>) attributes {dimension_semantics = [#tpu.dimension_semantics<core_parallel>, #tpu.dimension_semantics<subcore_parallel>], iteration_bounds = array<i64: 2, 16>, scalar_prefetch = 0 : i64, scratch_operands = 5 : i64, tpu.core_type = #tpu.core_type<sc_vector_subcore>, window_params = [{transform_indices = #map}, {transform_indices = #map}, {transform_indices = #map1}]} {
    %mul3A = arith.constant 2 : i32
    %mul3A_0 = arith.muli %arg1, %mul3A : i32
    %add3A = arith.addi %mul3A_0, %arg0 : i32
    %mul3A_1 = arith.constant 512 : i32
    %mul3A_2 = arith.muli %add3A, %mul3A_1 : i32
    %mul3A_3 = arith.constant 64 : i32
    %mul3A_4 = arith.muli %arg1, %mul3A_3 : i32
    %min3A = arith.constant 936 : i32
    %min3A_5 = arith.minsi %mul3A_4, %min3A : i32
    %mul3A_6 = arith.constant 1024 : i32
    %mul3A_7 = arith.muli %min3A_5, %mul3A_6 : i32
    "tpu.region"() ({
      %run_scoped3A = tpu.sem_alloc : memref<!tpu.dma_semaphore, #tpu.memory_space<semaphore_mem>>
      %dma_start3A_594 = tpu.memref_slice %arg7[%mul3A_7] : memref<1024000xf32, #tpu.memory_space<vmem_shared>> -> memref<65536xf32, #tpu.memory_space<vmem_shared>>
      %dma_start3A_595 = tpu.memref_slice %arg3[%mul3A_7] : memref<1025024xf32, #tpu.memory_space<hbm>> -> memref<65536xf32, #tpu.memory_space<hbm>>
      tpu.enqueue_dma source(%dma_start3A_595 : memref<65536xf32, #tpu.memory_space<hbm>>) target(%dma_start3A_594 : memref<65536xf32, #tpu.memory_space<vmem_shared>>) target_semaphore(%run_scoped3A : memref<!tpu.dma_semaphore, #tpu.memory_space<semaphore_mem>>)
      %dma_wait3A_596 = tpu.memref_slice %arg7[%mul3A_7] : memref<1024000xf32, #tpu.memory_space<vmem_shared>> -> memref<65536xf32, #tpu.memory_space<vmem_shared>>
      %dma_wait3A_597 = tpu.memref_slice %arg3[%mul3A_7] : memref<1025024xf32, #tpu.memory_space<hbm>> -> memref<65536xf32, #tpu.memory_space<hbm>>
      tpu.wait_dma2 semaphore(%run_scoped3A : memref<!tpu.dma_semaphore, #tpu.memory_space<semaphore_mem>>) src(%dma_wait3A_597 : memref<65536xf32, #tpu.memory_space<hbm>>) dst(%dma_wait3A_596 : memref<65536xf32, #tpu.memory_space<vmem_shared>>)
      tpu.yield
    }) : () -> ()
    "tpu.region"() ({
      %run_scoped3A = tpu.sem_alloc : memref<!tpu.dma_semaphore, #tpu.memory_space<semaphore_mem>>
      %dma_start3A_594 = tpu.memref_slice %arg2[%mul3A_2] : memref<16384xi32, #tpu.memory_space<hbm>> -> memref<512xi32, #tpu.memory_space<hbm>>
      %dma_start3A_595 = tpu.memref_slice %arg2[%mul3A_2] : memref<16384xi32, #tpu.memory_space<hbm>> -> memref<512xi32, #tpu.memory_space<hbm>>
      tpu.enqueue_dma source(%dma_start3A_595 : memref<512xi32, #tpu.memory_space<hbm>>) target(%arg5 : memref<512xi32, #tpu.memory_space<vmem>>) target_semaphore(%run_scoped3A : memref<!tpu.dma_semaphore, #tpu.memory_space<semaphore_mem>>)
      %dma_wait3A_596 = tpu.memref_slice %arg2[%mul3A_2] : memref<16384xi32, #tpu.memory_space<hbm>> -> memref<512xi32, #tpu.memory_space<hbm>>
      %dma_wait3A_597 = tpu.memref_slice %arg2[%mul3A_2] : memref<16384xi32, #tpu.memory_space<hbm>> -> memref<512xi32, #tpu.memory_space<hbm>>
      tpu.wait_dma2 semaphore(%run_scoped3A : memref<!tpu.dma_semaphore, #tpu.memory_space<semaphore_mem>>) src(%dma_wait3A_597 : memref<512xi32, #tpu.memory_space<hbm>>) dst(%arg5 : memref<512xi32, #tpu.memory_space<vmem>>)
      tpu.yield
    }) : () -> ()
    %barrier3A = arith.constant 0 : index
    tpu.barrier barrier_id(%barrier3A)
    %get3A = arith.constant 0 : index
    %get3A_8 = tpu.vector_load %arg5[%get3A] {strides = array<i32>} : memref<512xi32, #tpu.memory_space<vmem>>, vector<16xi32>,
    %get3A_9 = vector.shape_cast %get3A_8 : vector<16xi32> to vector<16xi32>
    %slice3A = vector.extract_strided_slice %get3A_9 {offsets = [0], sizes = [1], strides = [1]} : vector<16xi32> to vector<1xi32>
    %squeeze3A = vector.extract %slice3A[0] : i32 from vector<1xi32>
    %mul3A_10 = arith.constant 1024 : i32
    %mul3A_11 = arith.muli %squeeze3A, %mul3A_10 : i32
    %dma_start3A = arith.constant 0 : i32
    %dma_start3A_12 = arith.constant 0 : i32
    %dma_start3A_13 = arith.constant 0 : i32
    %dma_start3A_14 = arith.constant 0 : i32
    %dma_start3A_15 = tpu.memref_slice %arg6[%dma_start3A, %dma_start3A_12, %dma_start3A_14] : memref<3x16x1024xf32, #tpu.memory_space<vmem>> -> memref<1x1x1024xf32, #tpu.memory_space<vmem>>
    %dma_start3A_16 = tpu.memref_squeeze %dma_start3A_15 : memref<1x1x1024xf32, #tpu.memory_space<vmem>> -> memref<1024xf32, #tpu.memory_space<vmem>>
    %dma_start3A_17 = tpu.memref_slice %arg7[%mul3A_11] : memref<1024000xf32, #tpu.memory_space<vmem_shared>> -> memref<1024xf32, #tpu.memory_space<vmem_shared>>
    %dma_start3A_18 = tpu.memref_slice %arg8[%dma_start3A_13] : memref<3x!tpu.dma_semaphore, #tpu.memory_space<semaphore_mem>> -> memref<1x!tpu.dma_semaphore, #tpu.memory_space<semaphore_mem>>
    %dma_start3A_19 = tpu.memref_squeeze %dma_start3A_18 : memref<1x!tpu.dma_semaphore, #tpu.memory_space<semaphore_mem>> -> memref<!tpu.dma_semaphore, #tpu.memory_space<semaphore_mem>>
    %dma_start3A_20 = arith.constant 0 : i32
    %dma_start3A_21 = tpu.memref_slice %arg6[%dma_start3A, %dma_start3A_12, %dma_start3A_20] : memref<3x16x1024xf32, #tpu.memory_space<vmem>> -> memref<1x1x1024xf32, #tpu.memory_space<vmem>>
    %dma_start3A_22 = tpu.memref_squeeze %dma_start3A_21 : memref<1x1x1024xf32, #tpu.memory_space<vmem>> -> memref<1024xf32, #tpu.memory_space<vmem>>
    %dma_start3A_23 = tpu.memref_slice %arg7[%mul3A_11] : memref<1024000xf32, #tpu.memory_space<vmem_shared>> -> memref<1024xf32, #tpu.memory_space<vmem_shared>>
    tpu.enqueue_dma source(%dma_start3A_23 : memref<1024xf32, #tpu.memory_space<vmem_shared>>) target(%dma_start3A_22 : memref<1024xf32, #tpu.memory_space<vmem>>) target_semaphore(%dma_start3A_19 : memref<!tpu.dma_semaphore, #tpu.memory_space<semaphore_mem>>)
    %slice3A_24 = vector.extract_strided_slice %get3A_9 {offsets = [1], sizes = [1], strides = [1]} : vector<16xi32> to vector<1xi32>
    %squeeze3A_25 = vector.extract %slice3A_24[0] : i32 from vector<1xi32>
    %mul3A_26 = arith.constant 1024 : i32
    %mul3A_27 = arith.muli %squeeze3A_25, %mul3A_26 : i32
    %dma_start3A_28 = arith.constant 0 : i32
    %dma_start3A_29 = arith.constant 1 : i32
    %dma_start3A_30 = arith.constant 0 : i32
    %dma_start3A_31 = arith.constant 0 : i32
    %dma_start3A_32 = tpu.memref_slice %arg6[%dma_start3A_28, %dma_start3A_29, %dma_start3A_31] : memref<3x16x1024xf32, #tpu.memory_space<vmem>> -> memref<1x1x1024xf32, #tpu.memory_space<vmem>>
    %dma_start3A_33 = tpu.memref_squeeze %dma_start3A_32 : memref<1x1x1024xf32, #tpu.memory_space<vmem>> -> memref<1024xf32, #tpu.memory_space<vmem>>
    %dma_start3A_34 = tpu.memref_slice %arg7[%mul3A_27] : memref<1024000xf32, #tpu.memory_space<vmem_shared>> -> memref<1024xf32, #tpu.memory_space<vmem_shared>>
    %dma_start3A_35 = tpu.memref_slice %arg8[%dma_start3A_30] : memref<3x!tpu.dma_semaphore, #tpu.memory_space<semaphore_mem>> -> memref<1x!tpu.dma_semaphore, #tpu.memory_space<semaphore_mem>>
    %dma_start3A_36 = tpu.memref_squeeze %dma_start3A_35 : memref<1x!tpu.dma_semaphore, #tpu.memory_space<semaphore_mem>> -> memref<!tpu.dma_semaphore, #tpu.memory_space<semaphore_mem>>
    %dma_start3A_37 = arith.constant 0 : i32
    %dma_start3A_38 = tpu.memref_slice %arg6[%dma_start3A_28, %dma_start3A_29, %dma_start3A_37] : memref<3x16x1024xf32, #tpu.memory_space<vmem>> -> memref<1x1x1024xf32, #tpu.memory_space<vmem>>
    %dma_start3A_39 = tpu.memref_squeeze %dma_start3A_38 : memref<1x1x1024xf32, #tpu.memory_space<vmem>> -> memref<1024xf32, #tpu.memory_space<vmem>>
    %dma_start3A_40 = tpu.memref_slice %arg7[%mul3A_27] : memref<1024000xf32, #tpu.memory_space<vmem_shared>> -> memref<1024xf32, #tpu.memory_space<vmem_shared>>
    tpu.enqueue_dma source(%dma_start3A_40 : memref<1024xf32, #tpu.memory_space<vmem_shared>>) target(%dma_start3A_39 : memref<1024xf32, #tpu.memory_space<vmem>>) target_semaphore(%dma_start3A_36 : memref<!tpu.dma_semaphore, #tpu.memory_space<semaphore_mem>>)
    %slice3A_41 = vector.extract_strided_slice %get3A_9 {offsets = [2], sizes = [1], strides = [1]} : vector<16xi32> to vector<1xi32>
    %squeeze3A_42 = vector.extract %slice3A_41[0] : i32 from vector<1xi32>
    %mul3A_43 = arith.constant 1024 : i32
    %mul3A_44 = arith.muli %squeeze3A_42, %mul3A_43 : i32
    %dma_start3A_45 = arith.constant 0 : i32
    %dma_start3A_46 = arith.constant 2 : i32
    %dma_start3A_47 = arith.constant 0 : i32
    %dma_start3A_48 = arith.constant 0 : i32
    %dma_start3A_49 = tpu.memref_slice %arg6[%dma_start3A_45, %dma_start3A_46, %dma_start3A_48] : memref<3x16x1024xf32, #tpu.memory_space<vmem>> -> memref<1x1x1024xf32, #tpu.memory_space<vmem>>
    %dma_start3A_50 = tpu.memref_squeeze %dma_start3A_49 : memref<1x1x1024xf32, #tpu.memory_space<vmem>> -> memref<1024xf32, #tpu.memory_space<vmem>>
    %dma_start3A_51 = tpu.memref_slice %arg7[%mul3A_44] : memref<1024000xf32, #tpu.memory_space<vmem_shared>> -> memref<1024xf32, #tpu.memory_space<vmem_shared>>
    %dma_start3A_52 = tpu.memref_slice %arg8[%dma_start3A_47] : memref<3x!tpu.dma_semaphore, #tpu.memory_space<semaphore_mem>> -> memref<1x!tpu.dma_semaphore, #tpu.memory_space<semaphore_mem>>
    %dma_start3A_53 = tpu.memref_squeeze %dma_start3A_52 : memref<1x!tpu.dma_semaphore, #tpu.memory_space<semaphore_mem>> -> memref<!tpu.dma_semaphore, #tpu.memory_space<semaphore_mem>>
    %dma_start3A_54 = arith.constant 0 : i32
    %dma_start3A_55 = tpu.memref_slice %arg6[%dma_start3A_45, %dma_start3A_46, %dma_start3A_54] : memref<3x16x1024xf32, #tpu.memory_space<vmem>> -> memref<1x1x1024xf32, #tpu.memory_space<vmem>>
    %dma_start3A_56 = tpu.memref_squeeze %dma_start3A_55 : memref<1x1x1024xf32, #tpu.memory_space<vmem>> -> memref<1024xf32, #tpu.memory_space<vmem>>
    %dma_start3A_57 = tpu.memref_slice %arg7[%mul3A_44] : memref<1024000xf32, #tpu.memory_space<vmem_shared>> -> memref<1024xf32, #tpu.memory_space<vmem_shared>>
    tpu.enqueue_dma source(%dma_start3A_57 : memref<1024xf32, #tpu.memory_space<vmem_shared>>) target(%dma_start3A_56 : memref<1024xf32, #tpu.memory_space<vmem>>) target_semaphore(%dma_start3A_53 : memref<!tpu.dma_semaphore, #tpu.memory_space<semaphore_mem>>)
    %slice3A_58 = vector.extract_strided_slice %get3A_9 {offsets = [3], sizes = [1], strides = [1]} : vector<16xi32> to vector<1xi32>
    %squeeze3A_59 = vector.extract %slice3A_58[0] : i32 from vector<1xi32>
    %mul3A_60 = arith.constant 1024 : i32
    %mul3A_61 = arith.muli %squeeze3A_59, %mul3A_60 : i32
    %dma_start3A_62 = arith.constant 0 : i32
    %dma_start3A_63 = arith.constant 3 : i32
    %dma_start3A_64 = arith.constant 0 : i32
    %dma_start3A_65 = arith.constant 0 : i32
    %dma_start3A_66 = tpu.memref_slice %arg6[%dma_start3A_62, %dma_start3A_63, %dma_start3A_65] : memref<3x16x1024xf32, #tpu.memory_space<vmem>> -> memref<1x1x1024xf32, #tpu.memory_space<vmem>>
    %dma_start3A_67 = tpu.memref_squeeze %dma_start3A_66 : memref<1x1x1024xf32, #tpu.memory_space<vmem>> -> memref<1024xf32, #tpu.memory_space<vmem>>
    %dma_start3A_68 = tpu.memref_slice %arg7[%mul3A_61] : memref<1024000xf32, #tpu.memory_space<vmem_shared>> -> memref<1024xf32, #tpu.memory_space<vmem_shared>>
    %dma_start3A_69 = tpu.memref_slice %arg8[%dma_start3A_64] : memref<3x!tpu.dma_semaphore, #tpu.memory_space<semaphore_mem>> -> memref<1x!tpu.dma_semaphore, #tpu.memory_space<semaphore_mem>>
    %dma_start3A_70 = tpu.memref_squeeze %dma_start3A_69 : memref<1x!tpu.dma_semaphore, #tpu.memory_space<semaphore_mem>> -> memref<!tpu.dma_semaphore, #tpu.memory_space<semaphore_mem>>
    %dma_start3A_71 = arith.constant 0 : i32
    %dma_start3A_72 = tpu.memref_slice %arg6[%dma_start3A_62, %dma_start3A_63, %dma_start3A_71] : memref<3x16x1024xf32, #tpu.memory_space<vmem>> -> memref<1x1x1024xf32, #tpu.memory_space<vmem>>
    %dma_start3A_73 = tpu.memref_squeeze %dma_start3A_72 : memref<1x1x1024xf32, #tpu.memory_space<vmem>> -> memref<1024xf32, #tpu.memory_space<vmem>>
    %dma_start3A_74 = tpu.memref_slice %arg7[%mul3A_61] : memref<1024000xf32, #tpu.memory_space<vmem_shared>> -> memref<1024xf32, #tpu.memory_space<vmem_shared>>
    tpu.enqueue_dma source(%dma_start3A_74 : memref<1024xf32, #tpu.memory_space<vmem_shared>>) target(%dma_start3A_73 : memref<1024xf32, #tpu.memory_space<vmem>>) target_semaphore(%dma_start3A_70 : memref<!tpu.dma_semaphore, #tpu.memory_space<semaphore_mem>>)
    %slice3A_75 = vector.extract_strided_slice %get3A_9 {offsets = [4], sizes = [1], strides = [1]} : vector<16xi32> to vector<1xi32>
    %squeeze3A_76 = vector.extract %slice3A_75[0] : i32 from vector<1xi32>
    %mul3A_77 = arith.constant 1024 : i32
    %mul3A_78 = arith.muli %squeeze3A_76, %mul3A_77 : i32
    %dma_start3A_79 = arith.constant 0 : i32
    %dma_start3A_80 = arith.constant 4 : i32
    %dma_start3A_81 = arith.constant 0 : i32
    %dma_start3A_82 = arith.constant 0 : i32
    %dma_start3A_83 = tpu.memref_slice %arg6[%dma_start3A_79, %dma_start3A_80, %dma_start3A_82] : memref<3x16x1024xf32, #tpu.memory_space<vmem>> -> memref<1x1x1024xf32, #tpu.memory_space<vmem>>
    %dma_start3A_84 = tpu.memref_squeeze %dma_start3A_83 : memref<1x1x1024xf32, #tpu.memory_space<vmem>> -> memref<1024xf32, #tpu.memory_space<vmem>>
    %dma_start3A_85 = tpu.memref_slice %arg7[%mul3A_78] : memref<1024000xf32, #tpu.memory_space<vmem_shared>> -> memref<1024xf32, #tpu.memory_space<vmem_shared>>
    %dma_start3A_86 = tpu.memref_slice %arg8[%dma_start3A_81] : memref<3x!tpu.dma_semaphore, #tpu.memory_space<semaphore_mem>> -> memref<1x!tpu.dma_semaphore, #tpu.memory_space<semaphore_mem>>
    %dma_start3A_87 = tpu.memref_squeeze %dma_start3A_86 : memref<1x!tpu.dma_semaphore, #tpu.memory_space<semaphore_mem>> -> memref<!tpu.dma_semaphore, #tpu.memory_space<semaphore_mem>>
    %dma_start3A_88 = arith.constant 0 : i32
    %dma_start3A_89 = tpu.memref_slice %arg6[%dma_start3A_79, %dma_start3A_80, %dma_start3A_88] : memref<3x16x1024xf32, #tpu.memory_space<vmem>> -> memref<1x1x1024xf32, #tpu.memory_space<vmem>>
    %dma_start3A_90 = tpu.memref_squeeze %dma_start3A_89 : memref<1x1x1024xf32, #tpu.memory_space<vmem>> -> memref<1024xf32, #tpu.memory_space<vmem>>
    %dma_start3A_91 = tpu.memref_slice %arg7[%mul3A_78] : memref<1024000xf32, #tpu.memory_space<vmem_shared>> -> memref<1024xf32, #tpu.memory_space<vmem_shared>>
    tpu.enqueue_dma source(%dma_start3A_91 : memref<1024xf32, #tpu.memory_space<vmem_shared>>) target(%dma_start3A_90 : memref<1024xf32, #tpu.memory_space<vmem>>) target_semaphore(%dma_start3A_87 : memref<!tpu.dma_semaphore, #tpu.memory_space<semaphore_mem>>)
    %slice3A_92 = vector.extract_strided_slice %get3A_9 {offsets = [5], sizes = [1], strides = [1]} : vector<16xi32> to vector<1xi32>
    %squeeze3A_93 = vector.extract %slice3A_92[0] : i32 from vector<1xi32>
    %mul3A_94 = arith.constant 1024 : i32
    %mul3A_95 = arith.muli %squeeze3A_93, %mul3A_94 : i32
    %dma_start3A_96 = arith.constant 0 : i32
    %dma_start3A_97 = arith.constant 5 : i32
    %dma_start3A_98 = arith.constant 0 : i32
    %dma_start3A_99 = arith.constant 0 : i32
    %dma_start3A_100 = tpu.memref_slice %arg6[%dma_start3A_96, %dma_start3A_97, %dma_start3A_99] : memref<3x16x1024xf32, #tpu.memory_space<vmem>> -> memref<1x1x1024xf32, #tpu.memory_space<vmem>>
    %dma_start3A_101 = tpu.memref_squeeze %dma_start3A_100 : memref<1x1x1024xf32, #tpu.memory_space<vmem>> -> memref<1024xf32, #tpu.memory_space<vmem>>
    %dma_start3A_102 = tpu.memref_slice %arg7[%mul3A_95] : memref<1024000xf32, #tpu.memory_space<vmem_shared>> -> memref<1024xf32, #tpu.memory_space<vmem_shared>>
    %dma_start3A_103 = tpu.memref_slice %arg8[%dma_start3A_98] : memref<3x!tpu.dma_semaphore, #tpu.memory_space<semaphore_mem>> -> memref<1x!tpu.dma_semaphore, #tpu.memory_space<semaphore_mem>>
    %dma_start3A_104 = tpu.memref_squeeze %dma_start3A_103 : memref<1x!tpu.dma_semaphore, #tpu.memory_space<semaphore_mem>> -> memref<!tpu.dma_semaphore, #tpu.memory_space<semaphore_mem>>
    %dma_start3A_105 = arith.constant 0 : i32
    %dma_start3A_106 = tpu.memref_slice %arg6[%dma_start3A_96, %dma_start3A_97, %dma_start3A_105] : memref<3x16x1024xf32, #tpu.memory_space<vmem>> -> memref<1x1x1024xf32, #tpu.memory_space<vmem>>
    %dma_start3A_107 = tpu.memref_squeeze %dma_start3A_106 : memref<1x1x1024xf32, #tpu.memory_space<vmem>> -> memref<1024xf32, #tpu.memory_space<vmem>>
    %dma_start3A_108 = tpu.memref_slice %arg7[%mul3A_95] : memref<1024000xf32, #tpu.memory_space<vmem_shared>> -> memref<1024xf32, #tpu.memory_space<vmem_shared>>
    tpu.enqueue_dma source(%dma_start3A_108 : memref<1024xf32, #tpu.memory_space<vmem_shared>>) target(%dma_start3A_107 : memref<1024xf32, #tpu.memory_space<vmem>>) target_semaphore(%dma_start3A_104 : memref<!tpu.dma_semaphore, #tpu.memory_space<semaphore_mem>>)
    %slice3A_109 = vector.extract_strided_slice %get3A_9 {offsets = [6], sizes = [1], strides = [1]} : vector<16xi32> to vector<1xi32>
    %squeeze3A_110 = vector.extract %slice3A_109[0] : i32 from vector<1xi32>
    %mul3A_111 = arith.constant 1024 : i32
    %mul3A_112 = arith.muli %squeeze3A_110, %mul3A_111 : i32
    %dma_start3A_113 = arith.constant 0 : i32
    %dma_start3A_114 = arith.constant 6 : i32
    %dma_start3A_115 = arith.constant 0 : i32
    %dma_start3A_116 = arith.constant 0 : i32
    %dma_start3A_117 = tpu.memref_slice %arg6[%dma_start3A_113, %dma_start3A_114, %dma_start3A_116] : memref<3x16x1024xf32, #tpu.memory_space<vmem>> -> memref<1x1x1024xf32, #tpu.memory_space<vmem>>
    %dma_start3A_118 = tpu.memref_squeeze %dma_start3A_117 : memref<1x1x1024xf32, #tpu.memory_space<vmem>> -> memref<1024xf32, #tpu.memory_space<vmem>>
    %dma_start3A_119 = tpu.memref_slice %arg7[%mul3A_112] : memref<1024000xf32, #tpu.memory_space<vmem_shared>> -> memref<1024xf32, #tpu.memory_space<vmem_shared>>
    %dma_start3A_120 = tpu.memref_slice %arg8[%dma_start3A_115] : memref<3x!tpu.dma_semaphore, #tpu.memory_space<semaphore_mem>> -> memref<1x!tpu.dma_semaphore, #tpu.memory_space<semaphore_mem>>
    %dma_start3A_121 = tpu.memref_squeeze %dma_start3A_120 : memref<1x!tpu.dma_semaphore, #tpu.memory_space<semaphore_mem>> -> memref<!tpu.dma_semaphore, #tpu.memory_space<semaphore_mem>>
    %dma_start3A_122 = arith.constant 0 : i32
    %dma_start3A_123 = tpu.memref_slice %arg6[%dma_start3A_113, %dma_start3A_114, %dma_start3A_122] : memref<3x16x1024xf32, #tpu.memory_space<vmem>> -> memref<1x1x1024xf32, #tpu.memory_space<vmem>>
    %dma_start3A_124 = tpu.memref_squeeze %dma_start3A_123 : memref<1x1x1024xf32, #tpu.memory_space<vmem>> -> memref<1024xf32, #tpu.memory_space<vmem>>
    %dma_start3A_125 = tpu.memref_slice %arg7[%mul3A_112] : memref<1024000xf32, #tpu.memory_space<vmem_shared>> -> memref<1024xf32, #tpu.memory_space<vmem_shared>>
    tpu.enqueue_dma source(%dma_start3A_125 : memref<1024xf32, #tpu.memory_space<vmem_shared>>) target(%dma_start3A_124 : memref<1024xf32, #tpu.memory_space<vmem>>) target_semaphore(%dma_start3A_121 : memref<!tpu.dma_semaphore, #tpu.memory_space<semaphore_mem>>)
    %slice3A_126 = vector.extract_strided_slice %get3A_9 {offsets = [7], sizes = [1], strides = [1]} : vector<16xi32> to vector<1xi32>
    %squeeze3A_127 = vector.extract %slice3A_126[0] : i32 from vector<1xi32>
    %mul3A_128 = arith.constant 1024 : i32
    %mul3A_129 = arith.muli %squeeze3A_127, %mul3A_128 : i32
    %dma_start3A_130 = arith.constant 0 : i32
    %dma_start3A_131 = arith.constant 7 : i32
    %dma_start3A_132 = arith.constant 0 : i32
    %dma_start3A_133 = arith.constant 0 : i32
    %dma_start3A_134 = tpu.memref_slice %arg6[%dma_start3A_130, %dma_start3A_131, %dma_start3A_133] : memref<3x16x1024xf32, #tpu.memory_space<vmem>> -> memref<1x1x1024xf32, #tpu.memory_space<vmem>>
    %dma_start3A_135 = tpu.memref_squeeze %dma_start3A_134 : memref<1x1x1024xf32, #tpu.memory_space<vmem>> -> memref<1024xf32, #tpu.memory_space<vmem>>
    %dma_start3A_136 = tpu.memref_slice %arg7[%mul3A_129] : memref<1024000xf32, #tpu.memory_space<vmem_shared>> -> memref<1024xf32, #tpu.memory_space<vmem_shared>>
    %dma_start3A_137 = tpu.memref_slice %arg8[%dma_start3A_132] : memref<3x!tpu.dma_semaphore, #tpu.memory_space<semaphore_mem>> -> memref<1x!tpu.dma_semaphore, #tpu.memory_space<semaphore_mem>>
    %dma_start3A_138 = tpu.memref_squeeze %dma_start3A_137 : memref<1x!tpu.dma_semaphore, #tpu.memory_space<semaphore_mem>> -> memref<!tpu.dma_semaphore, #tpu.memory_space<semaphore_mem>>
    %dma_start3A_139 = arith.constant 0 : i32
    %dma_start3A_140 = tpu.memref_slice %arg6[%dma_start3A_130, %dma_start3A_131, %dma_start3A_139] : memref<3x16x1024xf32, #tpu.memory_space<vmem>> -> memref<1x1x1024xf32, #tpu.memory_space<vmem>>
    %dma_start3A_141 = tpu.memref_squeeze %dma_start3A_140 : memref<1x1x1024xf32, #tpu.memory_space<vmem>> -> memref<1024xf32, #tpu.memory_space<vmem>>
    %dma_start3A_142 = tpu.memref_slice %arg7[%mul3A_129] : memref<1024000xf32, #tpu.memory_space<vmem_shared>> -> memref<1024xf32, #tpu.memory_space<vmem_shared>>
    tpu.enqueue_dma source(%dma_start3A_142 : memref<1024xf32, #tpu.memory_space<vmem_shared>>) target(%dma_start3A_141 : memref<1024xf32, #tpu.memory_space<vmem>>) target_semaphore(%dma_start3A_138 : memref<!tpu.dma_semaphore, #tpu.memory_space<semaphore_mem>>)
    %slice3A_143 = vector.extract_strided_slice %get3A_9 {offsets = [8], sizes = [1], strides = [1]} : vector<16xi32> to vector<1xi32>
    %squeeze3A_144 = vector.extract %slice3A_143[0] : i32 from vector<1xi32>
    %mul3A_145 = arith.constant 1024 : i32
    %mul3A_146 = arith.muli %squeeze3A_144, %mul3A_145 : i32
    %dma_start3A_147 = arith.constant 0 : i32
    %dma_start3A_148 = arith.constant 8 : i32
    %dma_start3A_149 = arith.constant 0 : i32
    %dma_start3A_150 = arith.constant 0 : i32
    %dma_start3A_151 = tpu.memref_slice %arg6[%dma_start3A_147, %dma_start3A_148, %dma_start3A_150] : memref<3x16x1024xf32, #tpu.memory_space<vmem>> -> memref<1x1x1024xf32, #tpu.memory_space<vmem>>
    %dma_start3A_152 = tpu.memref_squeeze %dma_start3A_151 : memref<1x1x1024xf32, #tpu.memory_space<vmem>> -> memref<1024xf32, #tpu.memory_space<vmem>>
    %dma_start3A_153 = tpu.memref_slice %arg7[%mul3A_146] : memref<1024000xf32, #tpu.memory_space<vmem_shared>> -> memref<1024xf32, #tpu.memory_space<vmem_shared>>
    %dma_start3A_154 = tpu.memref_slice %arg8[%dma_start3A_149] : memref<3x!tpu.dma_semaphore, #tpu.memory_space<semaphore_mem>> -> memref<1x!tpu.dma_semaphore, #tpu.memory_space<semaphore_mem>>
    %dma_start3A_155 = tpu.memref_squeeze %dma_start3A_154 : memref<1x!tpu.dma_semaphore, #tpu.memory_space<semaphore_mem>> -> memref<!tpu.dma_semaphore, #tpu.memory_space<semaphore_mem>>
    %dma_start3A_156 = arith.constant 0 : i32
    %dma_start3A_157 = tpu.memref_slice %arg6[%dma_start3A_147, %dma_start3A_148, %dma_start3A_156] : memref<3x16x1024xf32, #tpu.memory_space<vmem>> -> memref<1x1x1024xf32, #tpu.memory_space<vmem>>
    %dma_start3A_158 = tpu.memref_squeeze %dma_start3A_157 : memref<1x1x1024xf32, #tpu.memory_space<vmem>> -> memref<1024xf32, #tpu.memory_space<vmem>>
    %dma_start3A_159 = tpu.memref_slice %arg7[%mul3A_146] : memref<1024000xf32, #tpu.memory_space<vmem_shared>> -> memref<1024xf32, #tpu.memory_space<vmem_shared>>
    tpu.enqueue_dma source(%dma_start3A_159 : memref<1024xf32, #tpu.memory_space<vmem_shared>>) target(%dma_start3A_158 : memref<1024xf32, #tpu.memory_space<vmem>>) target_semaphore(%dma_start3A_155 : memref<!tpu.dma_semaphore, #tpu.memory_space<semaphore_mem>>)
    %slice3A_160 = vector.extract_strided_slice %get3A_9 {offsets = [9], sizes = [1], strides = [1]} : vector<16xi32> to vector<1xi32>
    %squeeze3A_161 = vector.extract %slice3A_160[0] : i32 from vector<1xi32>
    %mul3A_162 = arith.constant 1024 : i32
    %mul3A_163 = arith.muli %squeeze3A_161, %mul3A_162 : i32
    %dma_start3A_164 = arith.constant 0 : i32
    %dma_start3A_165 = arith.constant 9 : i32
    %dma_start3A_166 = arith.constant 0 : i32
    %dma_start3A_167 = arith.constant 0 : i32
    %dma_start3A_168 = tpu.memref_slice %arg6[%dma_start3A_164, %dma_start3A_165, %dma_start3A_167] : memref<3x16x1024xf32, #tpu.memory_space<vmem>> -> memref<1x1x1024xf32, #tpu.memory_space<vmem>>
    %dma_start3A_169 = tpu.memref_squeeze %dma_start3A_168 : memref<1x1x1024xf32, #tpu.memory_space<vmem>> -> memref<1024xf32, #tpu.memory_space<vmem>>
    %dma_start3A_170 = tpu.memref_slice %arg7[%mul3A_163] : memref<1024000xf32, #tpu.memory_space<vmem_shared>> -> memref<1024xf32, #tpu.memory_space<vmem_shared>>
    %dma_start3A_171 = tpu.memref_slice %arg8[%dma_start3A_166] : memref<3x!tpu.dma_semaphore, #tpu.memory_space<semaphore_mem>> -> memref<1x!tpu.dma_semaphore, #tpu.memory_space<semaphore_mem>>
    %dma_start3A_172 = tpu.memref_squeeze %dma_start3A_171 : memref<1x!tpu.dma_semaphore, #tpu.memory_space<semaphore_mem>> -> memref<!tpu.dma_semaphore, #tpu.memory_space<semaphore_mem>>
    %dma_start3A_173 = arith.constant 0 : i32
    %dma_start3A_174 = tpu.memref_slice %arg6[%dma_start3A_164, %dma_start3A_165, %dma_start3A_173] : memref<3x16x1024xf32, #tpu.memory_space<vmem>> -> memref<1x1x1024xf32, #tpu.memory_space<vmem>>
    %dma_start3A_175 = tpu.memref_squeeze %dma_start3A_174 : memref<1x1x1024xf32, #tpu.memory_space<vmem>> -> memref<1024xf32, #tpu.memory_space<vmem>>
    %dma_start3A_176 = tpu.memref_slice %arg7[%mul3A_163] : memref<1024000xf32, #tpu.memory_space<vmem_shared>> -> memref<1024xf32, #tpu.memory_space<vmem_shared>>
    tpu.enqueue_dma source(%dma_start3A_176 : memref<1024xf32, #tpu.memory_space<vmem_shared>>) target(%dma_start3A_175 : memref<1024xf32, #tpu.memory_space<vmem>>) target_semaphore(%dma_start3A_172 : memref<!tpu.dma_semaphore, #tpu.memory_space<semaphore_mem>>)
    %slice3A_177 = vector.extract_strided_slice %get3A_9 {offsets = [10], sizes = [1], strides = [1]} : vector<16xi32> to vector<1xi32>
    %squeeze3A_178 = vector.extract %slice3A_177[0] : i32 from vector<1xi32>
    %mul3A_179 = arith.constant 1024 : i32
    %mul3A_180 = arith.muli %squeeze3A_178, %mul3A_179 : i32
    %dma_start3A_181 = arith.constant 0 : i32
    %dma_start3A_182 = arith.constant 10 : i32
    %dma_start3A_183 = arith.constant 0 : i32
    %dma_start3A_184 = arith.constant 0 : i32
    %dma_start3A_185 = tpu.memref_slice %arg6[%dma_start3A_181, %dma_start3A_182, %dma_start3A_184] : memref<3x16x1024xf32, #tpu.memory_space<vmem>> -> memref<1x1x1024xf32, #tpu.memory_space<vmem>>
    %dma_start3A_186 = tpu.memref_squeeze %dma_start3A_185 : memref<1x1x1024xf32, #tpu.memory_space<vmem>> -> memref<1024xf32, #tpu.memory_space<vmem>>
    %dma_start3A_187 = tpu.memref_slice %arg7[%mul3A_180] : memref<1024000xf32, #tpu.memory_space<vmem_shared>> -> memref<1024xf32, #tpu.memory_space<vmem_shared>>
    %dma_start3A_188 = tpu.memref_slice %arg8[%dma_start3A_183] : memref<3x!tpu.dma_semaphore, #tpu.memory_space<semaphore_mem>> -> memref<1x!tpu.dma_semaphore, #tpu.memory_space<semaphore_mem>>
    %dma_start3A_189 = tpu.memref_squeeze %dma_start3A_188 : memref<1x!tpu.dma_semaphore, #tpu.memory_space<semaphore_mem>> -> memref<!tpu.dma_semaphore, #tpu.memory_space<semaphore_mem>>
    %dma_start3A_190 = arith.constant 0 : i32
    %dma_start3A_191 = tpu.memref_slice %arg6[%dma_start3A_181, %dma_start3A_182, %dma_start3A_190] : memref<3x16x1024xf32, #tpu.memory_space<vmem>> -> memref<1x1x1024xf32, #tpu.memory_space<vmem>>
    %dma_start3A_192 = tpu.memref_squeeze %dma_start3A_191 : memref<1x1x1024xf32, #tpu.memory_space<vmem>> -> memref<1024xf32, #tpu.memory_space<vmem>>
    %dma_start3A_193 = tpu.memref_slice %arg7[%mul3A_180] : memref<1024000xf32, #tpu.memory_space<vmem_shared>> -> memref<1024xf32, #tpu.memory_space<vmem_shared>>
    tpu.enqueue_dma source(%dma_start3A_193 : memref<1024xf32, #tpu.memory_space<vmem_shared>>) target(%dma_start3A_192 : memref<1024xf32, #tpu.memory_space<vmem>>) target_semaphore(%dma_start3A_189 : memref<!tpu.dma_semaphore, #tpu.memory_space<semaphore_mem>>)
    %slice3A_194 = vector.extract_strided_slice %get3A_9 {offsets = [11], sizes = [1], strides = [1]} : vector<16xi32> to vector<1xi32>
    %squeeze3A_195 = vector.extract %slice3A_194[0] : i32 from vector<1xi32>
    %mul3A_196 = arith.constant 1024 : i32
    %mul3A_197 = arith.muli %squeeze3A_195, %mul3A_196 : i32
    %dma_start3A_198 = arith.constant 0 : i32
    %dma_start3A_199 = arith.constant 11 : i32
    %dma_start3A_200 = arith.constant 0 : i32
    %dma_start3A_201 = arith.constant 0 : i32
    %dma_start3A_202 = tpu.memref_slice %arg6[%dma_start3A_198, %dma_start3A_199, %dma_start3A_201] : memref<3x16x1024xf32, #tpu.memory_space<vmem>> -> memref<1x1x1024xf32, #tpu.memory_space<vmem>>
    %dma_start3A_203 = tpu.memref_squeeze %dma_start3A_202 : memref<1x1x1024xf32, #tpu.memory_space<vmem>> -> memref<1024xf32, #tpu.memory_space<vmem>>
    %dma_start3A_204 = tpu.memref_slice %arg7[%mul3A_197] : memref<1024000xf32, #tpu.memory_space<vmem_shared>> -> memref<1024xf32, #tpu.memory_space<vmem_shared>>
    %dma_start3A_205 = tpu.memref_slice %arg8[%dma_start3A_200] : memref<3x!tpu.dma_semaphore, #tpu.memory_space<semaphore_mem>> -> memref<1x!tpu.dma_semaphore, #tpu.memory_space<semaphore_mem>>
    %dma_start3A_206 = tpu.memref_squeeze %dma_start3A_205 : memref<1x!tpu.dma_semaphore, #tpu.memory_space<semaphore_mem>> -> memref<!tpu.dma_semaphore, #tpu.memory_space<semaphore_mem>>
    %dma_start3A_207 = arith.constant 0 : i32
    %dma_start3A_208 = tpu.memref_slice %arg6[%dma_start3A_198, %dma_start3A_199, %dma_start3A_207] : memref<3x16x1024xf32, #tpu.memory_space<vmem>> -> memref<1x1x1024xf32, #tpu.memory_space<vmem>>
    %dma_start3A_209 = tpu.memref_squeeze %dma_start3A_208 : memref<1x1x1024xf32, #tpu.memory_space<vmem>> -> memref<1024xf32, #tpu.memory_space<vmem>>
    %dma_start3A_210 = tpu.memref_slice %arg7[%mul3A_197] : memref<1024000xf32, #tpu.memory_space<vmem_shared>> -> memref<1024xf32, #tpu.memory_space<vmem_shared>>
    tpu.enqueue_dma source(%dma_start3A_210 : memref<1024xf32, #tpu.memory_space<vmem_shared>>) target(%dma_start3A_209 : memref<1024xf32, #tpu.memory_space<vmem>>) target_semaphore(%dma_start3A_206 : memref<!tpu.dma_semaphore, #tpu.memory_space<semaphore_mem>>)
    %slice3A_211 = vector.extract_strided_slice %get3A_9 {offsets = [12], sizes = [1], strides = [1]} : vector<16xi32> to vector<1xi32>
    %squeeze3A_212 = vector.extract %slice3A_211[0] : i32 from vector<1xi32>
    %mul3A_213 = arith.constant 1024 : i32
    %mul3A_214 = arith.muli %squeeze3A_212, %mul3A_213 : i32
    %dma_start3A_215 = arith.constant 0 : i32
    %dma_start3A_216 = arith.constant 12 : i32
    %dma_start3A_217 = arith.constant 0 : i32
    %dma_start3A_218 = arith.constant 0 : i32
    %dma_start3A_219 = tpu.memref_slice %arg6[%dma_start3A_215, %dma_start3A_216, %dma_start3A_218] : memref<3x16x1024xf32, #tpu.memory_space<vmem>> -> memref<1x1x1024xf32, #tpu.memory_space<vmem>>
    %dma_start3A_220 = tpu.memref_squeeze %dma_start3A_219 : memref<1x1x1024xf32, #tpu.memory_space<vmem>> -> memref<1024xf32, #tpu.memory_space<vmem>>
    %dma_start3A_221 = tpu.memref_slice %arg7[%mul3A_214] : memref<1024000xf32, #tpu.memory_space<vmem_shared>> -> memref<1024xf32, #tpu.memory_space<vmem_shared>>
    %dma_start3A_222 = tpu.memref_slice %arg8[%dma_start3A_217] : memref<3x!tpu.dma_semaphore, #tpu.memory_space<semaphore_mem>> -> memref<1x!tpu.dma_semaphore, #tpu.memory_space<semaphore_mem>>
    %dma_start3A_223 = tpu.memref_squeeze %dma_start3A_222 : memref<1x!tpu.dma_semaphore, #tpu.memory_space<semaphore_mem>> -> memref<!tpu.dma_semaphore, #tpu.memory_space<semaphore_mem>>
    %dma_start3A_224 = arith.constant 0 : i32
    %dma_start3A_225 = tpu.memref_slice %arg6[%dma_start3A_215, %dma_start3A_216, %dma_start3A_224] : memref<3x16x1024xf32, #tpu.memory_space<vmem>> -> memref<1x1x1024xf32, #tpu.memory_space<vmem>>
    %dma_start3A_226 = tpu.memref_squeeze %dma_start3A_225 : memref<1x1x1024xf32, #tpu.memory_space<vmem>> -> memref<1024xf32, #tpu.memory_space<vmem>>
    %dma_start3A_227 = tpu.memref_slice %arg7[%mul3A_214] : memref<1024000xf32, #tpu.memory_space<vmem_shared>> -> memref<1024xf32, #tpu.memory_space<vmem_shared>>
    tpu.enqueue_dma source(%dma_start3A_227 : memref<1024xf32, #tpu.memory_space<vmem_shared>>) target(%dma_start3A_226 : memref<1024xf32, #tpu.memory_space<vmem>>) target_semaphore(%dma_start3A_223 : memref<!tpu.dma_semaphore, #tpu.memory_space<semaphore_mem>>)
    %slice3A_228 = vector.extract_strided_slice %get3A_9 {offsets = [13], sizes = [1], strides = [1]} : vector<16xi32> to vector<1xi32>
    %squeeze3A_229 = vector.extract %slice3A_228[0] : i32 from vector<1xi32>
    %mul3A_230 = arith.constant 1024 : i32
    %mul3A_231 = arith.muli %squeeze3A_229, %mul3A_230 : i32
    %dma_start3A_232 = arith.constant 0 : i32
    %dma_start3A_233 = arith.constant 13 : i32
    %dma_start3A_234 = arith.constant 0 : i32
    %dma_start3A_235 = arith.constant 0 : i32
    %dma_start3A_236 = tpu.memref_slice %arg6[%dma_start3A_232, %dma_start3A_233, %dma_start3A_235] : memref<3x16x1024xf32, #tpu.memory_space<vmem>> -> memref<1x1x1024xf32, #tpu.memory_space<vmem>>
    %dma_start3A_237 = tpu.memref_squeeze %dma_start3A_236 : memref<1x1x1024xf32, #tpu.memory_space<vmem>> -> memref<1024xf32, #tpu.memory_space<vmem>>
    %dma_start3A_238 = tpu.memref_slice %arg7[%mul3A_231] : memref<1024000xf32, #tpu.memory_space<vmem_shared>> -> memref<1024xf32, #tpu.memory_space<vmem_shared>>
    %dma_start3A_239 = tpu.memref_slice %arg8[%dma_start3A_234] : memref<3x!tpu.dma_semaphore, #tpu.memory_space<semaphore_mem>> -> memref<1x!tpu.dma_semaphore, #tpu.memory_space<semaphore_mem>>
    %dma_start3A_240 = tpu.memref_squeeze %dma_start3A_239 : memref<1x!tpu.dma_semaphore, #tpu.memory_space<semaphore_mem>> -> memref<!tpu.dma_semaphore, #tpu.memory_space<semaphore_mem>>
    %dma_start3A_241 = arith.constant 0 : i32
    %dma_start3A_242 = tpu.memref_slice %arg6[%dma_start3A_232, %dma_start3A_233, %dma_start3A_241] : memref<3x16x1024xf32, #tpu.memory_space<vmem>> -> memref<1x1x1024xf32, #tpu.memory_space<vmem>>
    %dma_start3A_243 = tpu.memref_squeeze %dma_start3A_242 : memref<1x1x1024xf32, #tpu.memory_space<vmem>> -> memref<1024xf32, #tpu.memory_space<vmem>>
    %dma_start3A_244 = tpu.memref_slice %arg7[%mul3A_231] : memref<1024000xf32, #tpu.memory_space<vmem_shared>> -> memref<1024xf32, #tpu.memory_space<vmem_shared>>
    tpu.enqueue_dma source(%dma_start3A_244 : memref<1024xf32, #tpu.memory_space<vmem_shared>>) target(%dma_start3A_243 : memref<1024xf32, #tpu.memory_space<vmem>>) target_semaphore(%dma_start3A_240 : memref<!tpu.dma_semaphore, #tpu.memory_space<semaphore_mem>>)
    %slice3A_245 = vector.extract_strided_slice %get3A_9 {offsets = [14], sizes = [1], strides = [1]} : vector<16xi32> to vector<1xi32>
    %squeeze3A_246 = vector.extract %slice3A_245[0] : i32 from vector<1xi32>
    %mul3A_247 = arith.constant 1024 : i32
    %mul3A_248 = arith.muli %squeeze3A_246, %mul3A_247 : i32
    %dma_start3A_249 = arith.constant 0 : i32
    %dma_start3A_250 = arith.constant 14 : i32
    %dma_start3A_251 = arith.constant 0 : i32
    %dma_start3A_252 = arith.constant 0 : i32
    %dma_start3A_253 = tpu.memref_slice %arg6[%dma_start3A_249, %dma_start3A_250, %dma_start3A_252] : memref<3x16x1024xf32, #tpu.memory_space<vmem>> -> memref<1x1x1024xf32, #tpu.memory_space<vmem>>
    %dma_start3A_254 = tpu.memref_squeeze %dma_start3A_253 : memref<1x1x1024xf32, #tpu.memory_space<vmem>> -> memref<1024xf32, #tpu.memory_space<vmem>>
    %dma_start3A_255 = tpu.memref_slice %arg7[%mul3A_248] : memref<1024000xf32, #tpu.memory_space<vmem_shared>> -> memref<1024xf32, #tpu.memory_space<vmem_shared>>
    %dma_start3A_256 = tpu.memref_slice %arg8[%dma_start3A_251] : memref<3x!tpu.dma_semaphore, #tpu.memory_space<semaphore_mem>> -> memref<1x!tpu.dma_semaphore, #tpu.memory_space<semaphore_mem>>
    %dma_start3A_257 = tpu.memref_squeeze %dma_start3A_256 : memref<1x!tpu.dma_semaphore, #tpu.memory_space<semaphore_mem>> -> memref<!tpu.dma_semaphore, #tpu.memory_space<semaphore_mem>>
    %dma_start3A_258 = arith.constant 0 : i32
    %dma_start3A_259 = tpu.memref_slice %arg6[%dma_start3A_249, %dma_start3A_250, %dma_start3A_258] : memref<3x16x1024xf32, #tpu.memory_space<vmem>> -> memref<1x1x1024xf32, #tpu.memory_space<vmem>>
    %dma_start3A_260 = tpu.memref_squeeze %dma_start3A_259 : memref<1x1x1024xf32, #tpu.memory_space<vmem>> -> memref<1024xf32, #tpu.memory_space<vmem>>
    %dma_start3A_261 = tpu.memref_slice %arg7[%mul3A_248] : memref<1024000xf32, #tpu.memory_space<vmem_shared>> -> memref<1024xf32, #tpu.memory_space<vmem_shared>>
    tpu.enqueue_dma source(%dma_start3A_261 : memref<1024xf32, #tpu.memory_space<vmem_shared>>) target(%dma_start3A_260 : memref<1024xf32, #tpu.memory_space<vmem>>) target_semaphore(%dma_start3A_257 : memref<!tpu.dma_semaphore, #tpu.memory_space<semaphore_mem>>)
    %slice3A_262 = vector.extract_strided_slice %get3A_9 {offsets = [15], sizes = [1], strides = [1]} : vector<16xi32> to vector<1xi32>
    %squeeze3A_263 = vector.extract %slice3A_262[0] : i32 from vector<1xi32>
    %mul3A_264 = arith.constant 1024 : i32
    %mul3A_265 = arith.muli %squeeze3A_263, %mul3A_264 : i32
    %dma_start3A_266 = arith.constant 0 : i32
    %dma_start3A_267 = arith.constant 15 : i32
    %dma_start3A_268 = arith.constant 0 : i32
    %dma_start3A_269 = arith.constant 0 : i32
    %dma_start3A_270 = tpu.memref_slice %arg6[%dma_start3A_266, %dma_start3A_267, %dma_start3A_269] : memref<3x16x1024xf32, #tpu.memory_space<vmem>> -> memref<1x1x1024xf32, #tpu.memory_space<vmem>>
    %dma_start3A_271 = tpu.memref_squeeze %dma_start3A_270 : memref<1x1x1024xf32, #tpu.memory_space<vmem>> -> memref<1024xf32, #tpu.memory_space<vmem>>
    %dma_start3A_272 = tpu.memref_slice %arg7[%mul3A_265] : memref<1024000xf32, #tpu.memory_space<vmem_shared>> -> memref<1024xf32, #tpu.memory_space<vmem_shared>>
    %dma_start3A_273 = tpu.memref_slice %arg8[%dma_start3A_268] : memref<3x!tpu.dma_semaphore, #tpu.memory_space<semaphore_mem>> -> memref<1x!tpu.dma_semaphore, #tpu.memory_space<semaphore_mem>>
    %dma_start3A_274 = tpu.memref_squeeze %dma_start3A_273 : memref<1x!tpu.dma_semaphore, #tpu.memory_space<semaphore_mem>> -> memref<!tpu.dma_semaphore, #tpu.memory_space<semaphore_mem>>
    %dma_start3A_275 = arith.constant 0 : i32
    %dma_start3A_276 = tpu.memref_slice %arg6[%dma_start3A_266, %dma_start3A_267, %dma_start3A_275] : memref<3x16x1024xf32, #tpu.memory_space<vmem>> -> memref<1x1x1024xf32, #tpu.memory_space<vmem>>
    %dma_start3A_277 = tpu.memref_squeeze %dma_start3A_276 : memref<1x1x1024xf32, #tpu.memory_space<vmem>> -> memref<1024xf32, #tpu.memory_space<vmem>>
    %dma_start3A_278 = tpu.memref_slice %arg7[%mul3A_265] : memref<1024000xf32, #tpu.memory_space<vmem_shared>> -> memref<1024xf32, #tpu.memory_space<vmem_shared>>
    tpu.enqueue_dma source(%dma_start3A_278 : memref<1024xf32, #tpu.memory_space<vmem_shared>>) target(%dma_start3A_277 : memref<1024xf32, #tpu.memory_space<vmem>>) target_semaphore(%dma_start3A_274 : memref<!tpu.dma_semaphore, #tpu.memory_space<semaphore_mem>>)
    %get3A_279 = arith.constant 16 : index
    %get3A_280 = tpu.vector_load %arg5[%get3A_279] {strides = array<i32>} : memref<512xi32, #tpu.memory_space<vmem>>, vector<16xi32>,
    %get3A_281 = vector.shape_cast %get3A_280 : vector<16xi32> to vector<16xi32>
    %slice3A_282 = vector.extract_strided_slice %get3A_281 {offsets = [0], sizes = [1], strides = [1]} : vector<16xi32> to vector<1xi32>
    %squeeze3A_283 = vector.extract %slice3A_282[0] : i32 from vector<1xi32>
    %mul3A_284 = arith.constant 1024 : i32
    %mul3A_285 = arith.muli %squeeze3A_283, %mul3A_284 : i32
    %dma_start3A_286 = arith.constant 1 : i32
    %dma_start3A_287 = arith.constant 0 : i32
    %dma_start3A_288 = arith.constant 1 : i32
    %dma_start3A_289 = arith.constant 0 : i32
    %dma_start3A_290 = tpu.memref_slice %arg6[%dma_start3A_286, %dma_start3A_287, %dma_start3A_289] : memref<3x16x1024xf32, #tpu.memory_space<vmem>> -> memref<1x1x1024xf32, #tpu.memory_space<vmem>>
    %dma_start3A_291 = tpu.memref_squeeze %dma_start3A_290 : memref<1x1x1024xf32, #tpu.memory_space<vmem>> -> memref<1024xf32, #tpu.memory_space<vmem>>
    %dma_start3A_292 = tpu.memref_slice %arg7[%mul3A_285] : memref<1024000xf32, #tpu.memory_space<vmem_shared>> -> memref<1024xf32, #tpu.memory_space<vmem_shared>>
    %dma_start3A_293 = tpu.memref_slice %arg8[%dma_start3A_288] : memref<3x!tpu.dma_semaphore, #tpu.memory_space<semaphore_mem>> -> memref<1x!tpu.dma_semaphore, #tpu.memory_space<semaphore_mem>>
    %dma_start3A_294 = tpu.memref_squeeze %dma_start3A_293 : memref<1x!tpu.dma_semaphore, #tpu.memory_space<semaphore_mem>> -> memref<!tpu.dma_semaphore, #tpu.memory_space<semaphore_mem>>
    %dma_start3A_295 = arith.constant 0 : i32
    %dma_start3A_296 = tpu.memref_slice %arg6[%dma_start3A_286, %dma_start3A_287, %dma_start3A_295] : memref<3x16x1024xf32, #tpu.memory_space<vmem>> -> memref<1x1x1024xf32, #tpu.memory_space<vmem>>
    %dma_start3A_297 = tpu.memref_squeeze %dma_start3A_296 : memref<1x1x1024xf32, #tpu.memory_space<vmem>> -> memref<1024xf32, #tpu.memory_space<vmem>>
    %dma_start3A_298 = tpu.memref_slice %arg7[%mul3A_285] : memref<1024000xf32, #tpu.memory_space<vmem_shared>> -> memref<1024xf32, #tpu.memory_space<vmem_shared>>
    tpu.enqueue_dma source(%dma_start3A_298 : memref<1024xf32, #tpu.memory_space<vmem_shared>>) target(%dma_start3A_297 : memref<1024xf32, #tpu.memory_space<vmem>>) target_semaphore(%dma_start3A_294 : memref<!tpu.dma_semaphore, #tpu.memory_space<semaphore_mem>>)
    %slice3A_299 = vector.extract_strided_slice %get3A_281 {offsets = [1], sizes = [1], strides = [1]} : vector<16xi32> to vector<1xi32>
    %squeeze3A_300 = vector.extract %slice3A_299[0] : i32 from vector<1xi32>
    %mul3A_301 = arith.constant 1024 : i32
    %mul3A_302 = arith.muli %squeeze3A_300, %mul3A_301 : i32
    %dma_start3A_303 = arith.constant 1 : i32
    %dma_start3A_304 = arith.constant 1 : i32
    %dma_start3A_305 = arith.constant 1 : i32
    %dma_start3A_306 = arith.constant 0 : i32
    %dma_start3A_307 = tpu.memref_slice %arg6[%dma_start3A_303, %dma_start3A_304, %dma_start3A_306] : memref<3x16x1024xf32, #tpu.memory_space<vmem>> -> memref<1x1x1024xf32, #tpu.memory_space<vmem>>
    %dma_start3A_308 = tpu.memref_squeeze %dma_start3A_307 : memref<1x1x1024xf32, #tpu.memory_space<vmem>> -> memref<1024xf32, #tpu.memory_space<vmem>>
    %dma_start3A_309 = tpu.memref_slice %arg7[%mul3A_302] : memref<1024000xf32, #tpu.memory_space<vmem_shared>> -> memref<1024xf32, #tpu.memory_space<vmem_shared>>
    %dma_start3A_310 = tpu.memref_slice %arg8[%dma_start3A_305] : memref<3x!tpu.dma_semaphore, #tpu.memory_space<semaphore_mem>> -> memref<1x!tpu.dma_semaphore, #tpu.memory_space<semaphore_mem>>
    %dma_start3A_311 = tpu.memref_squeeze %dma_start3A_310 : memref<1x!tpu.dma_semaphore, #tpu.memory_space<semaphore_mem>> -> memref<!tpu.dma_semaphore, #tpu.memory_space<semaphore_mem>>
    %dma_start3A_312 = arith.constant 0 : i32
    %dma_start3A_313 = tpu.memref_slice %arg6[%dma_start3A_303, %dma_start3A_304, %dma_start3A_312] : memref<3x16x1024xf32, #tpu.memory_space<vmem>> -> memref<1x1x1024xf32, #tpu.memory_space<vmem>>
    %dma_start3A_314 = tpu.memref_squeeze %dma_start3A_313 : memref<1x1x1024xf32, #tpu.memory_space<vmem>> -> memref<1024xf32, #tpu.memory_space<vmem>>
    %dma_start3A_315 = tpu.memref_slice %arg7[%mul3A_302] : memref<1024000xf32, #tpu.memory_space<vmem_shared>> -> memref<1024xf32, #tpu.memory_space<vmem_shared>>
    tpu.enqueue_dma source(%dma_start3A_315 : memref<1024xf32, #tpu.memory_space<vmem_shared>>) target(%dma_start3A_314 : memref<1024xf32, #tpu.memory_space<vmem>>) target_semaphore(%dma_start3A_311 : memref<!tpu.dma_semaphore, #tpu.memory_space<semaphore_mem>>)
    %slice3A_316 = vector.extract_strided_slice %get3A_281 {offsets = [2], sizes = [1], strides = [1]} : vector<16xi32> to vector<1xi32>
    %squeeze3A_317 = vector.extract %slice3A_316[0] : i32 from vector<1xi32>
    %mul3A_318 = arith.constant 1024 : i32
    %mul3A_319 = arith.muli %squeeze3A_317, %mul3A_318 : i32
    %dma_start3A_320 = arith.constant 1 : i32
    %dma_start3A_321 = arith.constant 2 : i32
    %dma_start3A_322 = arith.constant 1 : i32
    %dma_start3A_323 = arith.constant 0 : i32
    %dma_start3A_324 = tpu.memref_slice %arg6[%dma_start3A_320, %dma_start3A_321, %dma_start3A_323] : memref<3x16x1024xf32, #tpu.memory_space<vmem>> -> memref<1x1x1024xf32, #tpu.memory_space<vmem>>
    %dma_start3A_325 = tpu.memref_squeeze %dma_start3A_324 : memref<1x1x1024xf32, #tpu.memory_space<vmem>> -> memref<1024xf32, #tpu.memory_space<vmem>>
    %dma_start3A_326 = tpu.memref_slice %arg7[%mul3A_319] : memref<1024000xf32, #tpu.memory_space<vmem_shared>> -> memref<1024xf32, #tpu.memory_space<vmem_shared>>
    %dma_start3A_327 = tpu.memref_slice %arg8[%dma_start3A_322] : memref<3x!tpu.dma_semaphore, #tpu.memory_space<semaphore_mem>> -> memref<1x!tpu.dma_semaphore, #tpu.memory_space<semaphore_mem>>
    %dma_start3A_328 = tpu.memref_squeeze %dma_start3A_327 : memref<1x!tpu.dma_semaphore, #tpu.memory_space<semaphore_mem>> -> memref<!tpu.dma_semaphore, #tpu.memory_space<semaphore_mem>>
    %dma_start3A_329 = arith.constant 0 : i32
    %dma_start3A_330 = tpu.memref_slice %arg6[%dma_start3A_320, %dma_start3A_321, %dma_start3A_329] : memref<3x16x1024xf32, #tpu.memory_space<vmem>> -> memref<1x1x1024xf32, #tpu.memory_space<vmem>>
    %dma_start3A_331 = tpu.memref_squeeze %dma_start3A_330 : memref<1x1x1024xf32, #tpu.memory_space<vmem>> -> memref<1024xf32, #tpu.memory_space<vmem>>
    %dma_start3A_332 = tpu.memref_slice %arg7[%mul3A_319] : memref<1024000xf32, #tpu.memory_space<vmem_shared>> -> memref<1024xf32, #tpu.memory_space<vmem_shared>>
    tpu.enqueue_dma source(%dma_start3A_332 : memref<1024xf32, #tpu.memory_space<vmem_shared>>) target(%dma_start3A_331 : memref<1024xf32, #tpu.memory_space<vmem>>) target_semaphore(%dma_start3A_328 : memref<!tpu.dma_semaphore, #tpu.memory_space<semaphore_mem>>)
    %slice3A_333 = vector.extract_strided_slice %get3A_281 {offsets = [3], sizes = [1], strides = [1]} : vector<16xi32> to vector<1xi32>
    %squeeze3A_334 = vector.extract %slice3A_333[0] : i32 from vector<1xi32>
    %mul3A_335 = arith.constant 1024 : i32
    %mul3A_336 = arith.muli %squeeze3A_334, %mul3A_335 : i32
    %dma_start3A_337 = arith.constant 1 : i32
    %dma_start3A_338 = arith.constant 3 : i32
    %dma_start3A_339 = arith.constant 1 : i32
    %dma_start3A_340 = arith.constant 0 : i32
    %dma_start3A_341 = tpu.memref_slice %arg6[%dma_start3A_337, %dma_start3A_338, %dma_start3A_340] : memref<3x16x1024xf32, #tpu.memory_space<vmem>> -> memref<1x1x1024xf32, #tpu.memory_space<vmem>>
    %dma_start3A_342 = tpu.memref_squeeze %dma_start3A_341 : memref<1x1x1024xf32, #tpu.memory_space<vmem>> -> memref<1024xf32, #tpu.memory_space<vmem>>
    %dma_start3A_343 = tpu.memref_slice %arg7[%mul3A_336] : memref<1024000xf32, #tpu.memory_space<vmem_shared>> -> memref<1024xf32, #tpu.memory_space<vmem_shared>>
    %dma_start3A_344 = tpu.memref_slice %arg8[%dma_start3A_339] : memref<3x!tpu.dma_semaphore, #tpu.memory_space<semaphore_mem>> -> memref<1x!tpu.dma_semaphore, #tpu.memory_space<semaphore_mem>>
    %dma_start3A_345 = tpu.memref_squeeze %dma_start3A_344 : memref<1x!tpu.dma_semaphore, #tpu.memory_space<semaphore_mem>> -> memref<!tpu.dma_semaphore, #tpu.memory_space<semaphore_mem>>
    %dma_start3A_346 = arith.constant 0 : i32
    %dma_start3A_347 = tpu.memref_slice %arg6[%dma_start3A_337, %dma_start3A_338, %dma_start3A_346] : memref<3x16x1024xf32, #tpu.memory_space<vmem>> -> memref<1x1x1024xf32, #tpu.memory_space<vmem>>
    %dma_start3A_348 = tpu.memref_squeeze %dma_start3A_347 : memref<1x1x1024xf32, #tpu.memory_space<vmem>> -> memref<1024xf32, #tpu.memory_space<vmem>>
    %dma_start3A_349 = tpu.memref_slice %arg7[%mul3A_336] : memref<1024000xf32, #tpu.memory_space<vmem_shared>> -> memref<1024xf32, #tpu.memory_space<vmem_shared>>
    tpu.enqueue_dma source(%dma_start3A_349 : memref<1024xf32, #tpu.memory_space<vmem_shared>>) target(%dma_start3A_348 : memref<1024xf32, #tpu.memory_space<vmem>>) target_semaphore(%dma_start3A_345 : memref<!tpu.dma_semaphore, #tpu.memory_space<semaphore_mem>>)
    %slice3A_350 = vector.extract_strided_slice %get3A_281 {offsets = [4], sizes = [1], strides = [1]} : vector<16xi32> to vector<1xi32>
    %squeeze3A_351 = vector.extract %slice3A_350[0] : i32 from vector<1xi32>
    %mul3A_352 = arith.constant 1024 : i32
    %mul3A_353 = arith.muli %squeeze3A_351, %mul3A_352 : i32
    %dma_start3A_354 = arith.constant 1 : i32
    %dma_start3A_355 = arith.constant 4 : i32
    %dma_start3A_356 = arith.constant 1 : i32
    %dma_start3A_357 = arith.constant 0 : i32
    %dma_start3A_358 = tpu.memref_slice %arg6[%dma_start3A_354, %dma_start3A_355, %dma_start3A_357] : memref<3x16x1024xf32, #tpu.memory_space<vmem>> -> memref<1x1x1024xf32, #tpu.memory_space<vmem>>
    %dma_start3A_359 = tpu.memref_squeeze %dma_start3A_358 : memref<1x1x1024xf32, #tpu.memory_space<vmem>> -> memref<1024xf32, #tpu.memory_space<vmem>>
    %dma_start3A_360 = tpu.memref_slice %arg7[%mul3A_353] : memref<1024000xf32, #tpu.memory_space<vmem_shared>> -> memref<1024xf32, #tpu.memory_space<vmem_shared>>
    %dma_start3A_361 = tpu.memref_slice %arg8[%dma_start3A_356] : memref<3x!tpu.dma_semaphore, #tpu.memory_space<semaphore_mem>> -> memref<1x!tpu.dma_semaphore, #tpu.memory_space<semaphore_mem>>
    %dma_start3A_362 = tpu.memref_squeeze %dma_start3A_361 : memref<1x!tpu.dma_semaphore, #tpu.memory_space<semaphore_mem>> -> memref<!tpu.dma_semaphore, #tpu.memory_space<semaphore_mem>>
    %dma_start3A_363 = arith.constant 0 : i32
    %dma_start3A_364 = tpu.memref_slice %arg6[%dma_start3A_354, %dma_start3A_355, %dma_start3A_363] : memref<3x16x1024xf32, #tpu.memory_space<vmem>> -> memref<1x1x1024xf32, #tpu.memory_space<vmem>>
    %dma_start3A_365 = tpu.memref_squeeze %dma_start3A_364 : memref<1x1x1024xf32, #tpu.memory_space<vmem>> -> memref<1024xf32, #tpu.memory_space<vmem>>
    %dma_start3A_366 = tpu.memref_slice %arg7[%mul3A_353] : memref<1024000xf32, #tpu.memory_space<vmem_shared>> -> memref<1024xf32, #tpu.memory_space<vmem_shared>>
    tpu.enqueue_dma source(%dma_start3A_366 : memref<1024xf32, #tpu.memory_space<vmem_shared>>) target(%dma_start3A_365 : memref<1024xf32, #tpu.memory_space<vmem>>) target_semaphore(%dma_start3A_362 : memref<!tpu.dma_semaphore, #tpu.memory_space<semaphore_mem>>)
    %slice3A_367 = vector.extract_strided_slice %get3A_281 {offsets = [5], sizes = [1], strides = [1]} : vector<16xi32> to vector<1xi32>
    %squeeze3A_368 = vector.extract %slice3A_367[0] : i32 from vector<1xi32>
    %mul3A_369 = arith.constant 1024 : i32
    %mul3A_370 = arith.muli %squeeze3A_368, %mul3A_369 : i32
    %dma_start3A_371 = arith.constant 1 : i32
    %dma_start3A_372 = arith.constant 5 : i32
    %dma_start3A_373 = arith.constant 1 : i32
    %dma_start3A_374 = arith.constant 0 : i32
    %dma_start3A_375 = tpu.memref_slice %arg6[%dma_start3A_371, %dma_start3A_372, %dma_start3A_374] : memref<3x16x1024xf32, #tpu.memory_space<vmem>> -> memref<1x1x1024xf32, #tpu.memory_space<vmem>>
    %dma_start3A_376 = tpu.memref_squeeze %dma_start3A_375 : memref<1x1x1024xf32, #tpu.memory_space<vmem>> -> memref<1024xf32, #tpu.memory_space<vmem>>
    %dma_start3A_377 = tpu.memref_slice %arg7[%mul3A_370] : memref<1024000xf32, #tpu.memory_space<vmem_shared>> -> memref<1024xf32, #tpu.memory_space<vmem_shared>>
    %dma_start3A_378 = tpu.memref_slice %arg8[%dma_start3A_373] : memref<3x!tpu.dma_semaphore, #tpu.memory_space<semaphore_mem>> -> memref<1x!tpu.dma_semaphore, #tpu.memory_space<semaphore_mem>>
    %dma_start3A_379 = tpu.memref_squeeze %dma_start3A_378 : memref<1x!tpu.dma_semaphore, #tpu.memory_space<semaphore_mem>> -> memref<!tpu.dma_semaphore, #tpu.memory_space<semaphore_mem>>
    %dma_start3A_380 = arith.constant 0 : i32
    %dma_start3A_381 = tpu.memref_slice %arg6[%dma_start3A_371, %dma_start3A_372, %dma_start3A_380] : memref<3x16x1024xf32, #tpu.memory_space<vmem>> -> memref<1x1x1024xf32, #tpu.memory_space<vmem>>
    %dma_start3A_382 = tpu.memref_squeeze %dma_start3A_381 : memref<1x1x1024xf32, #tpu.memory_space<vmem>> -> memref<1024xf32, #tpu.memory_space<vmem>>
    %dma_start3A_383 = tpu.memref_slice %arg7[%mul3A_370] : memref<1024000xf32, #tpu.memory_space<vmem_shared>> -> memref<1024xf32, #tpu.memory_space<vmem_shared>>
    tpu.enqueue_dma source(%dma_start3A_383 : memref<1024xf32, #tpu.memory_space<vmem_shared>>) target(%dma_start3A_382 : memref<1024xf32, #tpu.memory_space<vmem>>) target_semaphore(%dma_start3A_379 : memref<!tpu.dma_semaphore, #tpu.memory_space<semaphore_mem>>)
    %slice3A_384 = vector.extract_strided_slice %get3A_281 {offsets = [6], sizes = [1], strides = [1]} : vector<16xi32> to vector<1xi32>
    %squeeze3A_385 = vector.extract %slice3A_384[0] : i32 from vector<1xi32>
    %mul3A_386 = arith.constant 1024 : i32
    %mul3A_387 = arith.muli %squeeze3A_385, %mul3A_386 : i32
    %dma_start3A_388 = arith.constant 1 : i32
    %dma_start3A_389 = arith.constant 6 : i32
    %dma_start3A_390 = arith.constant 1 : i32
    %dma_start3A_391 = arith.constant 0 : i32
    %dma_start3A_392 = tpu.memref_slice %arg6[%dma_start3A_388, %dma_start3A_389, %dma_start3A_391] : memref<3x16x1024xf32, #tpu.memory_space<vmem>> -> memref<1x1x1024xf32, #tpu.memory_space<vmem>>
    %dma_start3A_393 = tpu.memref_squeeze %dma_start3A_392 : memref<1x1x1024xf32, #tpu.memory_space<vmem>> -> memref<1024xf32, #tpu.memory_space<vmem>>
    %dma_start3A_394 = tpu.memref_slice %arg7[%mul3A_387] : memref<1024000xf32, #tpu.memory_space<vmem_shared>> -> memref<1024xf32, #tpu.memory_space<vmem_shared>>
    %dma_start3A_395 = tpu.memref_slice %arg8[%dma_start3A_390] : memref<3x!tpu.dma_semaphore, #tpu.memory_space<semaphore_mem>> -> memref<1x!tpu.dma_semaphore, #tpu.memory_space<semaphore_mem>>
    %dma_start3A_396 = tpu.memref_squeeze %dma_start3A_395 : memref<1x!tpu.dma_semaphore, #tpu.memory_space<semaphore_mem>> -> memref<!tpu.dma_semaphore, #tpu.memory_space<semaphore_mem>>
    %dma_start3A_397 = arith.constant 0 : i32
    %dma_start3A_398 = tpu.memref_slice %arg6[%dma_start3A_388, %dma_start3A_389, %dma_start3A_397] : memref<3x16x1024xf32, #tpu.memory_space<vmem>> -> memref<1x1x1024xf32, #tpu.memory_space<vmem>>
    %dma_start3A_399 = tpu.memref_squeeze %dma_start3A_398 : memref<1x1x1024xf32, #tpu.memory_space<vmem>> -> memref<1024xf32, #tpu.memory_space<vmem>>
    %dma_start3A_400 = tpu.memref_slice %arg7[%mul3A_387] : memref<1024000xf32, #tpu.memory_space<vmem_shared>> -> memref<1024xf32, #tpu.memory_space<vmem_shared>>
    tpu.enqueue_dma source(%dma_start3A_400 : memref<1024xf32, #tpu.memory_space<vmem_shared>>) target(%dma_start3A_399 : memref<1024xf32, #tpu.memory_space<vmem>>) target_semaphore(%dma_start3A_396 : memref<!tpu.dma_semaphore, #tpu.memory_space<semaphore_mem>>)
    %slice3A_401 = vector.extract_strided_slice %get3A_281 {offsets = [7], sizes = [1], strides = [1]} : vector<16xi32> to vector<1xi32>
    %squeeze3A_402 = vector.extract %slice3A_401[0] : i32 from vector<1xi32>
    %mul3A_403 = arith.constant 1024 : i32
    %mul3A_404 = arith.muli %squeeze3A_402, %mul3A_403 : i32
    %dma_start3A_405 = arith.constant 1 : i32
    %dma_start3A_406 = arith.constant 7 : i32
    %dma_start3A_407 = arith.constant 1 : i32
    %dma_start3A_408 = arith.constant 0 : i32
    %dma_start3A_409 = tpu.memref_slice %arg6[%dma_start3A_405, %dma_start3A_406, %dma_start3A_408] : memref<3x16x1024xf32, #tpu.memory_space<vmem>> -> memref<1x1x1024xf32, #tpu.memory_space<vmem>>
    %dma_start3A_410 = tpu.memref_squeeze %dma_start3A_409 : memref<1x1x1024xf32, #tpu.memory_space<vmem>> -> memref<1024xf32, #tpu.memory_space<vmem>>
    %dma_start3A_411 = tpu.memref_slice %arg7[%mul3A_404] : memref<1024000xf32, #tpu.memory_space<vmem_shared>> -> memref<1024xf32, #tpu.memory_space<vmem_shared>>
    %dma_start3A_412 = tpu.memref_slice %arg8[%dma_start3A_407] : memref<3x!tpu.dma_semaphore, #tpu.memory_space<semaphore_mem>> -> memref<1x!tpu.dma_semaphore, #tpu.memory_space<semaphore_mem>>
    %dma_start3A_413 = tpu.memref_squeeze %dma_start3A_412 : memref<1x!tpu.dma_semaphore, #tpu.memory_space<semaphore_mem>> -> memref<!tpu.dma_semaphore, #tpu.memory_space<semaphore_mem>>
    %dma_start3A_414 = arith.constant 0 : i32
    %dma_start3A_415 = tpu.memref_slice %arg6[%dma_start3A_405, %dma_start3A_406, %dma_start3A_414] : memref<3x16x1024xf32, #tpu.memory_space<vmem>> -> memref<1x1x1024xf32, #tpu.memory_space<vmem>>
    %dma_start3A_416 = tpu.memref_squeeze %dma_start3A_415 : memref<1x1x1024xf32, #tpu.memory_space<vmem>> -> memref<1024xf32, #tpu.memory_space<vmem>>
    %dma_start3A_417 = tpu.memref_slice %arg7[%mul3A_404] : memref<1024000xf32, #tpu.memory_space<vmem_shared>> -> memref<1024xf32, #tpu.memory_space<vmem_shared>>
    tpu.enqueue_dma source(%dma_start3A_417 : memref<1024xf32, #tpu.memory_space<vmem_shared>>) target(%dma_start3A_416 : memref<1024xf32, #tpu.memory_space<vmem>>) target_semaphore(%dma_start3A_413 : memref<!tpu.dma_semaphore, #tpu.memory_space<semaphore_mem>>)
    %slice3A_418 = vector.extract_strided_slice %get3A_281 {offsets = [8], sizes = [1], strides = [1]} : vector<16xi32> to vector<1xi32>
    %squeeze3A_419 = vector.extract %slice3A_418[0] : i32 from vector<1xi32>
    %mul3A_420 = arith.constant 1024 : i32
    %mul3A_421 = arith.muli %squeeze3A_419, %mul3A_420 : i32
    %dma_start3A_422 = arith.constant 1 : i32
    %dma_start3A_423 = arith.constant 8 : i32
    %dma_start3A_424 = arith.constant 1 : i32
    %dma_start3A_425 = arith.constant 0 : i32
    %dma_start3A_426 = tpu.memref_slice %arg6[%dma_start3A_422, %dma_start3A_423, %dma_start3A_425] : memref<3x16x1024xf32, #tpu.memory_space<vmem>> -> memref<1x1x1024xf32, #tpu.memory_space<vmem>>
    %dma_start3A_427 = tpu.memref_squeeze %dma_start3A_426 : memref<1x1x1024xf32, #tpu.memory_space<vmem>> -> memref<1024xf32, #tpu.memory_space<vmem>>
    %dma_start3A_428 = tpu.memref_slice %arg7[%mul3A_421] : memref<1024000xf32, #tpu.memory_space<vmem_shared>> -> memref<1024xf32, #tpu.memory_space<vmem_shared>>
    %dma_start3A_429 = tpu.memref_slice %arg8[%dma_start3A_424] : memref<3x!tpu.dma_semaphore, #tpu.memory_space<semaphore_mem>> -> memref<1x!tpu.dma_semaphore, #tpu.memory_space<semaphore_mem>>
    %dma_start3A_430 = tpu.memref_squeeze %dma_start3A_429 : memref<1x!tpu.dma_semaphore, #tpu.memory_space<semaphore_mem>> -> memref<!tpu.dma_semaphore, #tpu.memory_space<semaphore_mem>>
    %dma_start3A_431 = arith.constant 0 : i32
    %dma_start3A_432 = tpu.memref_slice %arg6[%dma_start3A_422, %dma_start3A_423, %dma_start3A_431] : memref<3x16x1024xf32, #tpu.memory_space<vmem>> -> memref<1x1x1024xf32, #tpu.memory_space<vmem>>
    %dma_start3A_433 = tpu.memref_squeeze %dma_start3A_432 : memref<1x1x1024xf32, #tpu.memory_space<vmem>> -> memref<1024xf32, #tpu.memory_space<vmem>>
    %dma_start3A_434 = tpu.memref_slice %arg7[%mul3A_421] : memref<1024000xf32, #tpu.memory_space<vmem_shared>> -> memref<1024xf32, #tpu.memory_space<vmem_shared>>
    tpu.enqueue_dma source(%dma_start3A_434 : memref<1024xf32, #tpu.memory_space<vmem_shared>>) target(%dma_start3A_433 : memref<1024xf32, #tpu.memory_space<vmem>>) target_semaphore(%dma_start3A_430 : memref<!tpu.dma_semaphore, #tpu.memory_space<semaphore_mem>>)
    %slice3A_435 = vector.extract_strided_slice %get3A_281 {offsets = [9], sizes = [1], strides = [1]} : vector<16xi32> to vector<1xi32>
    %squeeze3A_436 = vector.extract %slice3A_435[0] : i32 from vector<1xi32>
    %mul3A_437 = arith.constant 1024 : i32
    %mul3A_438 = arith.muli %squeeze3A_436, %mul3A_437 : i32
    %dma_start3A_439 = arith.constant 1 : i32
    %dma_start3A_440 = arith.constant 9 : i32
    %dma_start3A_441 = arith.constant 1 : i32
    %dma_start3A_442 = arith.constant 0 : i32
    %dma_start3A_443 = tpu.memref_slice %arg6[%dma_start3A_439, %dma_start3A_440, %dma_start3A_442] : memref<3x16x1024xf32, #tpu.memory_space<vmem>> -> memref<1x1x1024xf32, #tpu.memory_space<vmem>>
    %dma_start3A_444 = tpu.memref_squeeze %dma_start3A_443 : memref<1x1x1024xf32, #tpu.memory_space<vmem>> -> memref<1024xf32, #tpu.memory_space<vmem>>
    %dma_start3A_445 = tpu.memref_slice %arg7[%mul3A_438] : memref<1024000xf32, #tpu.memory_space<vmem_shared>> -> memref<1024xf32, #tpu.memory_space<vmem_shared>>
    %dma_start3A_446 = tpu.memref_slice %arg8[%dma_start3A_441] : memref<3x!tpu.dma_semaphore, #tpu.memory_space<semaphore_mem>> -> memref<1x!tpu.dma_semaphore, #tpu.memory_space<semaphore_mem>>
    %dma_start3A_447 = tpu.memref_squeeze %dma_start3A_446 : memref<1x!tpu.dma_semaphore, #tpu.memory_space<semaphore_mem>> -> memref<!tpu.dma_semaphore, #tpu.memory_space<semaphore_mem>>
    %dma_start3A_448 = arith.constant 0 : i32
    %dma_start3A_449 = tpu.memref_slice %arg6[%dma_start3A_439, %dma_start3A_440, %dma_start3A_448] : memref<3x16x1024xf32, #tpu.memory_space<vmem>> -> memref<1x1x1024xf32, #tpu.memory_space<vmem>>
    %dma_start3A_450 = tpu.memref_squeeze %dma_start3A_449 : memref<1x1x1024xf32, #tpu.memory_space<vmem>> -> memref<1024xf32, #tpu.memory_space<vmem>>
    %dma_start3A_451 = tpu.memref_slice %arg7[%mul3A_438] : memref<1024000xf32, #tpu.memory_space<vmem_shared>> -> memref<1024xf32, #tpu.memory_space<vmem_shared>>
    tpu.enqueue_dma source(%dma_start3A_451 : memref<1024xf32, #tpu.memory_space<vmem_shared>>) target(%dma_start3A_450 : memref<1024xf32, #tpu.memory_space<vmem>>) target_semaphore(%dma_start3A_447 : memref<!tpu.dma_semaphore, #tpu.memory_space<semaphore_mem>>)
    %slice3A_452 = vector.extract_strided_slice %get3A_281 {offsets = [10], sizes = [1], strides = [1]} : vector<16xi32> to vector<1xi32>
    %squeeze3A_453 = vector.extract %slice3A_452[0] : i32 from vector<1xi32>
    %mul3A_454 = arith.constant 1024 : i32
    %mul3A_455 = arith.muli %squeeze3A_453, %mul3A_454 : i32
    %dma_start3A_456 = arith.constant 1 : i32
    %dma_start3A_457 = arith.constant 10 : i32
    %dma_start3A_458 = arith.constant 1 : i32
    %dma_start3A_459 = arith.constant 0 : i32
    %dma_start3A_460 = tpu.memref_slice %arg6[%dma_start3A_456, %dma_start3A_457, %dma_start3A_459] : memref<3x16x1024xf32, #tpu.memory_space<vmem>> -> memref<1x1x1024xf32, #tpu.memory_space<vmem>>
    %dma_start3A_461 = tpu.memref_squeeze %dma_start3A_460 : memref<1x1x1024xf32, #tpu.memory_space<vmem>> -> memref<1024xf32, #tpu.memory_space<vmem>>
    %dma_start3A_462 = tpu.memref_slice %arg7[%mul3A_455] : memref<1024000xf32, #tpu.memory_space<vmem_shared>> -> memref<1024xf32, #tpu.memory_space<vmem_shared>>
    %dma_start3A_463 = tpu.memref_slice %arg8[%dma_start3A_458] : memref<3x!tpu.dma_semaphore, #tpu.memory_space<semaphore_mem>> -> memref<1x!tpu.dma_semaphore, #tpu.memory_space<semaphore_mem>>
    %dma_start3A_464 = tpu.memref_squeeze %dma_start3A_463 : memref<1x!tpu.dma_semaphore, #tpu.memory_space<semaphore_mem>> -> memref<!tpu.dma_semaphore, #tpu.memory_space<semaphore_mem>>
    %dma_start3A_465 = arith.constant 0 : i32
    %dma_start3A_466 = tpu.memref_slice %arg6[%dma_start3A_456, %dma_start3A_457, %dma_start3A_465] : memref<3x16x1024xf32, #tpu.memory_space<vmem>> -> memref<1x1x1024xf32, #tpu.memory_space<vmem>>
    %dma_start3A_467 = tpu.memref_squeeze %dma_start3A_466 : memref<1x1x1024xf32, #tpu.memory_space<vmem>> -> memref<1024xf32, #tpu.memory_space<vmem>>
    %dma_start3A_468 = tpu.memref_slice %arg7[%mul3A_455] : memref<1024000xf32, #tpu.memory_space<vmem_shared>> -> memref<1024xf32, #tpu.memory_space<vmem_shared>>
    tpu.enqueue_dma source(%dma_start3A_468 : memref<1024xf32, #tpu.memory_space<vmem_shared>>) target(%dma_start3A_467 : memref<1024xf32, #tpu.memory_space<vmem>>) target_semaphore(%dma_start3A_464 : memref<!tpu.dma_semaphore, #tpu.memory_space<semaphore_mem>>)
    %slice3A_469 = vector.extract_strided_slice %get3A_281 {offsets = [11], sizes = [1], strides = [1]} : vector<16xi32> to vector<1xi32>
    %squeeze3A_470 = vector.extract %slice3A_469[0] : i32 from vector<1xi32>
    %mul3A_471 = arith.constant 1024 : i32
    %mul3A_472 = arith.muli %squeeze3A_470, %mul3A_471 : i32
    %dma_start3A_473 = arith.constant 1 : i32
    %dma_start3A_474 = arith.constant 11 : i32
    %dma_start3A_475 = arith.constant 1 : i32
    %dma_start3A_476 = arith.constant 0 : i32
    %dma_start3A_477 = tpu.memref_slice %arg6[%dma_start3A_473, %dma_start3A_474, %dma_start3A_476] : memref<3x16x1024xf32, #tpu.memory_space<vmem>> -> memref<1x1x1024xf32, #tpu.memory_space<vmem>>
    %dma_start3A_478 = tpu.memref_squeeze %dma_start3A_477 : memref<1x1x1024xf32, #tpu.memory_space<vmem>> -> memref<1024xf32, #tpu.memory_space<vmem>>
    %dma_start3A_479 = tpu.memref_slice %arg7[%mul3A_472] : memref<1024000xf32, #tpu.memory_space<vmem_shared>> -> memref<1024xf32, #tpu.memory_space<vmem_shared>>
    %dma_start3A_480 = tpu.memref_slice %arg8[%dma_start3A_475] : memref<3x!tpu.dma_semaphore, #tpu.memory_space<semaphore_mem>> -> memref<1x!tpu.dma_semaphore, #tpu.memory_space<semaphore_mem>>
    %dma_start3A_481 = tpu.memref_squeeze %dma_start3A_480 : memref<1x!tpu.dma_semaphore, #tpu.memory_space<semaphore_mem>> -> memref<!tpu.dma_semaphore, #tpu.memory_space<semaphore_mem>>
    %dma_start3A_482 = arith.constant 0 : i32
    %dma_start3A_483 = tpu.memref_slice %arg6[%dma_start3A_473, %dma_start3A_474, %dma_start3A_482] : memref<3x16x1024xf32, #tpu.memory_space<vmem>> -> memref<1x1x1024xf32, #tpu.memory_space<vmem>>
    %dma_start3A_484 = tpu.memref_squeeze %dma_start3A_483 : memref<1x1x1024xf32, #tpu.memory_space<vmem>> -> memref<1024xf32, #tpu.memory_space<vmem>>
    %dma_start3A_485 = tpu.memref_slice %arg7[%mul3A_472] : memref<1024000xf32, #tpu.memory_space<vmem_shared>> -> memref<1024xf32, #tpu.memory_space<vmem_shared>>
    tpu.enqueue_dma source(%dma_start3A_485 : memref<1024xf32, #tpu.memory_space<vmem_shared>>) target(%dma_start3A_484 : memref<1024xf32, #tpu.memory_space<vmem>>) target_semaphore(%dma_start3A_481 : memref<!tpu.dma_semaphore, #tpu.memory_space<semaphore_mem>>)
    %slice3A_486 = vector.extract_strided_slice %get3A_281 {offsets = [12], sizes = [1], strides = [1]} : vector<16xi32> to vector<1xi32>
    %squeeze3A_487 = vector.extract %slice3A_486[0] : i32 from vector<1xi32>
    %mul3A_488 = arith.constant 1024 : i32
    %mul3A_489 = arith.muli %squeeze3A_487, %mul3A_488 : i32
    %dma_start3A_490 = arith.constant 1 : i32
    %dma_start3A_491 = arith.constant 12 : i32
    %dma_start3A_492 = arith.constant 1 : i32
    %dma_start3A_493 = arith.constant 0 : i32
    %dma_start3A_494 = tpu.memref_slice %arg6[%dma_start3A_490, %dma_start3A_491, %dma_start3A_493] : memref<3x16x1024xf32, #tpu.memory_space<vmem>> -> memref<1x1x1024xf32, #tpu.memory_space<vmem>>
    %dma_start3A_495 = tpu.memref_squeeze %dma_start3A_494 : memref<1x1x1024xf32, #tpu.memory_space<vmem>> -> memref<1024xf32, #tpu.memory_space<vmem>>
    %dma_start3A_496 = tpu.memref_slice %arg7[%mul3A_489] : memref<1024000xf32, #tpu.memory_space<vmem_shared>> -> memref<1024xf32, #tpu.memory_space<vmem_shared>>
    %dma_start3A_497 = tpu.memref_slice %arg8[%dma_start3A_492] : memref<3x!tpu.dma_semaphore, #tpu.memory_space<semaphore_mem>> -> memref<1x!tpu.dma_semaphore, #tpu.memory_space<semaphore_mem>>
    %dma_start3A_498 = tpu.memref_squeeze %dma_start3A_497 : memref<1x!tpu.dma_semaphore, #tpu.memory_space<semaphore_mem>> -> memref<!tpu.dma_semaphore, #tpu.memory_space<semaphore_mem>>
    %dma_start3A_499 = arith.constant 0 : i32
    %dma_start3A_500 = tpu.memref_slice %arg6[%dma_start3A_490, %dma_start3A_491, %dma_start3A_499] : memref<3x16x1024xf32, #tpu.memory_space<vmem>> -> memref<1x1x1024xf32, #tpu.memory_space<vmem>>
    %dma_start3A_501 = tpu.memref_squeeze %dma_start3A_500 : memref<1x1x1024xf32, #tpu.memory_space<vmem>> -> memref<1024xf32, #tpu.memory_space<vmem>>
    %dma_start3A_502 = tpu.memref_slice %arg7[%mul3A_489] : memref<1024000xf32, #tpu.memory_space<vmem_shared>> -> memref<1024xf32, #tpu.memory_space<vmem_shared>>
    tpu.enqueue_dma source(%dma_start3A_502 : memref<1024xf32, #tpu.memory_space<vmem_shared>>) target(%dma_start3A_501 : memref<1024xf32, #tpu.memory_space<vmem>>) target_semaphore(%dma_start3A_498 : memref<!tpu.dma_semaphore, #tpu.memory_space<semaphore_mem>>)
    %slice3A_503 = vector.extract_strided_slice %get3A_281 {offsets = [13], sizes = [1], strides = [1]} : vector<16xi32> to vector<1xi32>
    %squeeze3A_504 = vector.extract %slice3A_503[0] : i32 from vector<1xi32>
    %mul3A_505 = arith.constant 1024 : i32
    %mul3A_506 = arith.muli %squeeze3A_504, %mul3A_505 : i32
    %dma_start3A_507 = arith.constant 1 : i32
    %dma_start3A_508 = arith.constant 13 : i32
    %dma_start3A_509 = arith.constant 1 : i32
    %dma_start3A_510 = arith.constant 0 : i32
    %dma_start3A_511 = tpu.memref_slice %arg6[%dma_start3A_507, %dma_start3A_508, %dma_start3A_510] : memref<3x16x1024xf32, #tpu.memory_space<vmem>> -> memref<1x1x1024xf32, #tpu.memory_space<vmem>>
    %dma_start3A_512 = tpu.memref_squeeze %dma_start3A_511 : memref<1x1x1024xf32, #tpu.memory_space<vmem>> -> memref<1024xf32, #tpu.memory_space<vmem>>
    %dma_start3A_513 = tpu.memref_slice %arg7[%mul3A_506] : memref<1024000xf32, #tpu.memory_space<vmem_shared>> -> memref<1024xf32, #tpu.memory_space<vmem_shared>>
    %dma_start3A_514 = tpu.memref_slice %arg8[%dma_start3A_509] : memref<3x!tpu.dma_semaphore, #tpu.memory_space<semaphore_mem>> -> memref<1x!tpu.dma_semaphore, #tpu.memory_space<semaphore_mem>>
    %dma_start3A_515 = tpu.memref_squeeze %dma_start3A_514 : memref<1x!tpu.dma_semaphore, #tpu.memory_space<semaphore_mem>> -> memref<!tpu.dma_semaphore, #tpu.memory_space<semaphore_mem>>
    %dma_start3A_516 = arith.constant 0 : i32
    %dma_start3A_517 = tpu.memref_slice %arg6[%dma_start3A_507, %dma_start3A_508, %dma_start3A_516] : memref<3x16x1024xf32, #tpu.memory_space<vmem>> -> memref<1x1x1024xf32, #tpu.memory_space<vmem>>
    %dma_start3A_518 = tpu.memref_squeeze %dma_start3A_517 : memref<1x1x1024xf32, #tpu.memory_space<vmem>> -> memref<1024xf32, #tpu.memory_space<vmem>>
    %dma_start3A_519 = tpu.memref_slice %arg7[%mul3A_506] : memref<1024000xf32, #tpu.memory_space<vmem_shared>> -> memref<1024xf32, #tpu.memory_space<vmem_shared>>
    tpu.enqueue_dma source(%dma_start3A_519 : memref<1024xf32, #tpu.memory_space<vmem_shared>>) target(%dma_start3A_518 : memref<1024xf32, #tpu.memory_space<vmem>>) target_semaphore(%dma_start3A_515 : memref<!tpu.dma_semaphore, #tpu.memory_space<semaphore_mem>>)
    %slice3A_520 = vector.extract_strided_slice %get3A_281 {offsets = [14], sizes = [1], strides = [1]} : vector<16xi32> to vector<1xi32>
    %squeeze3A_521 = vector.extract %slice3A_520[0] : i32 from vector<1xi32>
    %mul3A_522 = arith.constant 1024 : i32
    %mul3A_523 = arith.muli %squeeze3A_521, %mul3A_522 : i32
    %dma_start3A_524 = arith.constant 1 : i32
    %dma_start3A_525 = arith.constant 14 : i32
    %dma_start3A_526 = arith.constant 1 : i32
    %dma_start3A_527 = arith.constant 0 : i32
    %dma_start3A_528 = tpu.memref_slice %arg6[%dma_start3A_524, %dma_start3A_525, %dma_start3A_527] : memref<3x16x1024xf32, #tpu.memory_space<vmem>> -> memref<1x1x1024xf32, #tpu.memory_space<vmem>>
    %dma_start3A_529 = tpu.memref_squeeze %dma_start3A_528 : memref<1x1x1024xf32, #tpu.memory_space<vmem>> -> memref<1024xf32, #tpu.memory_space<vmem>>
    %dma_start3A_530 = tpu.memref_slice %arg7[%mul3A_523] : memref<1024000xf32, #tpu.memory_space<vmem_shared>> -> memref<1024xf32, #tpu.memory_space<vmem_shared>>
    %dma_start3A_531 = tpu.memref_slice %arg8[%dma_start3A_526] : memref<3x!tpu.dma_semaphore, #tpu.memory_space<semaphore_mem>> -> memref<1x!tpu.dma_semaphore, #tpu.memory_space<semaphore_mem>>
    %dma_start3A_532 = tpu.memref_squeeze %dma_start3A_531 : memref<1x!tpu.dma_semaphore, #tpu.memory_space<semaphore_mem>> -> memref<!tpu.dma_semaphore, #tpu.memory_space<semaphore_mem>>
    %dma_start3A_533 = arith.constant 0 : i32
    %dma_start3A_534 = tpu.memref_slice %arg6[%dma_start3A_524, %dma_start3A_525, %dma_start3A_533] : memref<3x16x1024xf32, #tpu.memory_space<vmem>> -> memref<1x1x1024xf32, #tpu.memory_space<vmem>>
    %dma_start3A_535 = tpu.memref_squeeze %dma_start3A_534 : memref<1x1x1024xf32, #tpu.memory_space<vmem>> -> memref<1024xf32, #tpu.memory_space<vmem>>
    %dma_start3A_536 = tpu.memref_slice %arg7[%mul3A_523] : memref<1024000xf32, #tpu.memory_space<vmem_shared>> -> memref<1024xf32, #tpu.memory_space<vmem_shared>>
    tpu.enqueue_dma source(%dma_start3A_536 : memref<1024xf32, #tpu.memory_space<vmem_shared>>) target(%dma_start3A_535 : memref<1024xf32, #tpu.memory_space<vmem>>) target_semaphore(%dma_start3A_532 : memref<!tpu.dma_semaphore, #tpu.memory_space<semaphore_mem>>)
    %slice3A_537 = vector.extract_strided_slice %get3A_281 {offsets = [15], sizes = [1], strides = [1]} : vector<16xi32> to vector<1xi32>
    %squeeze3A_538 = vector.extract %slice3A_537[0] : i32 from vector<1xi32>
    %mul3A_539 = arith.constant 1024 : i32
    %mul3A_540 = arith.muli %squeeze3A_538, %mul3A_539 : i32
    %dma_start3A_541 = arith.constant 1 : i32
    %dma_start3A_542 = arith.constant 15 : i32
    %dma_start3A_543 = arith.constant 1 : i32
    %dma_start3A_544 = arith.constant 0 : i32
    %dma_start3A_545 = tpu.memref_slice %arg6[%dma_start3A_541, %dma_start3A_542, %dma_start3A_544] : memref<3x16x1024xf32, #tpu.memory_space<vmem>> -> memref<1x1x1024xf32, #tpu.memory_space<vmem>>
    %dma_start3A_546 = tpu.memref_squeeze %dma_start3A_545 : memref<1x1x1024xf32, #tpu.memory_space<vmem>> -> memref<1024xf32, #tpu.memory_space<vmem>>
    %dma_start3A_547 = tpu.memref_slice %arg7[%mul3A_540] : memref<1024000xf32, #tpu.memory_space<vmem_shared>> -> memref<1024xf32, #tpu.memory_space<vmem_shared>>
    %dma_start3A_548 = tpu.memref_slice %arg8[%dma_start3A_543] : memref<3x!tpu.dma_semaphore, #tpu.memory_space<semaphore_mem>> -> memref<1x!tpu.dma_semaphore, #tpu.memory_space<semaphore_mem>>
    %dma_start3A_549 = tpu.memref_squeeze %dma_start3A_548 : memref<1x!tpu.dma_semaphore, #tpu.memory_space<semaphore_mem>> -> memref<!tpu.dma_semaphore, #tpu.memory_space<semaphore_mem>>
    %dma_start3A_550 = arith.constant 0 : i32
    %dma_start3A_551 = tpu.memref_slice %arg6[%dma_start3A_541, %dma_start3A_542, %dma_start3A_550] : memref<3x16x1024xf32, #tpu.memory_space<vmem>> -> memref<1x1x1024xf32, #tpu.memory_space<vmem>>
    %dma_start3A_552 = tpu.memref_squeeze %dma_start3A_551 : memref<1x1x1024xf32, #tpu.memory_space<vmem>> -> memref<1024xf32, #tpu.memory_space<vmem>>
    %dma_start3A_553 = tpu.memref_slice %arg7[%mul3A_540] : memref<1024000xf32, #tpu.memory_space<vmem_shared>> -> memref<1024xf32, #tpu.memory_space<vmem_shared>>
    tpu.enqueue_dma source(%dma_start3A_553 : memref<1024xf32, #tpu.memory_space<vmem_shared>>) target(%dma_start3A_552 : memref<1024xf32, #tpu.memory_space<vmem>>) target_semaphore(%dma_start3A_549 : memref<!tpu.dma_semaphore, #tpu.memory_space<semaphore_mem>>)
    %scan3A = arith.constant 0 : i32
    %scan3A_554 = arith.constant 0 : i32
    %scan3A_555 = arith.constant 32 : i32
    %scan3A_556 = arith.addi %scan3A_554, %scan3A_555 : i32
    %scan3A_557 = arith.constant 1 : i32
    scf.for %scan3A_594 = %scan3A_554 to %scan3A_556 step %scan3A_557  : i32 {
      %jit3A = arith.constant 3 : i32
      %eq3A = arith.constant 0 : i32
      %eq3A_595 = arith.cmpi eq, %jit3A, %eq3A : i32
      %jit3A_596 = arith.constant 1 : i32
      %select_n3A = arith.select %eq3A_595, %jit3A_596, %jit3A : i32
      %rem3A = arith.remsi %scan3A_594, %select_n3A : i32
      %ne3A = arith.constant 0 : i32
      %ne3A_597 = arith.cmpi ne, %rem3A, %ne3A : i32
      %lt3A = arith.constant 0 : i32
      %lt3A_598 = arith.cmpi slt, %rem3A, %lt3A : i32
      %lt3A_599 = arith.constant 0 : i32
      %lt3A_600 = arith.cmpi slt, %select_n3A, %lt3A_599 : i32
      %ne3A_601 = arith.xori %lt3A_598, %lt3A_600 : i1
      %and3A = arith.andi %ne3A_601, %ne3A_597 : i1
      %add3A_602 = arith.addi %rem3A, %select_n3A : i32
      %select_n3A_603 = arith.select %and3A, %add3A_602, %rem3A : i32
      %dma_wait3A_604 = arith.constant 0 : i32
      %dma_wait3A_605 = arith.constant 0 : i32
      %dma_wait3A_606 = tpu.memref_slice %arg6[%select_n3A_603, %dma_wait3A_604, %dma_wait3A_605] : memref<3x16x1024xf32, #tpu.memory_space<vmem>> -> memref<1x1x1024xf32, #tpu.memory_space<vmem>>
      %dma_wait3A_607 = tpu.memref_squeeze %dma_wait3A_606 : memref<1x1x1024xf32, #tpu.memory_space<vmem>> -> memref<1024xf32, #tpu.memory_space<vmem>>
      %dma_wait3A_608 = arith.constant 0 : i32
      %dma_wait3A_609 = tpu.memref_slice %arg7[%dma_wait3A_608] : memref<1024000xf32, #tpu.memory_space<vmem_shared>> -> memref<1024xf32, #tpu.memory_space<vmem_shared>>
      %dma_wait3A_610 = tpu.memref_slice %arg8[%select_n3A_603] : memref<3x!tpu.dma_semaphore, #tpu.memory_space<semaphore_mem>> -> memref<1x!tpu.dma_semaphore, #tpu.memory_space<semaphore_mem>>
      %dma_wait3A_611 = tpu.memref_squeeze %dma_wait3A_610 : memref<1x!tpu.dma_semaphore, #tpu.memory_space<semaphore_mem>> -> memref<!tpu.dma_semaphore, #tpu.memory_space<semaphore_mem>>
      %dma_wait3A_612 = arith.constant 0 : i32
      %dma_wait3A_613 = tpu.memref_slice %arg6[%select_n3A_603, %dma_wait3A_604, %dma_wait3A_612] : memref<3x16x1024xf32, #tpu.memory_space<vmem>> -> memref<1x1x1024xf32, #tpu.memory_space<vmem>>
      %dma_wait3A_614 = tpu.memref_squeeze %dma_wait3A_613 : memref<1x1x1024xf32, #tpu.memory_space<vmem>> -> memref<1024xf32, #tpu.memory_space<vmem>>
      %dma_wait3A_615 = arith.constant 0 : i32
      %dma_wait3A_616 = tpu.memref_slice %arg7[%dma_wait3A_615] : memref<1024000xf32, #tpu.memory_space<vmem_shared>> -> memref<1024xf32, #tpu.memory_space<vmem_shared>>
      tpu.wait_dma2 semaphore(%dma_wait3A_611 : memref<!tpu.dma_semaphore, #tpu.memory_space<semaphore_mem>>) src(%dma_wait3A_616 : memref<1024xf32, #tpu.memory_space<vmem_shared>>) dst(%dma_wait3A_614 : memref<1024xf32, #tpu.memory_space<vmem>>)
      %dma_wait3A_617 = arith.constant 0 : i32
      %dma_wait3A_618 = arith.constant 0 : i32
      %dma_wait3A_619 = tpu.memref_slice %arg6[%select_n3A_603, %dma_wait3A_617, %dma_wait3A_618] : memref<3x16x1024xf32, #tpu.memory_space<vmem>> -> memref<1x1x1024xf32, #tpu.memory_space<vmem>>
      %dma_wait3A_620 = tpu.memref_squeeze %dma_wait3A_619 : memref<1x1x1024xf32, #tpu.memory_space<vmem>> -> memref<1024xf32, #tpu.memory_space<vmem>>
      %dma_wait3A_621 = arith.constant 0 : i32
      %dma_wait3A_622 = tpu.memref_slice %arg7[%dma_wait3A_621] : memref<1024000xf32, #tpu.memory_space<vmem_shared>> -> memref<1024xf32, #tpu.memory_space<vmem_shared>>
      %dma_wait3A_623 = tpu.memref_slice %arg8[%select_n3A_603] : memref<3x!tpu.dma_semaphore, #tpu.memory_space<semaphore_mem>> -> memref<1x!tpu.dma_semaphore, #tpu.memory_space<semaphore_mem>>
      %dma_wait3A_624 = tpu.memref_squeeze %dma_wait3A_623 : memref<1x!tpu.dma_semaphore, #tpu.memory_space<semaphore_mem>> -> memref<!tpu.dma_semaphore, #tpu.memory_space<semaphore_mem>>
      %dma_wait3A_625 = arith.constant 0 : i32
      %dma_wait3A_626 = tpu.memref_slice %arg6[%select_n3A_603, %dma_wait3A_617, %dma_wait3A_625] : memref<3x16x1024xf32, #tpu.memory_space<vmem>> -> memref<1x1x1024xf32, #tpu.memory_space<vmem>>
      %dma_wait3A_627 = tpu.memref_squeeze %dma_wait3A_626 : memref<1x1x1024xf32, #tpu.memory_space<vmem>> -> memref<1024xf32, #tpu.memory_space<vmem>>
      %dma_wait3A_628 = arith.constant 0 : i32
      %dma_wait3A_629 = tpu.memref_slice %arg7[%dma_wait3A_628] : memref<1024000xf32, #tpu.memory_space<vmem_shared>> -> memref<1024xf32, #tpu.memory_space<vmem_shared>>
      tpu.wait_dma2 semaphore(%dma_wait3A_624 : memref<!tpu.dma_semaphore, #tpu.memory_space<semaphore_mem>>) src(%dma_wait3A_629 : memref<1024xf32, #tpu.memory_space<vmem_shared>>) dst(%dma_wait3A_627 : memref<1024xf32, #tpu.memory_space<vmem>>)
      %dma_wait3A_630 = arith.constant 0 : i32
      %dma_wait3A_631 = arith.constant 0 : i32
      %dma_wait3A_632 = tpu.memref_slice %arg6[%select_n3A_603, %dma_wait3A_630, %dma_wait3A_631] : memref<3x16x1024xf32, #tpu.memory_space<vmem>> -> memref<1x1x1024xf32, #tpu.memory_space<vmem>>
      %dma_wait3A_633 = tpu.memref_squeeze %dma_wait3A_632 : memref<1x1x1024xf32, #tpu.memory_space<vmem>> -> memref<1024xf32, #tpu.memory_space<vmem>>
      %dma_wait3A_634 = arith.constant 0 : i32
      %dma_wait3A_635 = tpu.memref_slice %arg7[%dma_wait3A_634] : memref<1024000xf32, #tpu.memory_space<vmem_shared>> -> memref<1024xf32, #tpu.memory_space<vmem_shared>>
      %dma_wait3A_636 = tpu.memref_slice %arg8[%select_n3A_603] : memref<3x!tpu.dma_semaphore, #tpu.memory_space<semaphore_mem>> -> memref<1x!tpu.dma_semaphore, #tpu.memory_space<semaphore_mem>>
      %dma_wait3A_637 = tpu.memref_squeeze %dma_wait3A_636 : memref<1x!tpu.dma_semaphore, #tpu.memory_space<semaphore_mem>> -> memref<!tpu.dma_semaphore, #tpu.memory_space<semaphore_mem>>
      %dma_wait3A_638 = arith.constant 0 : i32
      %dma_wait3A_639 = tpu.memref_slice %arg6[%select_n3A_603, %dma_wait3A_630, %dma_wait3A_638] : memref<3x16x1024xf32, #tpu.memory_space<vmem>> -> memref<1x1x1024xf32, #tpu.memory_space<vmem>>
      %dma_wait3A_640 = tpu.memref_squeeze %dma_wait3A_639 : memref<1x1x1024xf32, #tpu.memory_space<vmem>> -> memref<1024xf32, #tpu.memory_space<vmem>>
      %dma_wait3A_641 = arith.constant 0 : i32
      %dma_wait3A_642 = tpu.memref_slice %arg7[%dma_wait3A_641] : memref<1024000xf32, #tpu.memory_space<vmem_shared>> -> memref<1024xf32, #tpu.memory_space<vmem_shared>>
      tpu.wait_dma2 semaphore(%dma_wait3A_637 : memref<!tpu.dma_semaphore, #tpu.memory_space<semaphore_mem>>) src(%dma_wait3A_642 : memref<1024xf32, #tpu.memory_space<vmem_shared>>) dst(%dma_wait3A_640 : memref<1024xf32, #tpu.memory_space<vmem>>)
      %dma_wait3A_643 = arith.constant 0 : i32
      %dma_wait3A_644 = arith.constant 0 : i32
      %dma_wait3A_645 = tpu.memref_slice %arg6[%select_n3A_603, %dma_wait3A_643, %dma_wait3A_644] : memref<3x16x1024xf32, #tpu.memory_space<vmem>> -> memref<1x1x1024xf32, #tpu.memory_space<vmem>>
      %dma_wait3A_646 = tpu.memref_squeeze %dma_wait3A_645 : memref<1x1x1024xf32, #tpu.memory_space<vmem>> -> memref<1024xf32, #tpu.memory_space<vmem>>
      %dma_wait3A_647 = arith.constant 0 : i32
      %dma_wait3A_648 = tpu.memref_slice %arg7[%dma_wait3A_647] : memref<1024000xf32, #tpu.memory_space<vmem_shared>> -> memref<1024xf32, #tpu.memory_space<vmem_shared>>
      %dma_wait3A_649 = tpu.memref_slice %arg8[%select_n3A_603] : memref<3x!tpu.dma_semaphore, #tpu.memory_space<semaphore_mem>> -> memref<1x!tpu.dma_semaphore, #tpu.memory_space<semaphore_mem>>
      %dma_wait3A_650 = tpu.memref_squeeze %dma_wait3A_649 : memref<1x!tpu.dma_semaphore, #tpu.memory_space<semaphore_mem>> -> memref<!tpu.dma_semaphore, #tpu.memory_space<semaphore_mem>>
      %dma_wait3A_651 = arith.constant 0 : i32
      %dma_wait3A_652 = tpu.memref_slice %arg6[%select_n3A_603, %dma_wait3A_643, %dma_wait3A_651] : memref<3x16x1024xf32, #tpu.memory_space<vmem>> -> memref<1x1x1024xf32, #tpu.memory_space<vmem>>
      %dma_wait3A_653 = tpu.memref_squeeze %dma_wait3A_652 : memref<1x1x1024xf32, #tpu.memory_space<vmem>> -> memref<1024xf32, #tpu.memory_space<vmem>>
      %dma_wait3A_654 = arith.constant 0 : i32
      %dma_wait3A_655 = tpu.memref_slice %arg7[%dma_wait3A_654] : memref<1024000xf32, #tpu.memory_space<vmem_shared>> -> memref<1024xf32, #tpu.memory_space<vmem_shared>>
      tpu.wait_dma2 semaphore(%dma_wait3A_650 : memref<!tpu.dma_semaphore, #tpu.memory_space<semaphore_mem>>) src(%dma_wait3A_655 : memref<1024xf32, #tpu.memory_space<vmem_shared>>) dst(%dma_wait3A_653 : memref<1024xf32, #tpu.memory_space<vmem>>)
      %dma_wait3A_656 = arith.constant 0 : i32
      %dma_wait3A_657 = arith.constant 0 : i32
      %dma_wait3A_658 = tpu.memref_slice %arg6[%select_n3A_603, %dma_wait3A_656, %dma_wait3A_657] : memref<3x16x1024xf32, #tpu.memory_space<vmem>> -> memref<1x1x1024xf32, #tpu.memory_space<vmem>>
      %dma_wait3A_659 = tpu.memref_squeeze %dma_wait3A_658 : memref<1x1x1024xf32, #tpu.memory_space<vmem>> -> memref<1024xf32, #tpu.memory_space<vmem>>
      %dma_wait3A_660 = arith.constant 0 : i32
      %dma_wait3A_661 = tpu.memref_slice %arg7[%dma_wait3A_660] : memref<1024000xf32, #tpu.memory_space<vmem_shared>> -> memref<1024xf32, #tpu.memory_space<vmem_shared>>
      %dma_wait3A_662 = tpu.memref_slice %arg8[%select_n3A_603] : memref<3x!tpu.dma_semaphore, #tpu.memory_space<semaphore_mem>> -> memref<1x!tpu.dma_semaphore, #tpu.memory_space<semaphore_mem>>
      %dma_wait3A_663 = tpu.memref_squeeze %dma_wait3A_662 : memref<1x!tpu.dma_semaphore, #tpu.memory_space<semaphore_mem>> -> memref<!tpu.dma_semaphore, #tpu.memory_space<semaphore_mem>>
      %dma_wait3A_664 = arith.constant 0 : i32
      %dma_wait3A_665 = tpu.memref_slice %arg6[%select_n3A_603, %dma_wait3A_656, %dma_wait3A_664] : memref<3x16x1024xf32, #tpu.memory_space<vmem>> -> memref<1x1x1024xf32, #tpu.memory_space<vmem>>
      %dma_wait3A_666 = tpu.memref_squeeze %dma_wait3A_665 : memref<1x1x1024xf32, #tpu.memory_space<vmem>> -> memref<1024xf32, #tpu.memory_space<vmem>>
      %dma_wait3A_667 = arith.constant 0 : i32
      %dma_wait3A_668 = tpu.memref_slice %arg7[%dma_wait3A_667] : memref<1024000xf32, #tpu.memory_space<vmem_shared>> -> memref<1024xf32, #tpu.memory_space<vmem_shared>>
      tpu.wait_dma2 semaphore(%dma_wait3A_663 : memref<!tpu.dma_semaphore, #tpu.memory_space<semaphore_mem>>) src(%dma_wait3A_668 : memref<1024xf32, #tpu.memory_space<vmem_shared>>) dst(%dma_wait3A_666 : memref<1024xf32, #tpu.memory_space<vmem>>)
      %dma_wait3A_669 = arith.constant 0 : i32
      %dma_wait3A_670 = arith.constant 0 : i32
      %dma_wait3A_671 = tpu.memref_slice %arg6[%select_n3A_603, %dma_wait3A_669, %dma_wait3A_670] : memref<3x16x1024xf32, #tpu.memory_space<vmem>> -> memref<1x1x1024xf32, #tpu.memory_space<vmem>>
      %dma_wait3A_672 = tpu.memref_squeeze %dma_wait3A_671 : memref<1x1x1024xf32, #tpu.memory_space<vmem>> -> memref<1024xf32, #tpu.memory_space<vmem>>
      %dma_wait3A_673 = arith.constant 0 : i32
      %dma_wait3A_674 = tpu.memref_slice %arg7[%dma_wait3A_673] : memref<1024000xf32, #tpu.memory_space<vmem_shared>> -> memref<1024xf32, #tpu.memory_space<vmem_shared>>
      %dma_wait3A_675 = tpu.memref_slice %arg8[%select_n3A_603] : memref<3x!tpu.dma_semaphore, #tpu.memory_space<semaphore_mem>> -> memref<1x!tpu.dma_semaphore, #tpu.memory_space<semaphore_mem>>
      %dma_wait3A_676 = tpu.memref_squeeze %dma_wait3A_675 : memref<1x!tpu.dma_semaphore, #tpu.memory_space<semaphore_mem>> -> memref<!tpu.dma_semaphore, #tpu.memory_space<semaphore_mem>>
      %dma_wait3A_677 = arith.constant 0 : i32
      %dma_wait3A_678 = tpu.memref_slice %arg6[%select_n3A_603, %dma_wait3A_669, %dma_wait3A_677] : memref<3x16x1024xf32, #tpu.memory_space<vmem>> -> memref<1x1x1024xf32, #tpu.memory_space<vmem>>
      %dma_wait3A_679 = tpu.memref_squeeze %dma_wait3A_678 : memref<1x1x1024xf32, #tpu.memory_space<vmem>> -> memref<1024xf32, #tpu.memory_space<vmem>>
      %dma_wait3A_680 = arith.constant 0 : i32
      %dma_wait3A_681 = tpu.memref_slice %arg7[%dma_wait3A_680] : memref<1024000xf32, #tpu.memory_space<vmem_shared>> -> memref<1024xf32, #tpu.memory_space<vmem_shared>>
      tpu.wait_dma2 semaphore(%dma_wait3A_676 : memref<!tpu.dma_semaphore, #tpu.memory_space<semaphore_mem>>) src(%dma_wait3A_681 : memref<1024xf32, #tpu.memory_space<vmem_shared>>) dst(%dma_wait3A_679 : memref<1024xf32, #tpu.memory_space<vmem>>)
      %dma_wait3A_682 = arith.constant 0 : i32
      %dma_wait3A_683 = arith.constant 0 : i32
      %dma_wait3A_684 = tpu.memref_slice %arg6[%select_n3A_603, %dma_wait3A_682, %dma_wait3A_683] : memref<3x16x1024xf32, #tpu.memory_space<vmem>> -> memref<1x1x1024xf32, #tpu.memory_space<vmem>>
      %dma_wait3A_685 = tpu.memref_squeeze %dma_wait3A_684 : memref<1x1x1024xf32, #tpu.memory_space<vmem>> -> memref<1024xf32, #tpu.memory_space<vmem>>
      %dma_wait3A_686 = arith.constant 0 : i32
      %dma_wait3A_687 = tpu.memref_slice %arg7[%dma_wait3A_686] : memref<1024000xf32, #tpu.memory_space<vmem_shared>> -> memref<1024xf32, #tpu.memory_space<vmem_shared>>
      %dma_wait3A_688 = tpu.memref_slice %arg8[%select_n3A_603] : memref<3x!tpu.dma_semaphore, #tpu.memory_space<semaphore_mem>> -> memref<1x!tpu.dma_semaphore, #tpu.memory_space<semaphore_mem>>
      %dma_wait3A_689 = tpu.memref_squeeze %dma_wait3A_688 : memref<1x!tpu.dma_semaphore, #tpu.memory_space<semaphore_mem>> -> memref<!tpu.dma_semaphore, #tpu.memory_space<semaphore_mem>>
      %dma_wait3A_690 = arith.constant 0 : i32
      %dma_wait3A_691 = tpu.memref_slice %arg6[%select_n3A_603, %dma_wait3A_682, %dma_wait3A_690] : memref<3x16x1024xf32, #tpu.memory_space<vmem>> -> memref<1x1x1024xf32, #tpu.memory_space<vmem>>
      %dma_wait3A_692 = tpu.memref_squeeze %dma_wait3A_691 : memref<1x1x1024xf32, #tpu.memory_space<vmem>> -> memref<1024xf32, #tpu.memory_space<vmem>>
      %dma_wait3A_693 = arith.constant 0 : i32
      %dma_wait3A_694 = tpu.memref_slice %arg7[%dma_wait3A_693] : memref<1024000xf32, #tpu.memory_space<vmem_shared>> -> memref<1024xf32, #tpu.memory_space<vmem_shared>>
      tpu.wait_dma2 semaphore(%dma_wait3A_689 : memref<!tpu.dma_semaphore, #tpu.memory_space<semaphore_mem>>) src(%dma_wait3A_694 : memref<1024xf32, #tpu.memory_space<vmem_shared>>) dst(%dma_wait3A_692 : memref<1024xf32, #tpu.memory_space<vmem>>)
      %dma_wait3A_695 = arith.constant 0 : i32
      %dma_wait3A_696 = arith.constant 0 : i32
      %dma_wait3A_697 = tpu.memref_slice %arg6[%select_n3A_603, %dma_wait3A_695, %dma_wait3A_696] : memref<3x16x1024xf32, #tpu.memory_space<vmem>> -> memref<1x1x1024xf32, #tpu.memory_space<vmem>>
      %dma_wait3A_698 = tpu.memref_squeeze %dma_wait3A_697 : memref<1x1x1024xf32, #tpu.memory_space<vmem>> -> memref<1024xf32, #tpu.memory_space<vmem>>
      %dma_wait3A_699 = arith.constant 0 : i32
      %dma_wait3A_700 = tpu.memref_slice %arg7[%dma_wait3A_699] : memref<1024000xf32, #tpu.memory_space<vmem_shared>> -> memref<1024xf32, #tpu.memory_space<vmem_shared>>
      %dma_wait3A_701 = tpu.memref_slice %arg8[%select_n3A_603] : memref<3x!tpu.dma_semaphore, #tpu.memory_space<semaphore_mem>> -> memref<1x!tpu.dma_semaphore, #tpu.memory_space<semaphore_mem>>
      %dma_wait3A_702 = tpu.memref_squeeze %dma_wait3A_701 : memref<1x!tpu.dma_semaphore, #tpu.memory_space<semaphore_mem>> -> memref<!tpu.dma_semaphore, #tpu.memory_space<semaphore_mem>>
      %dma_wait3A_703 = arith.constant 0 : i32
      %dma_wait3A_704 = tpu.memref_slice %arg6[%select_n3A_603, %dma_wait3A_695, %dma_wait3A_703] : memref<3x16x1024xf32, #tpu.memory_space<vmem>> -> memref<1x1x1024xf32, #tpu.memory_space<vmem>>
      %dma_wait3A_705 = tpu.memref_squeeze %dma_wait3A_704 : memref<1x1x1024xf32, #tpu.memory_space<vmem>> -> memref<1024xf32, #tpu.memory_space<vmem>>
      %dma_wait3A_706 = arith.constant 0 : i32
      %dma_wait3A_707 = tpu.memref_slice %arg7[%dma_wait3A_706] : memref<1024000xf32, #tpu.memory_space<vmem_shared>> -> memref<1024xf32, #tpu.memory_space<vmem_shared>>
      tpu.wait_dma2 semaphore(%dma_wait3A_702 : memref<!tpu.dma_semaphore, #tpu.memory_space<semaphore_mem>>) src(%dma_wait3A_707 : memref<1024xf32, #tpu.memory_space<vmem_shared>>) dst(%dma_wait3A_705 : memref<1024xf32, #tpu.memory_space<vmem>>)
      %dma_wait3A_708 = arith.constant 0 : i32
      %dma_wait3A_709 = arith.constant 0 : i32
      %dma_wait3A_710 = tpu.memref_slice %arg6[%select_n3A_603, %dma_wait3A_708, %dma_wait3A_709] : memref<3x16x1024xf32, #tpu.memory_space<vmem>> -> memref<1x1x1024xf32, #tpu.memory_space<vmem>>
      %dma_wait3A_711 = tpu.memref_squeeze %dma_wait3A_710 : memref<1x1x1024xf32, #tpu.memory_space<vmem>> -> memref<1024xf32, #tpu.memory_space<vmem>>
      %dma_wait3A_712 = arith.constant 0 : i32
      %dma_wait3A_713 = tpu.memref_slice %arg7[%dma_wait3A_712] : memref<1024000xf32, #tpu.memory_space<vmem_shared>> -> memref<1024xf32, #tpu.memory_space<vmem_shared>>
      %dma_wait3A_714 = tpu.memref_slice %arg8[%select_n3A_603] : memref<3x!tpu.dma_semaphore, #tpu.memory_space<semaphore_mem>> -> memref<1x!tpu.dma_semaphore, #tpu.memory_space<semaphore_mem>>
      %dma_wait3A_715 = tpu.memref_squeeze %dma_wait3A_714 : memref<1x!tpu.dma_semaphore, #tpu.memory_space<semaphore_mem>> -> memref<!tpu.dma_semaphore, #tpu.memory_space<semaphore_mem>>
      %dma_wait3A_716 = arith.constant 0 : i32
      %dma_wait3A_717 = tpu.memref_slice %arg6[%select_n3A_603, %dma_wait3A_708, %dma_wait3A_716] : memref<3x16x1024xf32, #tpu.memory_space<vmem>> -> memref<1x1x1024xf32, #tpu.memory_space<vmem>>
      %dma_wait3A_718 = tpu.memref_squeeze %dma_wait3A_717 : memref<1x1x1024xf32, #tpu.memory_space<vmem>> -> memref<1024xf32, #tpu.memory_space<vmem>>
      %dma_wait3A_719 = arith.constant 0 : i32
      %dma_wait3A_720 = tpu.memref_slice %arg7[%dma_wait3A_719] : memref<1024000xf32, #tpu.memory_space<vmem_shared>> -> memref<1024xf32, #tpu.memory_space<vmem_shared>>
      tpu.wait_dma2 semaphore(%dma_wait3A_715 : memref<!tpu.dma_semaphore, #tpu.memory_space<semaphore_mem>>) src(%dma_wait3A_720 : memref<1024xf32, #tpu.memory_space<vmem_shared>>) dst(%dma_wait3A_718 : memref<1024xf32, #tpu.memory_space<vmem>>)
      %dma_wait3A_721 = arith.constant 0 : i32
      %dma_wait3A_722 = arith.constant 0 : i32
      %dma_wait3A_723 = tpu.memref_slice %arg6[%select_n3A_603, %dma_wait3A_721, %dma_wait3A_722] : memref<3x16x1024xf32, #tpu.memory_space<vmem>> -> memref<1x1x1024xf32, #tpu.memory_space<vmem>>
      %dma_wait3A_724 = tpu.memref_squeeze %dma_wait3A_723 : memref<1x1x1024xf32, #tpu.memory_space<vmem>> -> memref<1024xf32, #tpu.memory_space<vmem>>
      %dma_wait3A_725 = arith.constant 0 : i32
      %dma_wait3A_726 = tpu.memref_slice %arg7[%dma_wait3A_725] : memref<1024000xf32, #tpu.memory_space<vmem_shared>> -> memref<1024xf32, #tpu.memory_space<vmem_shared>>
      %dma_wait3A_727 = tpu.memref_slice %arg8[%select_n3A_603] : memref<3x!tpu.dma_semaphore, #tpu.memory_space<semaphore_mem>> -> memref<1x!tpu.dma_semaphore, #tpu.memory_space<semaphore_mem>>
      %dma_wait3A_728 = tpu.memref_squeeze %dma_wait3A_727 : memref<1x!tpu.dma_semaphore, #tpu.memory_space<semaphore_mem>> -> memref<!tpu.dma_semaphore, #tpu.memory_space<semaphore_mem>>
      %dma_wait3A_729 = arith.constant 0 : i32
      %dma_wait3A_730 = tpu.memref_slice %arg6[%select_n3A_603, %dma_wait3A_721, %dma_wait3A_729] : memref<3x16x1024xf32, #tpu.memory_space<vmem>> -> memref<1x1x1024xf32, #tpu.memory_space<vmem>>
      %dma_wait3A_731 = tpu.memref_squeeze %dma_wait3A_730 : memref<1x1x1024xf32, #tpu.memory_space<vmem>> -> memref<1024xf32, #tpu.memory_space<vmem>>
      %dma_wait3A_732 = arith.constant 0 : i32
      %dma_wait3A_733 = tpu.memref_slice %arg7[%dma_wait3A_732] : memref<1024000xf32, #tpu.memory_space<vmem_shared>> -> memref<1024xf32, #tpu.memory_space<vmem_shared>>
      tpu.wait_dma2 semaphore(%dma_wait3A_728 : memref<!tpu.dma_semaphore, #tpu.memory_space<semaphore_mem>>) src(%dma_wait3A_733 : memref<1024xf32, #tpu.memory_space<vmem_shared>>) dst(%dma_wait3A_731 : memref<1024xf32, #tpu.memory_space<vmem>>)
      %dma_wait3A_734 = arith.constant 0 : i32
      %dma_wait3A_735 = arith.constant 0 : i32
      %dma_wait3A_736 = tpu.memref_slice %arg6[%select_n3A_603, %dma_wait3A_734, %dma_wait3A_735] : memref<3x16x1024xf32, #tpu.memory_space<vmem>> -> memref<1x1x1024xf32, #tpu.memory_space<vmem>>
      %dma_wait3A_737 = tpu.memref_squeeze %dma_wait3A_736 : memref<1x1x1024xf32, #tpu.memory_space<vmem>> -> memref<1024xf32, #tpu.memory_space<vmem>>
      %dma_wait3A_738 = arith.constant 0 : i32
      %dma_wait3A_739 = tpu.memref_slice %arg7[%dma_wait3A_738] : memref<1024000xf32, #tpu.memory_space<vmem_shared>> -> memref<1024xf32, #tpu.memory_space<vmem_shared>>
      %dma_wait3A_740 = tpu.memref_slice %arg8[%select_n3A_603] : memref<3x!tpu.dma_semaphore, #tpu.memory_space<semaphore_mem>> -> memref<1x!tpu.dma_semaphore, #tpu.memory_space<semaphore_mem>>
      %dma_wait3A_741 = tpu.memref_squeeze %dma_wait3A_740 : memref<1x!tpu.dma_semaphore, #tpu.memory_space<semaphore_mem>> -> memref<!tpu.dma_semaphore, #tpu.memory_space<semaphore_mem>>
      %dma_wait3A_742 = arith.constant 0 : i32
      %dma_wait3A_743 = tpu.memref_slice %arg6[%select_n3A_603, %dma_wait3A_734, %dma_wait3A_742] : memref<3x16x1024xf32, #tpu.memory_space<vmem>> -> memref<1x1x1024xf32, #tpu.memory_space<vmem>>
      %dma_wait3A_744 = tpu.memref_squeeze %dma_wait3A_743 : memref<1x1x1024xf32, #tpu.memory_space<vmem>> -> memref<1024xf32, #tpu.memory_space<vmem>>
      %dma_wait3A_745 = arith.constant 0 : i32
      %dma_wait3A_746 = tpu.memref_slice %arg7[%dma_wait3A_745] : memref<1024000xf32, #tpu.memory_space<vmem_shared>> -> memref<1024xf32, #tpu.memory_space<vmem_shared>>
      tpu.wait_dma2 semaphore(%dma_wait3A_741 : memref<!tpu.dma_semaphore, #tpu.memory_space<semaphore_mem>>) src(%dma_wait3A_746 : memref<1024xf32, #tpu.memory_space<vmem_shared>>) dst(%dma_wait3A_744 : memref<1024xf32, #tpu.memory_space<vmem>>)
      %dma_wait3A_747 = arith.constant 0 : i32
      %dma_wait3A_748 = arith.constant 0 : i32
      %dma_wait3A_749 = tpu.memref_slice %arg6[%select_n3A_603, %dma_wait3A_747, %dma_wait3A_748] : memref<3x16x1024xf32, #tpu.memory_space<vmem>> -> memref<1x1x1024xf32, #tpu.memory_space<vmem>>
      %dma_wait3A_750 = tpu.memref_squeeze %dma_wait3A_749 : memref<1x1x1024xf32, #tpu.memory_space<vmem>> -> memref<1024xf32, #tpu.memory_space<vmem>>
      %dma_wait3A_751 = arith.constant 0 : i32
      %dma_wait3A_752 = tpu.memref_slice %arg7[%dma_wait3A_751] : memref<1024000xf32, #tpu.memory_space<vmem_shared>> -> memref<1024xf32, #tpu.memory_space<vmem_shared>>
      %dma_wait3A_753 = tpu.memref_slice %arg8[%select_n3A_603] : memref<3x!tpu.dma_semaphore, #tpu.memory_space<semaphore_mem>> -> memref<1x!tpu.dma_semaphore, #tpu.memory_space<semaphore_mem>>
      %dma_wait3A_754 = tpu.memref_squeeze %dma_wait3A_753 : memref<1x!tpu.dma_semaphore, #tpu.memory_space<semaphore_mem>> -> memref<!tpu.dma_semaphore, #tpu.memory_space<semaphore_mem>>
      %dma_wait3A_755 = arith.constant 0 : i32
      %dma_wait3A_756 = tpu.memref_slice %arg6[%select_n3A_603, %dma_wait3A_747, %dma_wait3A_755] : memref<3x16x1024xf32, #tpu.memory_space<vmem>> -> memref<1x1x1024xf32, #tpu.memory_space<vmem>>
      %dma_wait3A_757 = tpu.memref_squeeze %dma_wait3A_756 : memref<1x1x1024xf32, #tpu.memory_space<vmem>> -> memref<1024xf32, #tpu.memory_space<vmem>>
      %dma_wait3A_758 = arith.constant 0 : i32
      %dma_wait3A_759 = tpu.memref_slice %arg7[%dma_wait3A_758] : memref<1024000xf32, #tpu.memory_space<vmem_shared>> -> memref<1024xf32, #tpu.memory_space<vmem_shared>>
      tpu.wait_dma2 semaphore(%dma_wait3A_754 : memref<!tpu.dma_semaphore, #tpu.memory_space<semaphore_mem>>) src(%dma_wait3A_759 : memref<1024xf32, #tpu.memory_space<vmem_shared>>) dst(%dma_wait3A_757 : memref<1024xf32, #tpu.memory_space<vmem>>)
      %dma_wait3A_760 = arith.constant 0 : i32
      %dma_wait3A_761 = arith.constant 0 : i32
      %dma_wait3A_762 = tpu.memref_slice %arg6[%select_n3A_603, %dma_wait3A_760, %dma_wait3A_761] : memref<3x16x1024xf32, #tpu.memory_space<vmem>> -> memref<1x1x1024xf32, #tpu.memory_space<vmem>>
      %dma_wait3A_763 = tpu.memref_squeeze %dma_wait3A_762 : memref<1x1x1024xf32, #tpu.memory_space<vmem>> -> memref<1024xf32, #tpu.memory_space<vmem>>
      %dma_wait3A_764 = arith.constant 0 : i32
      %dma_wait3A_765 = tpu.memref_slice %arg7[%dma_wait3A_764] : memref<1024000xf32, #tpu.memory_space<vmem_shared>> -> memref<1024xf32, #tpu.memory_space<vmem_shared>>
      %dma_wait3A_766 = tpu.memref_slice %arg8[%select_n3A_603] : memref<3x!tpu.dma_semaphore, #tpu.memory_space<semaphore_mem>> -> memref<1x!tpu.dma_semaphore, #tpu.memory_space<semaphore_mem>>
      %dma_wait3A_767 = tpu.memref_squeeze %dma_wait3A_766 : memref<1x!tpu.dma_semaphore, #tpu.memory_space<semaphore_mem>> -> memref<!tpu.dma_semaphore, #tpu.memory_space<semaphore_mem>>
      %dma_wait3A_768 = arith.constant 0 : i32
      %dma_wait3A_769 = tpu.memref_slice %arg6[%select_n3A_603, %dma_wait3A_760, %dma_wait3A_768] : memref<3x16x1024xf32, #tpu.memory_space<vmem>> -> memref<1x1x1024xf32, #tpu.memory_space<vmem>>
      %dma_wait3A_770 = tpu.memref_squeeze %dma_wait3A_769 : memref<1x1x1024xf32, #tpu.memory_space<vmem>> -> memref<1024xf32, #tpu.memory_space<vmem>>
      %dma_wait3A_771 = arith.constant 0 : i32
      %dma_wait3A_772 = tpu.memref_slice %arg7[%dma_wait3A_771] : memref<1024000xf32, #tpu.memory_space<vmem_shared>> -> memref<1024xf32, #tpu.memory_space<vmem_shared>>
      tpu.wait_dma2 semaphore(%dma_wait3A_767 : memref<!tpu.dma_semaphore, #tpu.memory_space<semaphore_mem>>) src(%dma_wait3A_772 : memref<1024xf32, #tpu.memory_space<vmem_shared>>) dst(%dma_wait3A_770 : memref<1024xf32, #tpu.memory_space<vmem>>)
      %dma_wait3A_773 = arith.constant 0 : i32
      %dma_wait3A_774 = arith.constant 0 : i32
      %dma_wait3A_775 = tpu.memref_slice %arg6[%select_n3A_603, %dma_wait3A_773, %dma_wait3A_774] : memref<3x16x1024xf32, #tpu.memory_space<vmem>> -> memref<1x1x1024xf32, #tpu.memory_space<vmem>>
      %dma_wait3A_776 = tpu.memref_squeeze %dma_wait3A_775 : memref<1x1x1024xf32, #tpu.memory_space<vmem>> -> memref<1024xf32, #tpu.memory_space<vmem>>
      %dma_wait3A_777 = arith.constant 0 : i32
      %dma_wait3A_778 = tpu.memref_slice %arg7[%dma_wait3A_777] : memref<1024000xf32, #tpu.memory_space<vmem_shared>> -> memref<1024xf32, #tpu.memory_space<vmem_shared>>
      %dma_wait3A_779 = tpu.memref_slice %arg8[%select_n3A_603] : memref<3x!tpu.dma_semaphore, #tpu.memory_space<semaphore_mem>> -> memref<1x!tpu.dma_semaphore, #tpu.memory_space<semaphore_mem>>
      %dma_wait3A_780 = tpu.memref_squeeze %dma_wait3A_779 : memref<1x!tpu.dma_semaphore, #tpu.memory_space<semaphore_mem>> -> memref<!tpu.dma_semaphore, #tpu.memory_space<semaphore_mem>>
      %dma_wait3A_781 = arith.constant 0 : i32
      %dma_wait3A_782 = tpu.memref_slice %arg6[%select_n3A_603, %dma_wait3A_773, %dma_wait3A_781] : memref<3x16x1024xf32, #tpu.memory_space<vmem>> -> memref<1x1x1024xf32, #tpu.memory_space<vmem>>
      %dma_wait3A_783 = tpu.memref_squeeze %dma_wait3A_782 : memref<1x1x1024xf32, #tpu.memory_space<vmem>> -> memref<1024xf32, #tpu.memory_space<vmem>>
      %dma_wait3A_784 = arith.constant 0 : i32
      %dma_wait3A_785 = tpu.memref_slice %arg7[%dma_wait3A_784] : memref<1024000xf32, #tpu.memory_space<vmem_shared>> -> memref<1024xf32, #tpu.memory_space<vmem_shared>>
      tpu.wait_dma2 semaphore(%dma_wait3A_780 : memref<!tpu.dma_semaphore, #tpu.memory_space<semaphore_mem>>) src(%dma_wait3A_785 : memref<1024xf32, #tpu.memory_space<vmem_shared>>) dst(%dma_wait3A_783 : memref<1024xf32, #tpu.memory_space<vmem>>)
      %dma_wait3A_786 = arith.constant 0 : i32
      %dma_wait3A_787 = arith.constant 0 : i32
      %dma_wait3A_788 = tpu.memref_slice %arg6[%select_n3A_603, %dma_wait3A_786, %dma_wait3A_787] : memref<3x16x1024xf32, #tpu.memory_space<vmem>> -> memref<1x1x1024xf32, #tpu.memory_space<vmem>>
      %dma_wait3A_789 = tpu.memref_squeeze %dma_wait3A_788 : memref<1x1x1024xf32, #tpu.memory_space<vmem>> -> memref<1024xf32, #tpu.memory_space<vmem>>
      %dma_wait3A_790 = arith.constant 0 : i32
      %dma_wait3A_791 = tpu.memref_slice %arg7[%dma_wait3A_790] : memref<1024000xf32, #tpu.memory_space<vmem_shared>> -> memref<1024xf32, #tpu.memory_space<vmem_shared>>
      %dma_wait3A_792 = tpu.memref_slice %arg8[%select_n3A_603] : memref<3x!tpu.dma_semaphore, #tpu.memory_space<semaphore_mem>> -> memref<1x!tpu.dma_semaphore, #tpu.memory_space<semaphore_mem>>
      %dma_wait3A_793 = tpu.memref_squeeze %dma_wait3A_792 : memref<1x!tpu.dma_semaphore, #tpu.memory_space<semaphore_mem>> -> memref<!tpu.dma_semaphore, #tpu.memory_space<semaphore_mem>>
      %dma_wait3A_794 = arith.constant 0 : i32
      %dma_wait3A_795 = tpu.memref_slice %arg6[%select_n3A_603, %dma_wait3A_786, %dma_wait3A_794] : memref<3x16x1024xf32, #tpu.memory_space<vmem>> -> memref<1x1x1024xf32, #tpu.memory_space<vmem>>
      %dma_wait3A_796 = tpu.memref_squeeze %dma_wait3A_795 : memref<1x1x1024xf32, #tpu.memory_space<vmem>> -> memref<1024xf32, #tpu.memory_space<vmem>>
      %dma_wait3A_797 = arith.constant 0 : i32
      %dma_wait3A_798 = tpu.memref_slice %arg7[%dma_wait3A_797] : memref<1024000xf32, #tpu.memory_space<vmem_shared>> -> memref<1024xf32, #tpu.memory_space<vmem_shared>>
      tpu.wait_dma2 semaphore(%dma_wait3A_793 : memref<!tpu.dma_semaphore, #tpu.memory_space<semaphore_mem>>) src(%dma_wait3A_798 : memref<1024xf32, #tpu.memory_space<vmem_shared>>) dst(%dma_wait3A_796 : memref<1024xf32, #tpu.memory_space<vmem>>)
      %dma_wait3A_799 = arith.constant 0 : i32
      %dma_wait3A_800 = arith.constant 0 : i32
      %dma_wait3A_801 = tpu.memref_slice %arg6[%select_n3A_603, %dma_wait3A_799, %dma_wait3A_800] : memref<3x16x1024xf32, #tpu.memory_space<vmem>> -> memref<1x1x1024xf32, #tpu.memory_space<vmem>>
      %dma_wait3A_802 = tpu.memref_squeeze %dma_wait3A_801 : memref<1x1x1024xf32, #tpu.memory_space<vmem>> -> memref<1024xf32, #tpu.memory_space<vmem>>
      %dma_wait3A_803 = arith.constant 0 : i32
      %dma_wait3A_804 = tpu.memref_slice %arg7[%dma_wait3A_803] : memref<1024000xf32, #tpu.memory_space<vmem_shared>> -> memref<1024xf32, #tpu.memory_space<vmem_shared>>
      %dma_wait3A_805 = tpu.memref_slice %arg8[%select_n3A_603] : memref<3x!tpu.dma_semaphore, #tpu.memory_space<semaphore_mem>> -> memref<1x!tpu.dma_semaphore, #tpu.memory_space<semaphore_mem>>
      %dma_wait3A_806 = tpu.memref_squeeze %dma_wait3A_805 : memref<1x!tpu.dma_semaphore, #tpu.memory_space<semaphore_mem>> -> memref<!tpu.dma_semaphore, #tpu.memory_space<semaphore_mem>>
      %dma_wait3A_807 = arith.constant 0 : i32
      %dma_wait3A_808 = tpu.memref_slice %arg6[%select_n3A_603, %dma_wait3A_799, %dma_wait3A_807] : memref<3x16x1024xf32, #tpu.memory_space<vmem>> -> memref<1x1x1024xf32, #tpu.memory_space<vmem>>
      %dma_wait3A_809 = tpu.memref_squeeze %dma_wait3A_808 : memref<1x1x1024xf32, #tpu.memory_space<vmem>> -> memref<1024xf32, #tpu.memory_space<vmem>>
      %dma_wait3A_810 = arith.constant 0 : i32
      %dma_wait3A_811 = tpu.memref_slice %arg7[%dma_wait3A_810] : memref<1024000xf32, #tpu.memory_space<vmem_shared>> -> memref<1024xf32, #tpu.memory_space<vmem_shared>>
      tpu.wait_dma2 semaphore(%dma_wait3A_806 : memref<!tpu.dma_semaphore, #tpu.memory_space<semaphore_mem>>) src(%dma_wait3A_811 : memref<1024xf32, #tpu.memory_space<vmem_shared>>) dst(%dma_wait3A_809 : memref<1024xf32, #tpu.memory_space<vmem>>)
      %jit3A_812 = arith.constant 3 : i32
      %eq3A_813 = arith.constant 0 : i32
      %eq3A_814 = arith.cmpi eq, %jit3A_812, %eq3A_813 : i32
      %jit3A_815 = arith.constant 1 : i32
      %select_n3A_816 = arith.select %eq3A_814, %jit3A_815, %jit3A_812 : i32
      %rem3A_817 = arith.remsi %scan3A_594, %select_n3A_816 : i32
      %ne3A_818 = arith.constant 0 : i32
      %ne3A_819 = arith.cmpi ne, %rem3A_817, %ne3A_818 : i32
      %lt3A_820 = arith.constant 0 : i32
      %lt3A_821 = arith.cmpi slt, %rem3A_817, %lt3A_820 : i32
      %lt3A_822 = arith.constant 0 : i32
      %lt3A_823 = arith.cmpi slt, %select_n3A_816, %lt3A_822 : i32
      %ne3A_824 = arith.xori %lt3A_821, %lt3A_823 : i1
      %and3A_825 = arith.andi %ne3A_824, %ne3A_819 : i1
      %add3A_826 = arith.addi %rem3A_817, %select_n3A_816 : i32
      %select_n3A_827 = arith.select %and3A_825, %add3A_826, %rem3A_817 : i32
      %mul3A_828 = arith.constant 16 : i32
      %mul3A_829 = arith.muli %scan3A_594, %mul3A_828 : i32
      %add3A_830 = arith.addi %mul3A_2, %mul3A_829 : i32
      %jit3A_831 = arith.constant 3 : i32
      %eq3A_832 = arith.constant 0 : i32
      %eq3A_833 = arith.cmpi eq, %jit3A_831, %eq3A_832 : i32
      %jit3A_834 = arith.constant 1 : i32
      %select_n3A_835 = arith.select %eq3A_833, %jit3A_834, %jit3A_831 : i32
      %rem3A_836 = arith.remsi %scan3A_594, %select_n3A_835 : i32
      %ne3A_837 = arith.constant 0 : i32
      %ne3A_838 = arith.cmpi ne, %rem3A_836, %ne3A_837 : i32
      %lt3A_839 = arith.constant 0 : i32
      %lt3A_840 = arith.cmpi slt, %rem3A_836, %lt3A_839 : i32
      %lt3A_841 = arith.constant 0 : i32
      %lt3A_842 = arith.cmpi slt, %select_n3A_835, %lt3A_841 : i32
      %ne3A_843 = arith.xori %lt3A_840, %lt3A_842 : i1
      %and3A_844 = arith.andi %ne3A_843, %ne3A_838 : i1
      %add3A_845 = arith.addi %rem3A_836, %select_n3A_835 : i32
      %select_n3A_846 = arith.select %and3A_844, %add3A_845, %rem3A_836 : i32
      %dma_start3A_847 = arith.constant 0 : i32
      %dma_start3A_848 = arith.constant 0 : i32
      %dma_start3A_849 = tpu.memref_slice %arg6[%select_n3A_827, %dma_start3A_847, %dma_start3A_848] : memref<3x16x1024xf32, #tpu.memory_space<vmem>> -> memref<1x16x1024xf32, #tpu.memory_space<vmem>>
      %dma_start3A_850 = tpu.memref_squeeze %dma_start3A_849 : memref<1x16x1024xf32, #tpu.memory_space<vmem>> -> memref<16x1024xf32, #tpu.memory_space<vmem>>
      %dma_start3A_851 = arith.constant 0 : i32
      %dma_start3A_852 = tpu.memref_slice %arg4[%add3A_830, %dma_start3A_851] : memref<16384x1024xf32, #tpu.memory_space<hbm>> -> memref<16x1024xf32, #tpu.memory_space<hbm>>
      %dma_start3A_853 = tpu.memref_slice %arg9[%select_n3A_846] : memref<3x!tpu.dma_semaphore, #tpu.memory_space<semaphore_mem>> -> memref<1x!tpu.dma_semaphore, #tpu.memory_space<semaphore_mem>>
      %dma_start3A_854 = tpu.memref_squeeze %dma_start3A_853 : memref<1x!tpu.dma_semaphore, #tpu.memory_space<semaphore_mem>> -> memref<!tpu.dma_semaphore, #tpu.memory_space<semaphore_mem>>
      %dma_start3A_855 = arith.constant 0 : i32
      %dma_start3A_856 = tpu.memref_slice %arg4[%add3A_830, %dma_start3A_855] : memref<16384x1024xf32, #tpu.memory_space<hbm>> -> memref<16x1024xf32, #tpu.memory_space<hbm>>
      %dma_start3A_857 = arith.constant 0 : i32
      %dma_start3A_858 = arith.constant 0 : i32
      %dma_start3A_859 = tpu.memref_slice %arg6[%select_n3A_827, %dma_start3A_857, %dma_start3A_858] : memref<3x16x1024xf32, #tpu.memory_space<vmem>> -> memref<1x16x1024xf32, #tpu.memory_space<vmem>>
      %dma_start3A_860 = tpu.memref_squeeze %dma_start3A_859 : memref<1x16x1024xf32, #tpu.memory_space<vmem>> -> memref<16x1024xf32, #tpu.memory_space<vmem>>
      tpu.enqueue_dma source(%dma_start3A_860 : memref<16x1024xf32, #tpu.memory_space<vmem>>) target(%dma_start3A_856 : memref<16x1024xf32, #tpu.memory_space<hbm>>) target_semaphore(%dma_start3A_854 : memref<!tpu.dma_semaphore, #tpu.memory_space<semaphore_mem>>)
      %ge3A = arith.constant 2 : i32
      %ge3A_861 = arith.cmpi sge, %scan3A_594, %ge3A : i32
      %convert_element_type3A = arith.extui %ge3A_861 : i1 to i32
      %cond3A = arith.constant 0 : i32
      %cond3A_862 = arith.cmpi ne, %convert_element_type3A, %cond3A : i32
      scf.if %cond3A_862 {
        %sub3A = arith.constant 2 : i32
        %sub3A_870 = arith.subi %scan3A_594, %sub3A : i32
        %jit3A_871 = arith.constant 3 : i32
        %eq3A_872 = arith.constant 0 : i32
        %eq3A_873 = arith.cmpi eq, %jit3A_871, %eq3A_872 : i32
        %jit3A_874 = arith.constant 1 : i32
        %select_n3A_875 = arith.select %eq3A_873, %jit3A_874, %jit3A_871 : i32
        %rem3A_876 = arith.remsi %sub3A_870, %select_n3A_875 : i32
        %ne3A_877 = arith.constant 0 : i32
        %ne3A_878 = arith.cmpi ne, %rem3A_876, %ne3A_877 : i32
        %lt3A_879 = arith.constant 0 : i32
        %lt3A_880 = arith.cmpi slt, %rem3A_876, %lt3A_879 : i32
        %lt3A_881 = arith.constant 0 : i32
        %lt3A_882 = arith.cmpi slt, %select_n3A_875, %lt3A_881 : i32
        %ne3A_883 = arith.xori %lt3A_880, %lt3A_882 : i1
        %and3A_884 = arith.andi %ne3A_883, %ne3A_878 : i1
        %add3A_885 = arith.addi %rem3A_876, %select_n3A_875 : i32
        %select_n3A_886 = arith.select %and3A_884, %add3A_885, %rem3A_876 : i32
        %mul3A_887 = arith.constant 16 : i32
        %mul3A_888 = arith.muli %sub3A_870, %mul3A_887 : i32
        %add3A_889 = arith.addi %mul3A_2, %mul3A_888 : i32
        %jit3A_890 = arith.constant 3 : i32
        %eq3A_891 = arith.constant 0 : i32
        %eq3A_892 = arith.cmpi eq, %jit3A_890, %eq3A_891 : i32
        %jit3A_893 = arith.constant 1 : i32
        %select_n3A_894 = arith.select %eq3A_892, %jit3A_893, %jit3A_890 : i32
        %rem3A_895 = arith.remsi %sub3A_870, %select_n3A_894 : i32
        %ne3A_896 = arith.constant 0 : i32
        %ne3A_897 = arith.cmpi ne, %rem3A_895, %ne3A_896 : i32
        %lt3A_898 = arith.constant 0 : i32
        %lt3A_899 = arith.cmpi slt, %rem3A_895, %lt3A_898 : i32
        %lt3A_900 = arith.constant 0 : i32
        %lt3A_901 = arith.cmpi slt, %select_n3A_894, %lt3A_900 : i32
        %ne3A_902 = arith.xori %lt3A_899, %lt3A_901 : i1
        %and3A_903 = arith.andi %ne3A_902, %ne3A_897 : i1
        %add3A_904 = arith.addi %rem3A_895, %select_n3A_894 : i32
        %select_n3A_905 = arith.select %and3A_903, %add3A_904, %rem3A_895 : i32
        %dma_wait3A_906 = arith.constant 0 : i32
        %dma_wait3A_907 = arith.constant 0 : i32
        %dma_wait3A_908 = tpu.memref_slice %arg6[%select_n3A_886, %dma_wait3A_906, %dma_wait3A_907] : memref<3x16x1024xf32, #tpu.memory_space<vmem>> -> memref<1x16x1024xf32, #tpu.memory_space<vmem>>
        %dma_wait3A_909 = tpu.memref_squeeze %dma_wait3A_908 : memref<1x16x1024xf32, #tpu.memory_space<vmem>> -> memref<16x1024xf32, #tpu.memory_space<vmem>>
        %dma_wait3A_910 = arith.constant 0 : i32
        %dma_wait3A_911 = tpu.memref_slice %arg4[%add3A_889, %dma_wait3A_910] : memref<16384x1024xf32, #tpu.memory_space<hbm>> -> memref<16x1024xf32, #tpu.memory_space<hbm>>
        %dma_wait3A_912 = tpu.memref_slice %arg9[%select_n3A_905] : memref<3x!tpu.dma_semaphore, #tpu.memory_space<semaphore_mem>> -> memref<1x!tpu.dma_semaphore, #tpu.memory_space<semaphore_mem>>
        %dma_wait3A_913 = tpu.memref_squeeze %dma_wait3A_912 : memref<1x!tpu.dma_semaphore, #tpu.memory_space<semaphore_mem>> -> memref<!tpu.dma_semaphore, #tpu.memory_space<semaphore_mem>>
        %dma_wait3A_914 = arith.constant 0 : i32
        %dma_wait3A_915 = tpu.memref_slice %arg4[%add3A_889, %dma_wait3A_914] : memref<16384x1024xf32, #tpu.memory_space<hbm>> -> memref<16x1024xf32, #tpu.memory_space<hbm>>
        %dma_wait3A_916 = arith.constant 0 : i32
        %dma_wait3A_917 = arith.constant 0 : i32
        %dma_wait3A_918 = tpu.memref_slice %arg6[%select_n3A_886, %dma_wait3A_916, %dma_wait3A_917] : memref<3x16x1024xf32, #tpu.memory_space<vmem>> -> memref<1x16x1024xf32, #tpu.memory_space<vmem>>
        %dma_wait3A_919 = tpu.memref_squeeze %dma_wait3A_918 : memref<1x16x1024xf32, #tpu.memory_space<vmem>> -> memref<16x1024xf32, #tpu.memory_space<vmem>>
        tpu.wait_dma2 semaphore(%dma_wait3A_913 : memref<!tpu.dma_semaphore, #tpu.memory_space<semaphore_mem>>) src(%dma_wait3A_919 : memref<16x1024xf32, #tpu.memory_space<vmem>>) dst(%dma_wait3A_915 : memref<16x1024xf32, #tpu.memory_space<hbm>>)
      } else {
      }
      %add3A_863 = arith.constant 2 : i32
      %add3A_864 = arith.addi %scan3A_594, %add3A_863 : i32
      %lt3A_865 = arith.constant 32 : i32
      %lt3A_866 = arith.cmpi slt, %add3A_864, %lt3A_865 : i32
      %convert_element_type3A_867 = arith.extui %lt3A_866 : i1 to i32
      %cond3A_868 = arith.constant 0 : i32
      %cond3A_869 = arith.cmpi ne, %convert_element_type3A_867, %cond3A_868 : i32
      scf.if %cond3A_869 {
        %add3A_870 = arith.constant 2 : i32
        %add3A_871 = arith.addi %scan3A_594, %add3A_870 : i32
        %jit3A_872 = arith.constant 3 : i32
        %eq3A_873 = arith.constant 0 : i32
        %eq3A_874 = arith.cmpi eq, %jit3A_872, %eq3A_873 : i32
        %jit3A_875 = arith.constant 1 : i32
        %select_n3A_876 = arith.select %eq3A_874, %jit3A_875, %jit3A_872 : i32
        %rem3A_877 = arith.remsi %add3A_871, %select_n3A_876 : i32
        %ne3A_878 = arith.constant 0 : i32
        %ne3A_879 = arith.cmpi ne, %rem3A_877, %ne3A_878 : i32
        %lt3A_880 = arith.constant 0 : i32
        %lt3A_881 = arith.cmpi slt, %rem3A_877, %lt3A_880 : i32
        %lt3A_882 = arith.constant 0 : i32
        %lt3A_883 = arith.cmpi slt, %select_n3A_876, %lt3A_882 : i32
        %ne3A_884 = arith.xori %lt3A_881, %lt3A_883 : i1
        %and3A_885 = arith.andi %ne3A_884, %ne3A_879 : i1
        %add3A_886 = arith.addi %rem3A_877, %select_n3A_876 : i32
        %select_n3A_887 = arith.select %and3A_885, %add3A_886, %rem3A_877 : i32
        %mul3A_888 = arith.constant 16 : i32
        %mul3A_889 = arith.muli %add3A_871, %mul3A_888 : i32
        %get3A_890 = arith.index_cast %mul3A_889 : i32 to index
        %get3A_891 = tpu.vector_load %arg5[%get3A_890] {strides = array<i32>} : memref<512xi32, #tpu.memory_space<vmem>>, vector<16xi32>,
        %get3A_892 = vector.shape_cast %get3A_891 : vector<16xi32> to vector<16xi32>
        %slice3A_893 = vector.extract_strided_slice %get3A_892 {offsets = [0], sizes = [1], strides = [1]} : vector<16xi32> to vector<1xi32>
        %squeeze3A_894 = vector.extract %slice3A_893[0] : i32 from vector<1xi32>
        %mul3A_895 = arith.constant 1024 : i32
        %mul3A_896 = arith.muli %squeeze3A_894, %mul3A_895 : i32
        %dma_start3A_897 = arith.constant 0 : i32
        %dma_start3A_898 = arith.constant 0 : i32
        %dma_start3A_899 = tpu.memref_slice %arg6[%select_n3A_887, %dma_start3A_897, %dma_start3A_898] : memref<3x16x1024xf32, #tpu.memory_space<vmem>> -> memref<1x1x1024xf32, #tpu.memory_space<vmem>>
        %dma_start3A_900 = tpu.memref_squeeze %dma_start3A_899 : memref<1x1x1024xf32, #tpu.memory_space<vmem>> -> memref<1024xf32, #tpu.memory_space<vmem>>
        %dma_start3A_901 = tpu.memref_slice %arg7[%mul3A_896] : memref<1024000xf32, #tpu.memory_space<vmem_shared>> -> memref<1024xf32, #tpu.memory_space<vmem_shared>>
        %dma_start3A_902 = tpu.memref_slice %arg8[%select_n3A_887] : memref<3x!tpu.dma_semaphore, #tpu.memory_space<semaphore_mem>> -> memref<1x!tpu.dma_semaphore, #tpu.memory_space<semaphore_mem>>
        %dma_start3A_903 = tpu.memref_squeeze %dma_start3A_902 : memref<1x!tpu.dma_semaphore, #tpu.memory_space<semaphore_mem>> -> memref<!tpu.dma_semaphore, #tpu.memory_space<semaphore_mem>>
        %dma_start3A_904 = arith.constant 0 : i32
        %dma_start3A_905 = tpu.memref_slice %arg6[%select_n3A_887, %dma_start3A_897, %dma_start3A_904] : memref<3x16x1024xf32, #tpu.memory_space<vmem>> -> memref<1x1x1024xf32, #tpu.memory_space<vmem>>
        %dma_start3A_906 = tpu.memref_squeeze %dma_start3A_905 : memref<1x1x1024xf32, #tpu.memory_space<vmem>> -> memref<1024xf32, #tpu.memory_space<vmem>>
        %dma_start3A_907 = tpu.memref_slice %arg7[%mul3A_896] : memref<1024000xf32, #tpu.memory_space<vmem_shared>> -> memref<1024xf32, #tpu.memory_space<vmem_shared>>
        tpu.enqueue_dma source(%dma_start3A_907 : memref<1024xf32, #tpu.memory_space<vmem_shared>>) target(%dma_start3A_906 : memref<1024xf32, #tpu.memory_space<vmem>>) target_semaphore(%dma_start3A_903 : memref<!tpu.dma_semaphore, #tpu.memory_space<semaphore_mem>>)
        %slice3A_908 = vector.extract_strided_slice %get3A_892 {offsets = [1], sizes = [1], strides = [1]} : vector<16xi32> to vector<1xi32>
        %squeeze3A_909 = vector.extract %slice3A_908[0] : i32 from vector<1xi32>
        %mul3A_910 = arith.constant 1024 : i32
        %mul3A_911 = arith.muli %squeeze3A_909, %mul3A_910 : i32
        %dma_start3A_912 = arith.constant 1 : i32
        %dma_start3A_913 = arith.constant 0 : i32
        %dma_start3A_914 = tpu.memref_slice %arg6[%select_n3A_887, %dma_start3A_912, %dma_start3A_913] : memref<3x16x1024xf32, #tpu.memory_space<vmem>> -> memref<1x1x1024xf32, #tpu.memory_space<vmem>>
        %dma_start3A_915 = tpu.memref_squeeze %dma_start3A_914 : memref<1x1x1024xf32, #tpu.memory_space<vmem>> -> memref<1024xf32, #tpu.memory_space<vmem>>
        %dma_start3A_916 = tpu.memref_slice %arg7[%mul3A_911] : memref<1024000xf32, #tpu.memory_space<vmem_shared>> -> memref<1024xf32, #tpu.memory_space<vmem_shared>>
        %dma_start3A_917 = tpu.memref_slice %arg8[%select_n3A_887] : memref<3x!tpu.dma_semaphore, #tpu.memory_space<semaphore_mem>> -> memref<1x!tpu.dma_semaphore, #tpu.memory_space<semaphore_mem>>
        %dma_start3A_918 = tpu.memref_squeeze %dma_start3A_917 : memref<1x!tpu.dma_semaphore, #tpu.memory_space<semaphore_mem>> -> memref<!tpu.dma_semaphore, #tpu.memory_space<semaphore_mem>>
        %dma_start3A_919 = arith.constant 0 : i32
        %dma_start3A_920 = tpu.memref_slice %arg6[%select_n3A_887, %dma_start3A_912, %dma_start3A_919] : memref<3x16x1024xf32, #tpu.memory_space<vmem>> -> memref<1x1x1024xf32, #tpu.memory_space<vmem>>
        %dma_start3A_921 = tpu.memref_squeeze %dma_start3A_920 : memref<1x1x1024xf32, #tpu.memory_space<vmem>> -> memref<1024xf32, #tpu.memory_space<vmem>>
        %dma_start3A_922 = tpu.memref_slice %arg7[%mul3A_911] : memref<1024000xf32, #tpu.memory_space<vmem_shared>> -> memref<1024xf32, #tpu.memory_space<vmem_shared>>
        tpu.enqueue_dma source(%dma_start3A_922 : memref<1024xf32, #tpu.memory_space<vmem_shared>>) target(%dma_start3A_921 : memref<1024xf32, #tpu.memory_space<vmem>>) target_semaphore(%dma_start3A_918 : memref<!tpu.dma_semaphore, #tpu.memory_space<semaphore_mem>>)
        %slice3A_923 = vector.extract_strided_slice %get3A_892 {offsets = [2], sizes = [1], strides = [1]} : vector<16xi32> to vector<1xi32>
        %squeeze3A_924 = vector.extract %slice3A_923[0] : i32 from vector<1xi32>
        %mul3A_925 = arith.constant 1024 : i32
        %mul3A_926 = arith.muli %squeeze3A_924, %mul3A_925 : i32
        %dma_start3A_927 = arith.constant 2 : i32
        %dma_start3A_928 = arith.constant 0 : i32
        %dma_start3A_929 = tpu.memref_slice %arg6[%select_n3A_887, %dma_start3A_927, %dma_start3A_928] : memref<3x16x1024xf32, #tpu.memory_space<vmem>> -> memref<1x1x1024xf32, #tpu.memory_space<vmem>>
        %dma_start3A_930 = tpu.memref_squeeze %dma_start3A_929 : memref<1x1x1024xf32, #tpu.memory_space<vmem>> -> memref<1024xf32, #tpu.memory_space<vmem>>
        %dma_start3A_931 = tpu.memref_slice %arg7[%mul3A_926] : memref<1024000xf32, #tpu.memory_space<vmem_shared>> -> memref<1024xf32, #tpu.memory_space<vmem_shared>>
        %dma_start3A_932 = tpu.memref_slice %arg8[%select_n3A_887] : memref<3x!tpu.dma_semaphore, #tpu.memory_space<semaphore_mem>> -> memref<1x!tpu.dma_semaphore, #tpu.memory_space<semaphore_mem>>
        %dma_start3A_933 = tpu.memref_squeeze %dma_start3A_932 : memref<1x!tpu.dma_semaphore, #tpu.memory_space<semaphore_mem>> -> memref<!tpu.dma_semaphore, #tpu.memory_space<semaphore_mem>>
        %dma_start3A_934 = arith.constant 0 : i32
        %dma_start3A_935 = tpu.memref_slice %arg6[%select_n3A_887, %dma_start3A_927, %dma_start3A_934] : memref<3x16x1024xf32, #tpu.memory_space<vmem>> -> memref<1x1x1024xf32, #tpu.memory_space<vmem>>
        %dma_start3A_936 = tpu.memref_squeeze %dma_start3A_935 : memref<1x1x1024xf32, #tpu.memory_space<vmem>> -> memref<1024xf32, #tpu.memory_space<vmem>>
        %dma_start3A_937 = tpu.memref_slice %arg7[%mul3A_926] : memref<1024000xf32, #tpu.memory_space<vmem_shared>> -> memref<1024xf32, #tpu.memory_space<vmem_shared>>
        tpu.enqueue_dma source(%dma_start3A_937 : memref<1024xf32, #tpu.memory_space<vmem_shared>>) target(%dma_start3A_936 : memref<1024xf32, #tpu.memory_space<vmem>>) target_semaphore(%dma_start3A_933 : memref<!tpu.dma_semaphore, #tpu.memory_space<semaphore_mem>>)
        %slice3A_938 = vector.extract_strided_slice %get3A_892 {offsets = [3], sizes = [1], strides = [1]} : vector<16xi32> to vector<1xi32>
        %squeeze3A_939 = vector.extract %slice3A_938[0] : i32 from vector<1xi32>
        %mul3A_940 = arith.constant 1024 : i32
        %mul3A_941 = arith.muli %squeeze3A_939, %mul3A_940 : i32
        %dma_start3A_942 = arith.constant 3 : i32
        %dma_start3A_943 = arith.constant 0 : i32
        %dma_start3A_944 = tpu.memref_slice %arg6[%select_n3A_887, %dma_start3A_942, %dma_start3A_943] : memref<3x16x1024xf32, #tpu.memory_space<vmem>> -> memref<1x1x1024xf32, #tpu.memory_space<vmem>>
        %dma_start3A_945 = tpu.memref_squeeze %dma_start3A_944 : memref<1x1x1024xf32, #tpu.memory_space<vmem>> -> memref<1024xf32, #tpu.memory_space<vmem>>
        %dma_start3A_946 = tpu.memref_slice %arg7[%mul3A_941] : memref<1024000xf32, #tpu.memory_space<vmem_shared>> -> memref<1024xf32, #tpu.memory_space<vmem_shared>>
        %dma_start3A_947 = tpu.memref_slice %arg8[%select_n3A_887] : memref<3x!tpu.dma_semaphore, #tpu.memory_space<semaphore_mem>> -> memref<1x!tpu.dma_semaphore, #tpu.memory_space<semaphore_mem>>
        %dma_start3A_948 = tpu.memref_squeeze %dma_start3A_947 : memref<1x!tpu.dma_semaphore, #tpu.memory_space<semaphore_mem>> -> memref<!tpu.dma_semaphore, #tpu.memory_space<semaphore_mem>>
        %dma_start3A_949 = arith.constant 0 : i32
        %dma_start3A_950 = tpu.memref_slice %arg6[%select_n3A_887, %dma_start3A_942, %dma_start3A_949] : memref<3x16x1024xf32, #tpu.memory_space<vmem>> -> memref<1x1x1024xf32, #tpu.memory_space<vmem>>
        %dma_start3A_951 = tpu.memref_squeeze %dma_start3A_950 : memref<1x1x1024xf32, #tpu.memory_space<vmem>> -> memref<1024xf32, #tpu.memory_space<vmem>>
        %dma_start3A_952 = tpu.memref_slice %arg7[%mul3A_941] : memref<1024000xf32, #tpu.memory_space<vmem_shared>> -> memref<1024xf32, #tpu.memory_space<vmem_shared>>
        tpu.enqueue_dma source(%dma_start3A_952 : memref<1024xf32, #tpu.memory_space<vmem_shared>>) target(%dma_start3A_951 : memref<1024xf32, #tpu.memory_space<vmem>>) target_semaphore(%dma_start3A_948 : memref<!tpu.dma_semaphore, #tpu.memory_space<semaphore_mem>>)
        %slice3A_953 = vector.extract_strided_slice %get3A_892 {offsets = [4], sizes = [1], strides = [1]} : vector<16xi32> to vector<1xi32>
        %squeeze3A_954 = vector.extract %slice3A_953[0] : i32 from vector<1xi32>
        %mul3A_955 = arith.constant 1024 : i32
        %mul3A_956 = arith.muli %squeeze3A_954, %mul3A_955 : i32
        %dma_start3A_957 = arith.constant 4 : i32
        %dma_start3A_958 = arith.constant 0 : i32
        %dma_start3A_959 = tpu.memref_slice %arg6[%select_n3A_887, %dma_start3A_957, %dma_start3A_958] : memref<3x16x1024xf32, #tpu.memory_space<vmem>> -> memref<1x1x1024xf32, #tpu.memory_space<vmem>>
        %dma_start3A_960 = tpu.memref_squeeze %dma_start3A_959 : memref<1x1x1024xf32, #tpu.memory_space<vmem>> -> memref<1024xf32, #tpu.memory_space<vmem>>
        %dma_start3A_961 = tpu.memref_slice %arg7[%mul3A_956] : memref<1024000xf32, #tpu.memory_space<vmem_shared>> -> memref<1024xf32, #tpu.memory_space<vmem_shared>>
        %dma_start3A_962 = tpu.memref_slice %arg8[%select_n3A_887] : memref<3x!tpu.dma_semaphore, #tpu.memory_space<semaphore_mem>> -> memref<1x!tpu.dma_semaphore, #tpu.memory_space<semaphore_mem>>
        %dma_start3A_963 = tpu.memref_squeeze %dma_start3A_962 : memref<1x!tpu.dma_semaphore, #tpu.memory_space<semaphore_mem>> -> memref<!tpu.dma_semaphore, #tpu.memory_space<semaphore_mem>>
        %dma_start3A_964 = arith.constant 0 : i32
        %dma_start3A_965 = tpu.memref_slice %arg6[%select_n3A_887, %dma_start3A_957, %dma_start3A_964] : memref<3x16x1024xf32, #tpu.memory_space<vmem>> -> memref<1x1x1024xf32, #tpu.memory_space<vmem>>
        %dma_start3A_966 = tpu.memref_squeeze %dma_start3A_965 : memref<1x1x1024xf32, #tpu.memory_space<vmem>> -> memref<1024xf32, #tpu.memory_space<vmem>>
        %dma_start3A_967 = tpu.memref_slice %arg7[%mul3A_956] : memref<1024000xf32, #tpu.memory_space<vmem_shared>> -> memref<1024xf32, #tpu.memory_space<vmem_shared>>
        tpu.enqueue_dma source(%dma_start3A_967 : memref<1024xf32, #tpu.memory_space<vmem_shared>>) target(%dma_start3A_966 : memref<1024xf32, #tpu.memory_space<vmem>>) target_semaphore(%dma_start3A_963 : memref<!tpu.dma_semaphore, #tpu.memory_space<semaphore_mem>>)
        %slice3A_968 = vector.extract_strided_slice %get3A_892 {offsets = [5], sizes = [1], strides = [1]} : vector<16xi32> to vector<1xi32>
        %squeeze3A_969 = vector.extract %slice3A_968[0] : i32 from vector<1xi32>
        %mul3A_970 = arith.constant 1024 : i32
        %mul3A_971 = arith.muli %squeeze3A_969, %mul3A_970 : i32
        %dma_start3A_972 = arith.constant 5 : i32
        %dma_start3A_973 = arith.constant 0 : i32
        %dma_start3A_974 = tpu.memref_slice %arg6[%select_n3A_887, %dma_start3A_972, %dma_start3A_973] : memref<3x16x1024xf32, #tpu.memory_space<vmem>> -> memref<1x1x1024xf32, #tpu.memory_space<vmem>>
        %dma_start3A_975 = tpu.memref_squeeze %dma_start3A_974 : memref<1x1x1024xf32, #tpu.memory_space<vmem>> -> memref<1024xf32, #tpu.memory_space<vmem>>
        %dma_start3A_976 = tpu.memref_slice %arg7[%mul3A_971] : memref<1024000xf32, #tpu.memory_space<vmem_shared>> -> memref<1024xf32, #tpu.memory_space<vmem_shared>>
        %dma_start3A_977 = tpu.memref_slice %arg8[%select_n3A_887] : memref<3x!tpu.dma_semaphore, #tpu.memory_space<semaphore_mem>> -> memref<1x!tpu.dma_semaphore, #tpu.memory_space<semaphore_mem>>
        %dma_start3A_978 = tpu.memref_squeeze %dma_start3A_977 : memref<1x!tpu.dma_semaphore, #tpu.memory_space<semaphore_mem>> -> memref<!tpu.dma_semaphore, #tpu.memory_space<semaphore_mem>>
        %dma_start3A_979 = arith.constant 0 : i32
        %dma_start3A_980 = tpu.memref_slice %arg6[%select_n3A_887, %dma_start3A_972, %dma_start3A_979] : memref<3x16x1024xf32, #tpu.memory_space<vmem>> -> memref<1x1x1024xf32, #tpu.memory_space<vmem>>
        %dma_start3A_981 = tpu.memref_squeeze %dma_start3A_980 : memref<1x1x1024xf32, #tpu.memory_space<vmem>> -> memref<1024xf32, #tpu.memory_space<vmem>>
        %dma_start3A_982 = tpu.memref_slice %arg7[%mul3A_971] : memref<1024000xf32, #tpu.memory_space<vmem_shared>> -> memref<1024xf32, #tpu.memory_space<vmem_shared>>
        tpu.enqueue_dma source(%dma_start3A_982 : memref<1024xf32, #tpu.memory_space<vmem_shared>>) target(%dma_start3A_981 : memref<1024xf32, #tpu.memory_space<vmem>>) target_semaphore(%dma_start3A_978 : memref<!tpu.dma_semaphore, #tpu.memory_space<semaphore_mem>>)
        %slice3A_983 = vector.extract_strided_slice %get3A_892 {offsets = [6], sizes = [1], strides = [1]} : vector<16xi32> to vector<1xi32>
        %squeeze3A_984 = vector.extract %slice3A_983[0] : i32 from vector<1xi32>
        %mul3A_985 = arith.constant 1024 : i32
        %mul3A_986 = arith.muli %squeeze3A_984, %mul3A_985 : i32
        %dma_start3A_987 = arith.constant 6 : i32
        %dma_start3A_988 = arith.constant 0 : i32
        %dma_start3A_989 = tpu.memref_slice %arg6[%select_n3A_887, %dma_start3A_987, %dma_start3A_988] : memref<3x16x1024xf32, #tpu.memory_space<vmem>> -> memref<1x1x1024xf32, #tpu.memory_space<vmem>>
        %dma_start3A_990 = tpu.memref_squeeze %dma_start3A_989 : memref<1x1x1024xf32, #tpu.memory_space<vmem>> -> memref<1024xf32, #tpu.memory_space<vmem>>
        %dma_start3A_991 = tpu.memref_slice %arg7[%mul3A_986] : memref<1024000xf32, #tpu.memory_space<vmem_shared>> -> memref<1024xf32, #tpu.memory_space<vmem_shared>>
        %dma_start3A_992 = tpu.memref_slice %arg8[%select_n3A_887] : memref<3x!tpu.dma_semaphore, #tpu.memory_space<semaphore_mem>> -> memref<1x!tpu.dma_semaphore, #tpu.memory_space<semaphore_mem>>
        %dma_start3A_993 = tpu.memref_squeeze %dma_start3A_992 : memref<1x!tpu.dma_semaphore, #tpu.memory_space<semaphore_mem>> -> memref<!tpu.dma_semaphore, #tpu.memory_space<semaphore_mem>>
        %dma_start3A_994 = arith.constant 0 : i32
        %dma_start3A_995 = tpu.memref_slice %arg6[%select_n3A_887, %dma_start3A_987, %dma_start3A_994] : memref<3x16x1024xf32, #tpu.memory_space<vmem>> -> memref<1x1x1024xf32, #tpu.memory_space<vmem>>
        %dma_start3A_996 = tpu.memref_squeeze %dma_start3A_995 : memref<1x1x1024xf32, #tpu.memory_space<vmem>> -> memref<1024xf32, #tpu.memory_space<vmem>>
        %dma_start3A_997 = tpu.memref_slice %arg7[%mul3A_986] : memref<1024000xf32, #tpu.memory_space<vmem_shared>> -> memref<1024xf32, #tpu.memory_space<vmem_shared>>
        tpu.enqueue_dma source(%dma_start3A_997 : memref<1024xf32, #tpu.memory_space<vmem_shared>>) target(%dma_start3A_996 : memref<1024xf32, #tpu.memory_space<vmem>>) target_semaphore(%dma_start3A_993 : memref<!tpu.dma_semaphore, #tpu.memory_space<semaphore_mem>>)
        %slice3A_998 = vector.extract_strided_slice %get3A_892 {offsets = [7], sizes = [1], strides = [1]} : vector<16xi32> to vector<1xi32>
        %squeeze3A_999 = vector.extract %slice3A_998[0] : i32 from vector<1xi32>
        %mul3A_1000 = arith.constant 1024 : i32
        %mul3A_1001 = arith.muli %squeeze3A_999, %mul3A_1000 : i32
        %dma_start3A_1002 = arith.constant 7 : i32
        %dma_start3A_1003 = arith.constant 0 : i32
        %dma_start3A_1004 = tpu.memref_slice %arg6[%select_n3A_887, %dma_start3A_1002, %dma_start3A_1003] : memref<3x16x1024xf32, #tpu.memory_space<vmem>> -> memref<1x1x1024xf32, #tpu.memory_space<vmem>>
        %dma_start3A_1005 = tpu.memref_squeeze %dma_start3A_1004 : memref<1x1x1024xf32, #tpu.memory_space<vmem>> -> memref<1024xf32, #tpu.memory_space<vmem>>
        %dma_start3A_1006 = tpu.memref_slice %arg7[%mul3A_1001] : memref<1024000xf32, #tpu.memory_space<vmem_shared>> -> memref<1024xf32, #tpu.memory_space<vmem_shared>>
        %dma_start3A_1007 = tpu.memref_slice %arg8[%select_n3A_887] : memref<3x!tpu.dma_semaphore, #tpu.memory_space<semaphore_mem>> -> memref<1x!tpu.dma_semaphore, #tpu.memory_space<semaphore_mem>>
        %dma_start3A_1008 = tpu.memref_squeeze %dma_start3A_1007 : memref<1x!tpu.dma_semaphore, #tpu.memory_space<semaphore_mem>> -> memref<!tpu.dma_semaphore, #tpu.memory_space<semaphore_mem>>
        %dma_start3A_1009 = arith.constant 0 : i32
        %dma_start3A_1010 = tpu.memref_slice %arg6[%select_n3A_887, %dma_start3A_1002, %dma_start3A_1009] : memref<3x16x1024xf32, #tpu.memory_space<vmem>> -> memref<1x1x1024xf32, #tpu.memory_space<vmem>>
        %dma_start3A_1011 = tpu.memref_squeeze %dma_start3A_1010 : memref<1x1x1024xf32, #tpu.memory_space<vmem>> -> memref<1024xf32, #tpu.memory_space<vmem>>
        %dma_start3A_1012 = tpu.memref_slice %arg7[%mul3A_1001] : memref<1024000xf32, #tpu.memory_space<vmem_shared>> -> memref<1024xf32, #tpu.memory_space<vmem_shared>>
        tpu.enqueue_dma source(%dma_start3A_1012 : memref<1024xf32, #tpu.memory_space<vmem_shared>>) target(%dma_start3A_1011 : memref<1024xf32, #tpu.memory_space<vmem>>) target_semaphore(%dma_start3A_1008 : memref<!tpu.dma_semaphore, #tpu.memory_space<semaphore_mem>>)
        %slice3A_1013 = vector.extract_strided_slice %get3A_892 {offsets = [8], sizes = [1], strides = [1]} : vector<16xi32> to vector<1xi32>
        %squeeze3A_1014 = vector.extract %slice3A_1013[0] : i32 from vector<1xi32>
        %mul3A_1015 = arith.constant 1024 : i32
        %mul3A_1016 = arith.muli %squeeze3A_1014, %mul3A_1015 : i32
        %dma_start3A_1017 = arith.constant 8 : i32
        %dma_start3A_1018 = arith.constant 0 : i32
        %dma_start3A_1019 = tpu.memref_slice %arg6[%select_n3A_887, %dma_start3A_1017, %dma_start3A_1018] : memref<3x16x1024xf32, #tpu.memory_space<vmem>> -> memref<1x1x1024xf32, #tpu.memory_space<vmem>>
        %dma_start3A_1020 = tpu.memref_squeeze %dma_start3A_1019 : memref<1x1x1024xf32, #tpu.memory_space<vmem>> -> memref<1024xf32, #tpu.memory_space<vmem>>
        %dma_start3A_1021 = tpu.memref_slice %arg7[%mul3A_1016] : memref<1024000xf32, #tpu.memory_space<vmem_shared>> -> memref<1024xf32, #tpu.memory_space<vmem_shared>>
        %dma_start3A_1022 = tpu.memref_slice %arg8[%select_n3A_887] : memref<3x!tpu.dma_semaphore, #tpu.memory_space<semaphore_mem>> -> memref<1x!tpu.dma_semaphore, #tpu.memory_space<semaphore_mem>>
        %dma_start3A_1023 = tpu.memref_squeeze %dma_start3A_1022 : memref<1x!tpu.dma_semaphore, #tpu.memory_space<semaphore_mem>> -> memref<!tpu.dma_semaphore, #tpu.memory_space<semaphore_mem>>
        %dma_start3A_1024 = arith.constant 0 : i32
        %dma_start3A_1025 = tpu.memref_slice %arg6[%select_n3A_887, %dma_start3A_1017, %dma_start3A_1024] : memref<3x16x1024xf32, #tpu.memory_space<vmem>> -> memref<1x1x1024xf32, #tpu.memory_space<vmem>>
        %dma_start3A_1026 = tpu.memref_squeeze %dma_start3A_1025 : memref<1x1x1024xf32, #tpu.memory_space<vmem>> -> memref<1024xf32, #tpu.memory_space<vmem>>
        %dma_start3A_1027 = tpu.memref_slice %arg7[%mul3A_1016] : memref<1024000xf32, #tpu.memory_space<vmem_shared>> -> memref<1024xf32, #tpu.memory_space<vmem_shared>>
        tpu.enqueue_dma source(%dma_start3A_1027 : memref<1024xf32, #tpu.memory_space<vmem_shared>>) target(%dma_start3A_1026 : memref<1024xf32, #tpu.memory_space<vmem>>) target_semaphore(%dma_start3A_1023 : memref<!tpu.dma_semaphore, #tpu.memory_space<semaphore_mem>>)
        %slice3A_1028 = vector.extract_strided_slice %get3A_892 {offsets = [9], sizes = [1], strides = [1]} : vector<16xi32> to vector<1xi32>
        %squeeze3A_1029 = vector.extract %slice3A_1028[0] : i32 from vector<1xi32>
        %mul3A_1030 = arith.constant 1024 : i32
        %mul3A_1031 = arith.muli %squeeze3A_1029, %mul3A_1030 : i32
        %dma_start3A_1032 = arith.constant 9 : i32
        %dma_start3A_1033 = arith.constant 0 : i32
        %dma_start3A_1034 = tpu.memref_slice %arg6[%select_n3A_887, %dma_start3A_1032, %dma_start3A_1033] : memref<3x16x1024xf32, #tpu.memory_space<vmem>> -> memref<1x1x1024xf32, #tpu.memory_space<vmem>>
        %dma_start3A_1035 = tpu.memref_squeeze %dma_start3A_1034 : memref<1x1x1024xf32, #tpu.memory_space<vmem>> -> memref<1024xf32, #tpu.memory_space<vmem>>
        %dma_start3A_1036 = tpu.memref_slice %arg7[%mul3A_1031] : memref<1024000xf32, #tpu.memory_space<vmem_shared>> -> memref<1024xf32, #tpu.memory_space<vmem_shared>>
        %dma_start3A_1037 = tpu.memref_slice %arg8[%select_n3A_887] : memref<3x!tpu.dma_semaphore, #tpu.memory_space<semaphore_mem>> -> memref<1x!tpu.dma_semaphore, #tpu.memory_space<semaphore_mem>>
        %dma_start3A_1038 = tpu.memref_squeeze %dma_start3A_1037 : memref<1x!tpu.dma_semaphore, #tpu.memory_space<semaphore_mem>> -> memref<!tpu.dma_semaphore, #tpu.memory_space<semaphore_mem>>
        %dma_start3A_1039 = arith.constant 0 : i32
        %dma_start3A_1040 = tpu.memref_slice %arg6[%select_n3A_887, %dma_start3A_1032, %dma_start3A_1039] : memref<3x16x1024xf32, #tpu.memory_space<vmem>> -> memref<1x1x1024xf32, #tpu.memory_space<vmem>>
        %dma_start3A_1041 = tpu.memref_squeeze %dma_start3A_1040 : memref<1x1x1024xf32, #tpu.memory_space<vmem>> -> memref<1024xf32, #tpu.memory_space<vmem>>
        %dma_start3A_1042 = tpu.memref_slice %arg7[%mul3A_1031] : memref<1024000xf32, #tpu.memory_space<vmem_shared>> -> memref<1024xf32, #tpu.memory_space<vmem_shared>>
        tpu.enqueue_dma source(%dma_start3A_1042 : memref<1024xf32, #tpu.memory_space<vmem_shared>>) target(%dma_start3A_1041 : memref<1024xf32, #tpu.memory_space<vmem>>) target_semaphore(%dma_start3A_1038 : memref<!tpu.dma_semaphore, #tpu.memory_space<semaphore_mem>>)
        %slice3A_1043 = vector.extract_strided_slice %get3A_892 {offsets = [10], sizes = [1], strides = [1]} : vector<16xi32> to vector<1xi32>
        %squeeze3A_1044 = vector.extract %slice3A_1043[0] : i32 from vector<1xi32>
        %mul3A_1045 = arith.constant 1024 : i32
        %mul3A_1046 = arith.muli %squeeze3A_1044, %mul3A_1045 : i32
        %dma_start3A_1047 = arith.constant 10 : i32
        %dma_start3A_1048 = arith.constant 0 : i32
        %dma_start3A_1049 = tpu.memref_slice %arg6[%select_n3A_887, %dma_start3A_1047, %dma_start3A_1048] : memref<3x16x1024xf32, #tpu.memory_space<vmem>> -> memref<1x1x1024xf32, #tpu.memory_space<vmem>>
        %dma_start3A_1050 = tpu.memref_squeeze %dma_start3A_1049 : memref<1x1x1024xf32, #tpu.memory_space<vmem>> -> memref<1024xf32, #tpu.memory_space<vmem>>
        %dma_start3A_1051 = tpu.memref_slice %arg7[%mul3A_1046] : memref<1024000xf32, #tpu.memory_space<vmem_shared>> -> memref<1024xf32, #tpu.memory_space<vmem_shared>>
        %dma_start3A_1052 = tpu.memref_slice %arg8[%select_n3A_887] : memref<3x!tpu.dma_semaphore, #tpu.memory_space<semaphore_mem>> -> memref<1x!tpu.dma_semaphore, #tpu.memory_space<semaphore_mem>>
        %dma_start3A_1053 = tpu.memref_squeeze %dma_start3A_1052 : memref<1x!tpu.dma_semaphore, #tpu.memory_space<semaphore_mem>> -> memref<!tpu.dma_semaphore, #tpu.memory_space<semaphore_mem>>
        %dma_start3A_1054 = arith.constant 0 : i32
        %dma_start3A_1055 = tpu.memref_slice %arg6[%select_n3A_887, %dma_start3A_1047, %dma_start3A_1054] : memref<3x16x1024xf32, #tpu.memory_space<vmem>> -> memref<1x1x1024xf32, #tpu.memory_space<vmem>>
        %dma_start3A_1056 = tpu.memref_squeeze %dma_start3A_1055 : memref<1x1x1024xf32, #tpu.memory_space<vmem>> -> memref<1024xf32, #tpu.memory_space<vmem>>
        %dma_start3A_1057 = tpu.memref_slice %arg7[%mul3A_1046] : memref<1024000xf32, #tpu.memory_space<vmem_shared>> -> memref<1024xf32, #tpu.memory_space<vmem_shared>>
        tpu.enqueue_dma source(%dma_start3A_1057 : memref<1024xf32, #tpu.memory_space<vmem_shared>>) target(%dma_start3A_1056 : memref<1024xf32, #tpu.memory_space<vmem>>) target_semaphore(%dma_start3A_1053 : memref<!tpu.dma_semaphore, #tpu.memory_space<semaphore_mem>>)
        %slice3A_1058 = vector.extract_strided_slice %get3A_892 {offsets = [11], sizes = [1], strides = [1]} : vector<16xi32> to vector<1xi32>
        %squeeze3A_1059 = vector.extract %slice3A_1058[0] : i32 from vector<1xi32>
        %mul3A_1060 = arith.constant 1024 : i32
        %mul3A_1061 = arith.muli %squeeze3A_1059, %mul3A_1060 : i32
        %dma_start3A_1062 = arith.constant 11 : i32
        %dma_start3A_1063 = arith.constant 0 : i32
        %dma_start3A_1064 = tpu.memref_slice %arg6[%select_n3A_887, %dma_start3A_1062, %dma_start3A_1063] : memref<3x16x1024xf32, #tpu.memory_space<vmem>> -> memref<1x1x1024xf32, #tpu.memory_space<vmem>>
        %dma_start3A_1065 = tpu.memref_squeeze %dma_start3A_1064 : memref<1x1x1024xf32, #tpu.memory_space<vmem>> -> memref<1024xf32, #tpu.memory_space<vmem>>
        %dma_start3A_1066 = tpu.memref_slice %arg7[%mul3A_1061] : memref<1024000xf32, #tpu.memory_space<vmem_shared>> -> memref<1024xf32, #tpu.memory_space<vmem_shared>>
        %dma_start3A_1067 = tpu.memref_slice %arg8[%select_n3A_887] : memref<3x!tpu.dma_semaphore, #tpu.memory_space<semaphore_mem>> -> memref<1x!tpu.dma_semaphore, #tpu.memory_space<semaphore_mem>>
        %dma_start3A_1068 = tpu.memref_squeeze %dma_start3A_1067 : memref<1x!tpu.dma_semaphore, #tpu.memory_space<semaphore_mem>> -> memref<!tpu.dma_semaphore, #tpu.memory_space<semaphore_mem>>
        %dma_start3A_1069 = arith.constant 0 : i32
        %dma_start3A_1070 = tpu.memref_slice %arg6[%select_n3A_887, %dma_start3A_1062, %dma_start3A_1069] : memref<3x16x1024xf32, #tpu.memory_space<vmem>> -> memref<1x1x1024xf32, #tpu.memory_space<vmem>>
        %dma_start3A_1071 = tpu.memref_squeeze %dma_start3A_1070 : memref<1x1x1024xf32, #tpu.memory_space<vmem>> -> memref<1024xf32, #tpu.memory_space<vmem>>
        %dma_start3A_1072 = tpu.memref_slice %arg7[%mul3A_1061] : memref<1024000xf32, #tpu.memory_space<vmem_shared>> -> memref<1024xf32, #tpu.memory_space<vmem_shared>>
        tpu.enqueue_dma source(%dma_start3A_1072 : memref<1024xf32, #tpu.memory_space<vmem_shared>>) target(%dma_start3A_1071 : memref<1024xf32, #tpu.memory_space<vmem>>) target_semaphore(%dma_start3A_1068 : memref<!tpu.dma_semaphore, #tpu.memory_space<semaphore_mem>>)
        %slice3A_1073 = vector.extract_strided_slice %get3A_892 {offsets = [12], sizes = [1], strides = [1]} : vector<16xi32> to vector<1xi32>
        %squeeze3A_1074 = vector.extract %slice3A_1073[0] : i32 from vector<1xi32>
        %mul3A_1075 = arith.constant 1024 : i32
        %mul3A_1076 = arith.muli %squeeze3A_1074, %mul3A_1075 : i32
        %dma_start3A_1077 = arith.constant 12 : i32
        %dma_start3A_1078 = arith.constant 0 : i32
        %dma_start3A_1079 = tpu.memref_slice %arg6[%select_n3A_887, %dma_start3A_1077, %dma_start3A_1078] : memref<3x16x1024xf32, #tpu.memory_space<vmem>> -> memref<1x1x1024xf32, #tpu.memory_space<vmem>>
        %dma_start3A_1080 = tpu.memref_squeeze %dma_start3A_1079 : memref<1x1x1024xf32, #tpu.memory_space<vmem>> -> memref<1024xf32, #tpu.memory_space<vmem>>
        %dma_start3A_1081 = tpu.memref_slice %arg7[%mul3A_1076] : memref<1024000xf32, #tpu.memory_space<vmem_shared>> -> memref<1024xf32, #tpu.memory_space<vmem_shared>>
        %dma_start3A_1082 = tpu.memref_slice %arg8[%select_n3A_887] : memref<3x!tpu.dma_semaphore, #tpu.memory_space<semaphore_mem>> -> memref<1x!tpu.dma_semaphore, #tpu.memory_space<semaphore_mem>>
        %dma_start3A_1083 = tpu.memref_squeeze %dma_start3A_1082 : memref<1x!tpu.dma_semaphore, #tpu.memory_space<semaphore_mem>> -> memref<!tpu.dma_semaphore, #tpu.memory_space<semaphore_mem>>
        %dma_start3A_1084 = arith.constant 0 : i32
        %dma_start3A_1085 = tpu.memref_slice %arg6[%select_n3A_887, %dma_start3A_1077, %dma_start3A_1084] : memref<3x16x1024xf32, #tpu.memory_space<vmem>> -> memref<1x1x1024xf32, #tpu.memory_space<vmem>>
        %dma_start3A_1086 = tpu.memref_squeeze %dma_start3A_1085 : memref<1x1x1024xf32, #tpu.memory_space<vmem>> -> memref<1024xf32, #tpu.memory_space<vmem>>
        %dma_start3A_1087 = tpu.memref_slice %arg7[%mul3A_1076] : memref<1024000xf32, #tpu.memory_space<vmem_shared>> -> memref<1024xf32, #tpu.memory_space<vmem_shared>>
        tpu.enqueue_dma source(%dma_start3A_1087 : memref<1024xf32, #tpu.memory_space<vmem_shared>>) target(%dma_start3A_1086 : memref<1024xf32, #tpu.memory_space<vmem>>) target_semaphore(%dma_start3A_1083 : memref<!tpu.dma_semaphore, #tpu.memory_space<semaphore_mem>>)
        %slice3A_1088 = vector.extract_strided_slice %get3A_892 {offsets = [13], sizes = [1], strides = [1]} : vector<16xi32> to vector<1xi32>
        %squeeze3A_1089 = vector.extract %slice3A_1088[0] : i32 from vector<1xi32>
        %mul3A_1090 = arith.constant 1024 : i32
        %mul3A_1091 = arith.muli %squeeze3A_1089, %mul3A_1090 : i32
        %dma_start3A_1092 = arith.constant 13 : i32
        %dma_start3A_1093 = arith.constant 0 : i32
        %dma_start3A_1094 = tpu.memref_slice %arg6[%select_n3A_887, %dma_start3A_1092, %dma_start3A_1093] : memref<3x16x1024xf32, #tpu.memory_space<vmem>> -> memref<1x1x1024xf32, #tpu.memory_space<vmem>>
        %dma_start3A_1095 = tpu.memref_squeeze %dma_start3A_1094 : memref<1x1x1024xf32, #tpu.memory_space<vmem>> -> memref<1024xf32, #tpu.memory_space<vmem>>
        %dma_start3A_1096 = tpu.memref_slice %arg7[%mul3A_1091] : memref<1024000xf32, #tpu.memory_space<vmem_shared>> -> memref<1024xf32, #tpu.memory_space<vmem_shared>>
        %dma_start3A_1097 = tpu.memref_slice %arg8[%select_n3A_887] : memref<3x!tpu.dma_semaphore, #tpu.memory_space<semaphore_mem>> -> memref<1x!tpu.dma_semaphore, #tpu.memory_space<semaphore_mem>>
        %dma_start3A_1098 = tpu.memref_squeeze %dma_start3A_1097 : memref<1x!tpu.dma_semaphore, #tpu.memory_space<semaphore_mem>> -> memref<!tpu.dma_semaphore, #tpu.memory_space<semaphore_mem>>
        %dma_start3A_1099 = arith.constant 0 : i32
        %dma_start3A_1100 = tpu.memref_slice %arg6[%select_n3A_887, %dma_start3A_1092, %dma_start3A_1099] : memref<3x16x1024xf32, #tpu.memory_space<vmem>> -> memref<1x1x1024xf32, #tpu.memory_space<vmem>>
        %dma_start3A_1101 = tpu.memref_squeeze %dma_start3A_1100 : memref<1x1x1024xf32, #tpu.memory_space<vmem>> -> memref<1024xf32, #tpu.memory_space<vmem>>
        %dma_start3A_1102 = tpu.memref_slice %arg7[%mul3A_1091] : memref<1024000xf32, #tpu.memory_space<vmem_shared>> -> memref<1024xf32, #tpu.memory_space<vmem_shared>>
        tpu.enqueue_dma source(%dma_start3A_1102 : memref<1024xf32, #tpu.memory_space<vmem_shared>>) target(%dma_start3A_1101 : memref<1024xf32, #tpu.memory_space<vmem>>) target_semaphore(%dma_start3A_1098 : memref<!tpu.dma_semaphore, #tpu.memory_space<semaphore_mem>>)
        %slice3A_1103 = vector.extract_strided_slice %get3A_892 {offsets = [14], sizes = [1], strides = [1]} : vector<16xi32> to vector<1xi32>
        %squeeze3A_1104 = vector.extract %slice3A_1103[0] : i32 from vector<1xi32>
        %mul3A_1105 = arith.constant 1024 : i32
        %mul3A_1106 = arith.muli %squeeze3A_1104, %mul3A_1105 : i32
        %dma_start3A_1107 = arith.constant 14 : i32
        %dma_start3A_1108 = arith.constant 0 : i32
        %dma_start3A_1109 = tpu.memref_slice %arg6[%select_n3A_887, %dma_start3A_1107, %dma_start3A_1108] : memref<3x16x1024xf32, #tpu.memory_space<vmem>> -> memref<1x1x1024xf32, #tpu.memory_space<vmem>>
        %dma_start3A_1110 = tpu.memref_squeeze %dma_start3A_1109 : memref<1x1x1024xf32, #tpu.memory_space<vmem>> -> memref<1024xf32, #tpu.memory_space<vmem>>
        %dma_start3A_1111 = tpu.memref_slice %arg7[%mul3A_1106] : memref<1024000xf32, #tpu.memory_space<vmem_shared>> -> memref<1024xf32, #tpu.memory_space<vmem_shared>>
        %dma_start3A_1112 = tpu.memref_slice %arg8[%select_n3A_887] : memref<3x!tpu.dma_semaphore, #tpu.memory_space<semaphore_mem>> -> memref<1x!tpu.dma_semaphore, #tpu.memory_space<semaphore_mem>>
        %dma_start3A_1113 = tpu.memref_squeeze %dma_start3A_1112 : memref<1x!tpu.dma_semaphore, #tpu.memory_space<semaphore_mem>> -> memref<!tpu.dma_semaphore, #tpu.memory_space<semaphore_mem>>
        %dma_start3A_1114 = arith.constant 0 : i32
        %dma_start3A_1115 = tpu.memref_slice %arg6[%select_n3A_887, %dma_start3A_1107, %dma_start3A_1114] : memref<3x16x1024xf32, #tpu.memory_space<vmem>> -> memref<1x1x1024xf32, #tpu.memory_space<vmem>>
        %dma_start3A_1116 = tpu.memref_squeeze %dma_start3A_1115 : memref<1x1x1024xf32, #tpu.memory_space<vmem>> -> memref<1024xf32, #tpu.memory_space<vmem>>
        %dma_start3A_1117 = tpu.memref_slice %arg7[%mul3A_1106] : memref<1024000xf32, #tpu.memory_space<vmem_shared>> -> memref<1024xf32, #tpu.memory_space<vmem_shared>>
        tpu.enqueue_dma source(%dma_start3A_1117 : memref<1024xf32, #tpu.memory_space<vmem_shared>>) target(%dma_start3A_1116 : memref<1024xf32, #tpu.memory_space<vmem>>) target_semaphore(%dma_start3A_1113 : memref<!tpu.dma_semaphore, #tpu.memory_space<semaphore_mem>>)
        %slice3A_1118 = vector.extract_strided_slice %get3A_892 {offsets = [15], sizes = [1], strides = [1]} : vector<16xi32> to vector<1xi32>
        %squeeze3A_1119 = vector.extract %slice3A_1118[0] : i32 from vector<1xi32>
        %mul3A_1120 = arith.constant 1024 : i32
        %mul3A_1121 = arith.muli %squeeze3A_1119, %mul3A_1120 : i32
        %dma_start3A_1122 = arith.constant 15 : i32
        %dma_start3A_1123 = arith.constant 0 : i32
        %dma_start3A_1124 = tpu.memref_slice %arg6[%select_n3A_887, %dma_start3A_1122, %dma_start3A_1123] : memref<3x16x1024xf32, #tpu.memory_space<vmem>> -> memref<1x1x1024xf32, #tpu.memory_space<vmem>>
        %dma_start3A_1125 = tpu.memref_squeeze %dma_start3A_1124 : memref<1x1x1024xf32, #tpu.memory_space<vmem>> -> memref<1024xf32, #tpu.memory_space<vmem>>
        %dma_start3A_1126 = tpu.memref_slice %arg7[%mul3A_1121] : memref<1024000xf32, #tpu.memory_space<vmem_shared>> -> memref<1024xf32, #tpu.memory_space<vmem_shared>>
        %dma_start3A_1127 = tpu.memref_slice %arg8[%select_n3A_887] : memref<3x!tpu.dma_semaphore, #tpu.memory_space<semaphore_mem>> -> memref<1x!tpu.dma_semaphore, #tpu.memory_space<semaphore_mem>>
        %dma_start3A_1128 = tpu.memref_squeeze %dma_start3A_1127 : memref<1x!tpu.dma_semaphore, #tpu.memory_space<semaphore_mem>> -> memref<!tpu.dma_semaphore, #tpu.memory_space<semaphore_mem>>
        %dma_start3A_1129 = arith.constant 0 : i32
        %dma_start3A_1130 = tpu.memref_slice %arg6[%select_n3A_887, %dma_start3A_1122, %dma_start3A_1129] : memref<3x16x1024xf32, #tpu.memory_space<vmem>> -> memref<1x1x1024xf32, #tpu.memory_space<vmem>>
        %dma_start3A_1131 = tpu.memref_squeeze %dma_start3A_1130 : memref<1x1x1024xf32, #tpu.memory_space<vmem>> -> memref<1024xf32, #tpu.memory_space<vmem>>
        %dma_start3A_1132 = tpu.memref_slice %arg7[%mul3A_1121] : memref<1024000xf32, #tpu.memory_space<vmem_shared>> -> memref<1024xf32, #tpu.memory_space<vmem_shared>>
        tpu.enqueue_dma source(%dma_start3A_1132 : memref<1024xf32, #tpu.memory_space<vmem_shared>>) target(%dma_start3A_1131 : memref<1024xf32, #tpu.memory_space<vmem>>) target_semaphore(%dma_start3A_1128 : memref<!tpu.dma_semaphore, #tpu.memory_space<semaphore_mem>>)
      } else {
      }
    }
    %scan3A_558 = arith.constant 32 : i32
    %add3A_559 = arith.constant 480 : i32
    %add3A_560 = arith.addi %mul3A_2, %add3A_559 : i32
    %dma_wait3A = arith.constant 0 : i32
    %dma_wait3A_561 = arith.constant 0 : i32
    %dma_wait3A_562 = arith.constant 0 : i32
    %dma_wait3A_563 = arith.constant 0 : i32
    %dma_wait3A_564 = tpu.memref_slice %arg6[%dma_wait3A, %dma_wait3A_562, %dma_wait3A_563] : memref<3x16x1024xf32, #tpu.memory_space<vmem>> -> memref<1x16x1024xf32, #tpu.memory_space<vmem>>
    %dma_wait3A_565 = tpu.memref_squeeze %dma_wait3A_564 : memref<1x16x1024xf32, #tpu.memory_space<vmem>> -> memref<16x1024xf32, #tpu.memory_space<vmem>>
    %dma_wait3A_566 = arith.constant 0 : i32
    %dma_wait3A_567 = tpu.memref_slice %arg4[%add3A_560, %dma_wait3A_566] : memref<16384x1024xf32, #tpu.memory_space<hbm>> -> memref<16x1024xf32, #tpu.memory_space<hbm>>
    %dma_wait3A_568 = tpu.memref_slice %arg9[%dma_wait3A_561] : memref<3x!tpu.dma_semaphore, #tpu.memory_space<semaphore_mem>> -> memref<1x!tpu.dma_semaphore, #tpu.memory_space<semaphore_mem>>
    %dma_wait3A_569 = tpu.memref_squeeze %dma_wait3A_568 : memref<1x!tpu.dma_semaphore, #tpu.memory_space<semaphore_mem>> -> memref<!tpu.dma_semaphore, #tpu.memory_space<semaphore_mem>>
    %dma_wait3A_570 = arith.constant 0 : i32
    %dma_wait3A_571 = tpu.memref_slice %arg4[%add3A_560, %dma_wait3A_570] : memref<16384x1024xf32, #tpu.memory_space<hbm>> -> memref<16x1024xf32, #tpu.memory_space<hbm>>
    %dma_wait3A_572 = arith.constant 0 : i32
    %dma_wait3A_573 = arith.constant 0 : i32
    %dma_wait3A_574 = tpu.memref_slice %arg6[%dma_wait3A, %dma_wait3A_572, %dma_wait3A_573] : memref<3x16x1024xf32, #tpu.memory_space<vmem>> -> memref<1x16x1024xf32, #tpu.memory_space<vmem>>
    %dma_wait3A_575 = tpu.memref_squeeze %dma_wait3A_574 : memref<1x16x1024xf32, #tpu.memory_space<vmem>> -> memref<16x1024xf32, #tpu.memory_space<vmem>>
    tpu.wait_dma2 semaphore(%dma_wait3A_569 : memref<!tpu.dma_semaphore, #tpu.memory_space<semaphore_mem>>) src(%dma_wait3A_575 : memref<16x1024xf32, #tpu.memory_space<vmem>>) dst(%dma_wait3A_571 : memref<16x1024xf32, #tpu.memory_space<hbm>>)
    %add3A_576 = arith.constant 496 : i32
    %add3A_577 = arith.addi %mul3A_2, %add3A_576 : i32
    %dma_wait3A_578 = arith.constant 1 : i32
    %dma_wait3A_579 = arith.constant 1 : i32
    %dma_wait3A_580 = arith.constant 0 : i32
    %dma_wait3A_581 = arith.constant 0 : i32
    %dma_wait3A_582 = tpu.memref_slice %arg6[%dma_wait3A_578, %dma_wait3A_580, %dma_wait3A_581] : memref<3x16x1024xf32, #tpu.memory_space<vmem>> -> memref<1x16x1024xf32, #tpu.memory_space<vmem>>
    %dma_wait3A_583 = tpu.memref_squeeze %dma_wait3A_582 : memref<1x16x1024xf32, #tpu.memory_space<vmem>> -> memref<16x1024xf32, #tpu.memory_space<vmem>>
    %dma_wait3A_584 = arith.constant 0 : i32
    %dma_wait3A_585 = tpu.memref_slice %arg4[%add3A_577, %dma_wait3A_584] : memref<16384x1024xf32, #tpu.memory_space<hbm>> -> memref<16x1024xf32, #tpu.memory_space<hbm>>
    %dma_wait3A_586 = tpu.memref_slice %arg9[%dma_wait3A_579] : memref<3x!tpu.dma_semaphore, #tpu.memory_space<semaphore_mem>> -> memref<1x!tpu.dma_semaphore, #tpu.memory_space<semaphore_mem>>
    %dma_wait3A_587 = tpu.memref_squeeze %dma_wait3A_586 : memref<1x!tpu.dma_semaphore, #tpu.memory_space<semaphore_mem>> -> memref<!tpu.dma_semaphore, #tpu.memory_space<semaphore_mem>>
    %dma_wait3A_588 = arith.constant 0 : i32
    %dma_wait3A_589 = tpu.memref_slice %arg4[%add3A_577, %dma_wait3A_588] : memref<16384x1024xf32, #tpu.memory_space<hbm>> -> memref<16x1024xf32, #tpu.memory_space<hbm>>
    %dma_wait3A_590 = arith.constant 0 : i32
    %dma_wait3A_591 = arith.constant 0 : i32
    %dma_wait3A_592 = tpu.memref_slice %arg6[%dma_wait3A_578, %dma_wait3A_590, %dma_wait3A_591] : memref<3x16x1024xf32, #tpu.memory_space<vmem>> -> memref<1x16x1024xf32, #tpu.memory_space<vmem>>
    %dma_wait3A_593 = tpu.memref_squeeze %dma_wait3A_592 : memref<1x16x1024xf32, #tpu.memory_space<vmem>> -> memref<16x1024xf32, #tpu.memory_space<vmem>>
    tpu.wait_dma2 semaphore(%dma_wait3A_587 : memref<!tpu.dma_semaphore, #tpu.memory_space<semaphore_mem>>) src(%dma_wait3A_593 : memref<16x1024xf32, #tpu.memory_space<vmem>>) dst(%dma_wait3A_589 : memref<16x1024xf32, #tpu.memory_space<hbm>>)
    return
  }
}

</mosaic_0001>

<sc_bundles>
// kernel: _embed.3.cloned.1.call-start
scs
__scs_entry_jumppad:
0x0: {  	(pc) =	sbr.rel $0x88, $3  }
0x1: {  	(tag) =	ssettag $0x0;
	lr =	simm.s32 $0x1  }
0x2: {  	[smem:$0x3F9F] =	sst lr;
	_ =	strace $0xD0000000  }
0x3: {  	_ = 	snop  }
0x4: {  	_ = 	snop  }
0x5: {  	_ = 	snop  }
0x6: {  	_ = 	snop  }
0x7: {  	_ = 	snop  }
__scs_overlays_trampoline_lowered:
0x8: {  	[smem:$0x3FAE] =	sst s0  }
0x9: {  	[smem:$0x3FAF] =	sst s1  }
0xa: {  	[smem:$0x3FB0] =	sst s2  }
0xb: {  	[smem:$0x3FB1] =	sst s3  }
0xc: {  	[smem:$0x3FB2] =	sst s4  }
0xd: {  	[smem:$0x3FB3] =	sst s5  }
0xe: {  	[smem:$0x3FB4] =	sst s6  }
0xf: {  	[smem:$0x3FB5] =	sst s7  }
0x10: {  	[smem:$0x3FB6] =	sst s8  }
0x11: {  	[smem:$0x3FB7] =	sst s9;
	s0 =	simm.s32 @!p0 $0x0  }
0x12: {  	s1 =	sld [smem:$0x3F9D];
	s0 =	simm.s32 @p0 $0x1  }
0x13: {  	[smem:$0x3FB8] =	sst s0;
	s0 =	simm.s32 @!p1 $0x0  }
0x14: {  	s2 =	sld [smem:$0x3F9C];
	s0 =	simm.s32 @p1 $0x1  }
0x15: {  	[smem:$0x3FB9] =	sst s0;
	s0 =	simm.s32 @!p2 $0x0  }
0x16: {  	s3 =	sld [smem:$0x3FDB];
	s0 =	simm.s32 @p2 $0x1  }
0x17: {  	s4 =	simm.s32 $0x1BF5;
	[smem:$0x3FBB] =	sst s0  }
0x18: {  	s0 =	sld [smem:$0x3F9E];
	_ =	swait.ge [sflag:s4], $0x0  }
0x19: {  	s7 =	sld [smem:$0x3F9F]  }
0x1a: {  	s8 =	sadd.s32 $0xFFFFE003, lr  }
0x1b: {  	s9 =	sadd.s32 $0xFFFFFEF7, lr;
	s5 =	simm.s32 $0xFFFFFFFF;
	p2 =	slt.u32 s8, $0xFFFFF086  }
0x1c: {  	p1 =	slt.u32 s9, $0xF7A;
	s5 =	simm.s32 @!p2 $0x0  }
0x1d: {  	s5 =	simm.s32 @p1 $0x1;
	p0 =	seq.s32 s7, s2  }
0x1e: {  	s7 =	smul.u32 @!p0 $0xF7A, s2;
	p2 =	seq.s32 @!p0 s5, $0x0  }
0x1f: {  	s9 =	smul.u32 $0xF7A, s1;
	s8 =	simm.s32 @!p0 $0x1BF5;
	p2 =	por !p2, p0  }
0x20: {  	[sflag:s8] =	ssyncset.s32 @!p0 $0xFFFFF086;
	s6 =	sadd.s32 @!p0 s3, s7;
	s7 =	simm.s32 @!p0 $0x108  }
0x21: {  	s3 =	sadd.s32 s3, s9;
	s6 =	sadd.s32 @!p0 $0x88, s6;
	s7 =	simm.s32 @p2 $0x1082  }
0x22: {  	[simem:s7], [sflag:s8] =	dma.local @!p0 [hbm:s6], $0xF7A  }
0x23: {  	s9 =	sor.u32 $0xD0000000, s2;
	s6 =	simm.s32 $0x108;
	_ =	swait.ge @!p0 [sflag:s8], $0x0  }
0x24: {  	s3 =	sadd.s32 $0x88, s3;
	s6 =	simm.s32 @!p1 $0x1082;
	[sflag:s4] =	ssyncset.s32 $0xFFFFF086  }
0x25: {  	[simem:s6], [sflag:s4] =	dma.local [hbm:s3], $0xF7A  }
0x26: {  	[smem:$0x3F9F] =	sst s1;
	(tag) =	ssettag s2;
	_ =	strace s9  }
0x27: {  	s1 =	sld [smem:$0x3FAF]  }
0x28: {  	s2 =	sld [smem:$0x3FB0]  }
0x29: {  	s4 =	sld [smem:$0x3FB2]  }
0x2a: {  	p0 =	seq.s32 s5, $0x0;
	s5 =	sld [smem:$0x3FB3]  }
0x2b: {  	s6 =	sld [smem:$0x3FB4]  }
0x2c: {  	s7 =	sld [smem:$0x3FB5]  }
0x2d: {  	s3 =	simm.s32 $0x108;
	s8 =	sld [smem:$0x3FB6]  }
0x2e: {  	s3 =	simm.s32 @!p0 $0x1082;
	s9 =	sld [smem:$0x3FB7]  }
0x2f: {  	lr =	sadd.s32 s0, s3;
	s0 =	sld [smem:$0x3FAE]  }
0x30: {  	s3 =	sld [smem:$0x3FB1]  }
0x31: {  	[smem:$0x3FBA] =	sst s10  }
0x32: {  	s10 =	sld [smem:$0x3FB8];
	_ =	sdelay $0x3  }
0x33: {  	p0 =	seq.s32 s10, $0x1;
	s10 =	sld [smem:$0x3FBA];
	_ =	sdelay $0x3  }
0x34: {  	[smem:$0x3FBA] =	sst s10  }
0x35: {  	s10 =	sld [smem:$0x3FB9];
	_ =	sdelay $0x3  }
0x36: {  	p1 =	seq.s32 s10, $0x1;
	s10 =	sld [smem:$0x3FBA];
	_ =	sdelay $0x3  }
0x37: {  	[smem:$0x3FBA] =	sst s10  }
0x38: {  	s10 =	sld [smem:$0x3FBB]  }
0x39: {  	_ = 	snop;
	(pc) =	sbr.ind lr, $3  }
0x3a: {  	_ = 	snop  }
0x3b: {  	_ = 	snop  }
0x3c: {  	p2 =	seq.s32 s10, $0x1;
	s10 =	sld [smem:$0x3FBA]  }
0x3d: {  	_ =	shalt  }
0x3e: {  	_ =	shalt  }
0x3f: {  	_ =	shalt  }
0x40: {  	_ =	shalt  }
0x41: {  	_ =	shalt  }
0x42: {  	_ =	shalt  }
0x43: {  	_ =	shalt  }
0x44: {  	_ =	shalt  }
0x45: {  	_ =	shalt  }
0x46: {  	_ =	shalt  }
0x47: {  	_ =	shalt  }
0x48: {  	_ =	shalt  }
0x49: {  	_ =	shalt  }
0x4a: {  	_ =	shalt  }
0x4b: {  	_ =	shalt  }
0x4c: {  	_ =	shalt  }
0x4d: {  	_ =	shalt  }
0x4e: {  	_ =	shalt  }
0x4f: {  	_ =	shalt  }
0x50: {  	_ =	shalt  }
0x51: {  	_ =	shalt  }
0x52: {  	_ =	shalt  }
0x53: {  	_ =	shalt  }
0x54: {  	_ =	shalt  }
0x55: {  	_ =	shalt  }
0x56: {  	_ =	shalt  }
0x57: {  	_ =	shalt  }
0x58: {  	_ =	shalt  }
0x59: {  	_ =	shalt  }
0x5a: {  	_ =	shalt  }
0x5b: {  	_ =	shalt  }
0x5c: {  	_ =	shalt  }
0x5d: {  	_ =	shalt  }
0x5e: {  	_ =	shalt  }
0x5f: {  	_ =	shalt  }
0x60: {  	_ =	shalt  }
0x61: {  	_ =	shalt  }
0x62: {  	_ =	shalt  }
0x63: {  	_ =	shalt  }
0x64: {  	_ =	shalt  }
0x65: {  	_ =	shalt  }
0x66: {  	_ =	shalt  }
0x67: {  	_ =	shalt  }
0x68: {  	_ =	shalt  }
0x69: {  	_ =	shalt  }
0x6a: {  	_ =	shalt  }
0x6b: {  	_ =	shalt  }
0x6c: {  	_ =	shalt  }
0x6d: {  	_ =	shalt  }
0x6e: {  	_ =	shalt  }
0x6f: {  	_ =	shalt  }
0x70: {  	_ =	shalt  }
0x71: {  	_ =	shalt  }
0x72: {  	_ =	shalt  }
0x73: {  	_ =	shalt  }
0x74: {  	_ =	shalt  }
0x75: {  	_ =	shalt  }
0x76: {  	_ =	shalt  }
0x77: {  	_ =	shalt  }
0x78: {  	_ =	shalt  }
0x79: {  	_ =	shalt  }
0x7a: {  	_ =	shalt  }
0x7b: {  	_ =	shalt  }
0x7c: {  	_ =	shalt  }
0x7d: {  	_ =	shalt  }
0x7e: {  	_ =	shalt  }
0x7f: {  	_ =	shalt  }
0x80: {  	_ =	shalt  }
0x81: {  	_ =	shalt  }
0x82: {  	_ =	shalt  }
0x83: {  	_ =	shalt  }
0x84: {  	_ =	shalt  }
0x85: {  	_ =	shalt  }
0x86: {  	_ =	shalt  }
0x87: {  	_ =	shalt  }
.Lfunc_end0:
.L_simem_size_0:
called_computation_lowered:
.L_overlay_start_0:
0x88: {  	s2 =	sld [smem:$0x3FD9]  }
0x89: {  	s3 =	sld [smem:$0x3FFE];
	_ =	sdelay $0x1  }
0x8a: {  	s1 =	srdreg.scid  }
0x8b: {  	s0 =	sand.u32 $0x1, s1  }
0x8c: {  	s17 =	sshll.u32 s0, $0xA;
	s2 =	sadd.s32 s3, s2  }
0x8d: {  	s2 =	sadd.s32 s2, s17  }
0x8e: {  	[smem:$0x3FC6] =	sst s2  }
0x8f: {  	_ = 	snop  }
0x90: {  	s2 =	sld [smem:$0x3FC9]  }
0x91: {  	s18 =	sld [smem:$0x3FD0];
	(tm) =	ssettm $0x1  }
0x92: {  	s4 =	sld [smem:$0x3FFB];
	_ =	sdelay $0x3  }
0x93: {  	_ =	strace s4  }
0x94: {  	s4 =	sld [smem:$0x3FFC];
	_ =	sdelay $0x3  }
0x95: {  	_ =	strace s4  }
0x96: {  	s4 =	sld [smem:$0x3FFD];
	_ =	sdelay $0x3  }
0x97: {  	_ =	strace s4  }
0x98: {  	_ =	strace $0x8FFFFFFF  }
0x99: {  	s19 =	sld [smem:$0x3FDB];
	_ =	sdelay $0x1  }
0x9a: {  	s5 =	simm.s32 $_scs_section_size  }
0x9b: {  	s6 =	simm.s32 $_size__tile_overlayer_lowered;
	s7 =	simm.s32 $_tile_overlayer_lowered  }
0x9c: {  	s22 =	simm.s32 $0x1BFF;
	s21 =	sshll.u32 s7, $0x1;
	s4 =	sadd.s32 s5, s19  }
0x9d: {  	s8 =	simm.s32 $0x0;
	s20 =	sshll.u32 s6, $0x1;
	s6 =	sadd.s32 s21, s4  }
0x9e: {  	[timem:s8], [sflag:s22] =	dma.local [hbm:s6], s20  }
0x9f: {  	_ =	swait.ge [sflag:s22], s20  }
0xa0: {  	s5 =	ssub.s32 $0x0, s20;
	[sflag:s22] =	ssyncset.done $0x0  }
0xa1: {  	[sflag:s22] =	ssyncadd.s32 s5;
	_ =	sdelay $0x1  }
0xa2: {  	s23 =	simm.s32 $0x1B8B  }
0xa3: {  	_ =	swait.ge [sflag:s23], $0x1  }
0xa4: {  	[sflag:s23] =	ssyncset.done $0x0  }
0xa5: {  	s25 =	simm.s32 $0x1B8E;
	s24 =	sld [smem:$0x3FFE];
	[sflag:s23] =	ssyncadd.s32 $0xFFFFFFFF  }
0xa6: {  	s26 =	simm.s32 $execute0_lowered;
	[smem:$0x3FD2] =	sst s25  }
0xa7: {  	s6 =	sshll.u32 s26, $0x1;
	_ =	strace $0x80000046;
	[dreg:$0x1] =	wrdreg $0xFFFFFFFF  }
0xa8: {  	s28 =	simm.s32 $_size_execute0_lowered;
	s4 =	sadd.s32 s4, s6;
	[dreg:$0x0] =	wrdreg $0x0  }
0xa9: {  	s6 =	sshll.u32 s28, $0x1;
	[dreg:$0x2] =	wrdreg s4  }
0xaa: {  	[dreg:$0x3] =	wrdreg s6  }
0xab: {  	[dreg:$0x4] =	wrdreg $0xC0  }
0xac: {  	_ =	task [dreg:s8], $0x5FFFF  }
0xad: {  	[dreg:$0x1] =	wrdreg $0xFFFFFFFF  }
0xae: {  	[dreg:$0x0] =	wrdreg $0x60  }
0xaf: {  	[dreg:$0x2] =	wrdreg s2  }
0xb0: {  	[dreg:$0x3] =	wrdreg s24  }
0xb1: {  	[dreg:$0x4] =	wrdreg s18  }
0xb2: {  	[dreg:$0x5] =	wrdreg $0xC2000  }
0xb3: {  	[dreg:$0x6] =	wrdreg $0x9  }
0xb4: {  	_ =	task.clear_ibuf [dreg:s8], $0x7FFFF;
	_ =	strace $0x90000046  }
0xb5: {  	s29 =	simm.s32 $0x9;
	_ =	strace $0x80000048  }
0xb6: {  	_ =	swait.ge [sflag:s29], $0x1  }
0xb7: {  	[sflag:s29] =	ssyncadd.s32 $0xFFFFFFFF  }
0xb8: {  	_ =	strace $0x90000048  }
0xb9: {  	_ =	sfence  }
0xba: {  	s30 =	sld [smem:$0x0];
	_ =	sdelay $0x2  }
0xbb: {  	s31 =	sshll.u32 s1, $0xD;
	s1 =	sshrl.u32 s1, $0x2  }
0xbc: {  	s3 =	sand.u32 $0x4000, s31;
	s1 =	sadd.s32 s1, s30  }
0xbd: {  	s0 =	sor.u32 s3, s0;
	s1 =	sshll.u32 s1, $0x11  }
0xbe: {  	s0 =	sor.u32 s1, s0  }
0xbf: {  	s0 =	sadd.s32 $0x8F2B, s0  }
0xc0: {  	[sflag:s0] =	ssyncadd.remote.s32 $0x1  }
0xc1: {  	_ =	sfence.sel $0xFFFF  }
0xc2: {  	[dreg:$0x0] =	wrdreg $0xFFFFFFFF;
	(pc) =	sbr.abs _section_cstart, $3  }
0xc3: {  	[dreg:$0x1] =	wrdreg $0xFFFFFFFF  }
0xc4: {  	_ =	task.clear_ibuf [dreg:s8], $0x2FFFF;
	_ =	strace $0x9FFFFFFF  }
0xc5: {  	(tm) =	ssettm $0x7FFFFFFF  }
tec
execute0_lowered:
.L_overlay_start_1:
0x0: {  	(tag) =	ssettag $0x1  }
0x1: {  	s0 =	rddreg [dreg:$0x0]  }
0x2: {  	s1 =	rddreg [dreg:$0x1]  }
0x3: {  	s6 =	rddreg [dreg:$0x2]  }
0x4: {  	s2 =	rddreg [dreg:$0x3]  }
0x5: {  	s12 =	stileid.u32;
	s4 =	srdreg.scid  }
0x6: {  	s3 =	simm.s32 $0x0;
	s14 =	simm.s32 $0x7900;
	s15 =	simm.s32 $0x7D00  }
0x7: {  	s16 =	simm.s32 $0x8100;
	s17 =	simm.s32 $0x6580;
	s18 =	simm.s32 $0x6980  }
0x8: {  	s19 =	simm.s32 $0x6D80;
	s20 =	simm.s32 $0x7180;
	s21 =	simm.s32 $0x7580  }
0x9: {  	s22 =	simm.s32 $0x7980;
	s23 =	simm.s32 $0x7D80;
	s28 =	simm.s32 $0x0  }
0xa: {  	s5 =	sshll.u32 s12, $0x6;
	s8 =	sand.u32 $0x1, s4;
	[smem:$0x7FF] =	sst s3  }
0xb: {  	s10 =	sshll.u32 s12, $0xA;
	s29 =	sshll.u32 s12, $0x11;
	s7 =	smin.u32 s5, $0x3A8  }
0xc: {  	s9 =	ssub.s32 $0x2, s8;
	_ =	strace $0x80000047;
	s11 =	sshll.u32 s8, $0x9  }
0xd: {  	s5 =	sor.u32 $0x1C07, s5;
	s8 =	sshll.u32 s8, $0x10;
	s24 =	sshll.u32 s7, $0x7  }
0xe: {  	s25 =	sshrl.u32 s9, $0x1;
	s7 =	sshll.u32 s7, $0xA;
	s10 =	sor.u32 s11, s10  }
.Ltmp0:
0xf: {  	s1 =	sadd.s32 s24, s1;
	s9 =	ssub.s32 s9, s25;
	(pc) =	sbr.rel .LBB2_1-.Ltmp0, $4  }
0x10: {  	s26 =	sadd.s32 s7, s2;
	s31 =	sshrl.u32 s10, $0x3;
	s10 =	simm.s32 $0x7  }
0x11: {  	s24 =	simm.s32 $0x8180;
	s25 =	simm.s32 $0x4;
	s4 =	sadd.s32 $0x400, s1  }
0x12: {  	s1 =	sadd.s32 s29, s6;
	s6 =	sadd.s32 s0, s31;
	s7 =	smax.u32 s9, $0x1  }
0x13: {  	s9 =	sshrl.u32 s26, $0x3;
	s26 =	simm.s32 $0x5;
	s30 =	sadd.s32 s8, s1  }
.LBB2_5:
0x14: {  	s28 =	sadd.s32 $0x1, s28  }
0x15: {  	_ =	swait.ge [sflag:s25], $0x4000;
	p0 =	sne.s32 s28, s7  }
.Ltmp1:
0x16: {  	[sflag:s25] =	ssyncset.done $0x0;
	(pc) =	sbr.rel @!p0 .LBB2_6-.Ltmp1, $4  }
0x17: {  	[sflag:s25] =	ssyncadd.s32 $0xFFFFC000  }
0x18: {  	_ =	swait.ge [sflag:s26], $0x4000  }
0x19: {  	[sflag:s26] =	ssyncset.done $0x0  }
0x1a: {  	[sflag:s26] =	ssyncadd.s32 $0xFFFFC000  }
.LBB2_1:
0x1b: {  	[spmem:s9], [sflag:s5] =	dma.local [hbm:s4], $0x2000  }
0x1c: {  	_ =	swait.ge [sflag:s10], $0x2000  }
0x1d: {  	[sflag:s10] =	ssyncset.done $0x0  }
0x1e: {  	[sflag:s10] =	ssyncadd.s32 $0xFFFFE000  }
0x1f: {  	[tilespmem:s3], [sflag:$0x7] =	stream.linear.gather [hbm4b:s6+s3], $0x200, $0x38;
	[tilespmem:$0x1BC00] =	vst v63  }
0x20: {  	_ =	swait.ge [sflag:s10], $0x200  }
0x21: {  	[sflag:s10] =	ssyncset.done $0x0  }
0x22: {  	[sflag:s10] =	ssyncadd.s32 $0xFFFFFE00  }
0x23: {  	[bflag:$0x0] =	sbarrier.arrive $0xFFFF  }
0x24: {  	v0 =	vld [tilespmem:$0x0];
	_ =	sdelay $0x4  }
0x25: {  	v0 =	vshll.u32 v0, $0xC  }
0x26: {  	v0 =	vshra.s32 v0, $0x2  }
0x27: {  	v0 =	vadd.s32 s2, v0  }
0x28: {  	(v2sf) =	vpush v0, $0x0;
	_ =	sdelay $0xe  }
0x29: {  	s1 =	simm.s32 $0x200;
	s0 =	spop (v2sf)  }
0x2a: {  	(v2sf) =	vpush v0, $0x1;
	[tilespmem:s1], [sflag:$0x1] =	stream.linear.gather [spmem:s0], $0x80, $0x38;
	[tilespmem:$0x1BC00] =	vst v63  }
0x2b: {  	s8 =	simm.s32 $0x600;
	s11 =	sadd.s32 $0x80, s0  }
0x2c: {  	[tilespmem:s8], [sflag:$0x1] =	stream.linear.gather [spmem:s11], $0x80, $0x38;
	[tilespmem:$0x1BC00] =	vst v63  }
0x2d: {  	s13 =	simm.s32 $0xA00;
	s12 =	sadd.s32 $0x100, s0  }
0x2e: {  	[tilespmem:s13], [sflag:$0x1] =	stream.linear.gather [spmem:s12], $0x80, $0x38;
	[tilespmem:$0x1BC00] =	vst v63  }
0x2f: {  	s8 =	sadd.s32 $0x180, s0;
	s11 =	simm.s32 $0xE00  }
0x30: {  	[tilespmem:s11], [sflag:$0x1] =	stream.linear.gather [spmem:s8], $0x80, $0x38;
	[tilespmem:$0x1BC00] =	vst v63  }
0x31: {  	s12 =	sadd.s32 $0x200, s0;
	s13 =	simm.s32 $0x1200  }
0x32: {  	[tilespmem:s13], [sflag:$0x1] =	stream.linear.gather [spmem:s12], $0x80, $0x38;
	[tilespmem:$0x1BC00] =	vst v63  }
0x33: {  	s8 =	sadd.s32 $0x280, s0;
	s11 =	simm.s32 $0x1600  }
0x34: {  	[tilespmem:s11], [sflag:$0x1] =	stream.linear.gather [spmem:s8], $0x80, $0x38;
	[tilespmem:$0x1BC00] =	vst v63  }
0x35: {  	s12 =	sadd.s32 $0x300, s0;
	s13 =	simm.s32 $0x1A00  }
0x36: {  	[tilespmem:s13], [sflag:$0x1] =	stream.linear.gather [spmem:s12], $0x80, $0x38;
	[tilespmem:$0x1BC00] =	vst v63  }
0x37: {  	s0 =	sadd.s32 $0x380, s0;
	s8 =	simm.s32 $0x1E00  }
0x38: {  	[tilespmem:s8], [sflag:$0x1] =	stream.linear.gather [spmem:s0], $0x80, $0x38;
	[tilespmem:$0x1BC00] =	vst v63  }
0x39: {  	s11 =	simm.s32 $0x280;
	s0 =	spop (v2sf)  }
0x3a: {  	(v2sf) =	vpush v0, $0x2;
	[tilespmem:s11], [sflag:$0x1] =	stream.linear.gather [spmem:s0], $0x80, $0x38;
	[tilespmem:$0x1BC00] =	vst v63  }
0x3b: {  	s13 =	simm.s32 $0x680;
	s12 =	sadd.s32 $0x80, s0  }
0x3c: {  	[tilespmem:s13], [sflag:$0x1] =	stream.linear.gather [spmem:s12], $0x80, $0x38;
	[tilespmem:$0x1BC00] =	vst v63  }
0x3d: {  	s8 =	sadd.s32 $0x100, s0;
	s11 =	simm.s32 $0xA80  }
0x3e: {  	[tilespmem:s11], [sflag:$0x1] =	stream.linear.gather [spmem:s8], $0x80, $0x38;
	[tilespmem:$0x1BC00] =	vst v63  }
0x3f: {  	s12 =	sadd.s32 $0x180, s0;
	s13 =	simm.s32 $0xE80  }
0x40: {  	[tilespmem:s13], [sflag:$0x1] =	stream.linear.gather [spmem:s12], $0x80, $0x38;
	[tilespmem:$0x1BC00] =	vst v63  }
0x41: {  	s8 =	sadd.s32 $0x200, s0;
	s11 =	simm.s32 $0x1280  }
0x42: {  	[tilespmem:s11], [sflag:$0x1] =	stream.linear.gather [spmem:s8], $0x80, $0x38;
	[tilespmem:$0x1BC00] =	vst v63  }
0x43: {  	s12 =	sadd.s32 $0x280, s0;
	s13 =	simm.s32 $0x1680  }
0x44: {  	[tilespmem:s13], [sflag:$0x1] =	stream.linear.gather [spmem:s12], $0x80, $0x38;
	[tilespmem:$0x1BC00] =	vst v63  }
0x45: {  	s8 =	sadd.s32 $0x300, s0;
	s11 =	simm.s32 $0x1A80  }
0x46: {  	[tilespmem:s11], [sflag:$0x1] =	stream.linear.gather [spmem:s8], $0x80, $0x38;
	[tilespmem:$0x1BC00] =	vst v63  }
0x47: {  	s0 =	sadd.s32 $0x380, s0;
	s12 =	simm.s32 $0x1E80  }
0x48: {  	[tilespmem:s12], [sflag:$0x1] =	stream.linear.gather [spmem:s0], $0x80, $0x38;
	[tilespmem:$0x1BC00] =	vst v63  }
0x49: {  	s13 =	simm.s32 $0x300;
	s0 =	spop (v2sf)  }
0x4a: {  	(v2sf) =	vpush v0, $0x3;
	[tilespmem:s13], [sflag:$0x1] =	stream.linear.gather [spmem:s0], $0x80, $0x38;
	[tilespmem:$0x1BC00] =	vst v63  }
0x4b: {  	s11 =	simm.s32 $0x700;
	s8 =	sadd.s32 $0x80, s0  }
0x4c: {  	[tilespmem:s11], [sflag:$0x1] =	stream.linear.gather [spmem:s8], $0x80, $0x38;
	[tilespmem:$0x1BC00] =	vst v63  }
0x4d: {  	s12 =	sadd.s32 $0x100, s0;
	s13 =	simm.s32 $0xB00  }
0x4e: {  	[tilespmem:s13], [sflag:$0x1] =	stream.linear.gather [spmem:s12], $0x80, $0x38;
	[tilespmem:$0x1BC00] =	vst v63  }
0x4f: {  	s8 =	sadd.s32 $0x180, s0;
	s11 =	simm.s32 $0xF00  }
0x50: {  	[tilespmem:s11], [sflag:$0x1] =	stream.linear.gather [spmem:s8], $0x80, $0x38;
	[tilespmem:$0x1BC00] =	vst v63  }
0x51: {  	s12 =	sadd.s32 $0x200, s0;
	s13 =	simm.s32 $0x1300  }
0x52: {  	[tilespmem:s13], [sflag:$0x1] =	stream.linear.gather [spmem:s12], $0x80, $0x38;
	[tilespmem:$0x1BC00] =	vst v63  }
0x53: {  	s8 =	sadd.s32 $0x280, s0;
	s11 =	simm.s32 $0x1700  }
0x54: {  	[tilespmem:s11], [sflag:$0x1] =	stream.linear.gather [spmem:s8], $0x80, $0x38;
	[tilespmem:$0x1BC00] =	vst v63  }
0x55: {  	s12 =	sadd.s32 $0x300, s0;
	s13 =	simm.s32 $0x1B00  }
0x56: {  	[tilespmem:s13], [sflag:$0x1] =	stream.linear.gather [spmem:s12], $0x80, $0x38;
	[tilespmem:$0x1BC00] =	vst v63  }
0x57: {  	s0 =	sadd.s32 $0x380, s0;
	s8 =	simm.s32 $0x1F00  }
0x58: {  	[tilespmem:s8], [sflag:$0x1] =	stream.linear.gather [spmem:s0], $0x80, $0x38;
	[tilespmem:$0x1BC00] =	vst v63  }
0x59: {  	s11 =	simm.s32 $0x380;
	s0 =	spop (v2sf)  }
0x5a: {  	(v2sf) =	vpush v0, $0x4;
	[tilespmem:s11], [sflag:$0x1] =	stream.linear.gather [spmem:s0], $0x80, $0x38;
	[tilespmem:$0x1BC00] =	vst v63  }
0x5b: {  	s13 =	simm.s32 $0x780;
	s12 =	sadd.s32 $0x80, s0  }
0x5c: {  	[tilespmem:s13], [sflag:$0x1] =	stream.linear.gather [spmem:s12], $0x80, $0x38;
	[tilespmem:$0x1BC00] =	vst v63  }
0x5d: {  	s8 =	sadd.s32 $0x100, s0;
	s11 =	simm.s32 $0xB80  }
0x5e: {  	[tilespmem:s11], [sflag:$0x1] =	stream.linear.gather [spmem:s8], $0x80, $0x38;
	[tilespmem:$0x1BC00] =	vst v63  }
0x5f: {  	s12 =	sadd.s32 $0x180, s0;
	s13 =	simm.s32 $0xF80  }
0x60: {  	[tilespmem:s13], [sflag:$0x1] =	stream.linear.gather [spmem:s12], $0x80, $0x38;
	[tilespmem:$0x1BC00] =	vst v63  }
0x61: {  	s8 =	sadd.s32 $0x200, s0;
	s11 =	simm.s32 $0x1380  }
0x62: {  	[tilespmem:s11], [sflag:$0x1] =	stream.linear.gather [spmem:s8], $0x80, $0x38;
	[tilespmem:$0x1BC00] =	vst v63  }
0x63: {  	s12 =	sadd.s32 $0x280, s0;
	s13 =	simm.s32 $0x1780  }
0x64: {  	[tilespmem:s13], [sflag:$0x1] =	stream.linear.gather [spmem:s12], $0x80, $0x38;
	[tilespmem:$0x1BC00] =	vst v63  }
0x65: {  	s8 =	sadd.s32 $0x300, s0;
	s11 =	simm.s32 $0x1B80  }
0x66: {  	[tilespmem:s11], [sflag:$0x1] =	stream.linear.gather [spmem:s8], $0x80, $0x38;
	[tilespmem:$0x1BC00] =	vst v63  }
0x67: {  	s0 =	sadd.s32 $0x380, s0;
	s12 =	simm.s32 $0x1F80  }
0x68: {  	[tilespmem:s12], [sflag:$0x1] =	stream.linear.gather [spmem:s0], $0x80, $0x38;
	[tilespmem:$0x1BC00] =	vst v63  }
0x69: {  	s13 =	simm.s32 $0x400;
	s0 =	spop (v2sf)  }
0x6a: {  	(v2sf) =	vpush v0, $0x5;
	[tilespmem:s13], [sflag:$0x1] =	stream.linear.gather [spmem:s0], $0x80, $0x38;
	[tilespmem:$0x1BC00] =	vst v63  }
0x6b: {  	s11 =	simm.s32 $0x800;
	s8 =	sadd.s32 $0x80, s0  }
0x6c: {  	[tilespmem:s11], [sflag:$0x1] =	stream.linear.gather [spmem:s8], $0x80, $0x38;
	[tilespmem:$0x1BC00] =	vst v63  }
0x6d: {  	s12 =	sadd.s32 $0x100, s0;
	s13 =	simm.s32 $0xC00  }
0x6e: {  	[tilespmem:s13], [sflag:$0x1] =	stream.linear.gather [spmem:s12], $0x80, $0x38;
	[tilespmem:$0x1BC00] =	vst v63  }
0x6f: {  	s8 =	sadd.s32 $0x180, s0;
	s11 =	simm.s32 $0x1000  }
0x70: {  	[tilespmem:s11], [sflag:$0x1] =	stream.linear.gather [spmem:s8], $0x80, $0x38;
	[tilespmem:$0x1BC00] =	vst v63  }
0x71: {  	s12 =	sadd.s32 $0x200, s0;
	s13 =	simm.s32 $0x1400  }
0x72: {  	[tilespmem:s13], [sflag:$0x1] =	stream.linear.gather [spmem:s12], $0x80, $0x38;
	[tilespmem:$0x1BC00] =	vst v63  }
0x73: {  	s8 =	sadd.s32 $0x280, s0;
	s11 =	simm.s32 $0x1800  }
0x74: {  	[tilespmem:s11], [sflag:$0x1] =	stream.linear.gather [spmem:s8], $0x80, $0x38;
	[tilespmem:$0x1BC00] =	vst v63  }
0x75: {  	s12 =	sadd.s32 $0x300, s0;
	s13 =	simm.s32 $0x1C00  }
0x76: {  	[tilespmem:s13], [sflag:$0x1] =	stream.linear.gather [spmem:s12], $0x80, $0x38;
	[tilespmem:$0x1BC00] =	vst v63  }
0x77: {  	s0 =	sadd.s32 $0x380, s0;
	s8 =	simm.s32 $0x2000  }
0x78: {  	[tilespmem:s8], [sflag:$0x1] =	stream.linear.gather [spmem:s0], $0x80, $0x38;
	[tilespmem:$0x1BC00] =	vst v63  }
0x79: {  	s11 =	simm.s32 $0x480;
	s0 =	spop (v2sf)  }
0x7a: {  	(v2sf) =	vpush v0, $0x6;
	[tilespmem:s11], [sflag:$0x1] =	stream.linear.gather [spmem:s0], $0x80, $0x38;
	[tilespmem:$0x1BC00] =	vst v63  }
0x7b: {  	s13 =	simm.s32 $0x880;
	s12 =	sadd.s32 $0x80, s0  }
0x7c: {  	[tilespmem:s13], [sflag:$0x1] =	stream.linear.gather [spmem:s12], $0x80, $0x38;
	[tilespmem:$0x1BC00] =	vst v63  }
0x7d: {  	s8 =	sadd.s32 $0x100, s0;
	s11 =	simm.s32 $0xC80  }
0x7e: {  	[tilespmem:s11], [sflag:$0x1] =	stream.linear.gather [spmem:s8], $0x80, $0x38;
	[tilespmem:$0x1BC00] =	vst v63  }
0x7f: {  	s12 =	sadd.s32 $0x180, s0;
	s13 =	simm.s32 $0x1080  }
0x80: {  	[tilespmem:s13], [sflag:$0x1] =	stream.linear.gather [spmem:s12], $0x80, $0x38;
	[tilespmem:$0x1BC00] =	vst v63  }
0x81: {  	s8 =	sadd.s32 $0x200, s0;
	s11 =	simm.s32 $0x1480  }
0x82: {  	[tilespmem:s11], [sflag:$0x1] =	stream.linear.gather [spmem:s8], $0x80, $0x38;
	[tilespmem:$0x1BC00] =	vst v63  }
0x83: {  	s12 =	sadd.s32 $0x280, s0;
	s13 =	simm.s32 $0x1880  }
0x84: {  	[tilespmem:s13], [sflag:$0x1] =	stream.linear.gather [spmem:s12], $0x80, $0x38;
	[tilespmem:$0x1BC00] =	vst v63  }
0x85: {  	s8 =	sadd.s32 $0x300, s0;
	s11 =	simm.s32 $0x1C80  }
0x86: {  	[tilespmem:s11], [sflag:$0x1] =	stream.linear.gather [spmem:s8], $0x80, $0x38;
	[tilespmem:$0x1BC00] =	vst v63  }
0x87: {  	s0 =	sadd.s32 $0x380, s0;
	s12 =	simm.s32 $0x2080  }
0x88: {  	[tilespmem:s12], [sflag:$0x1] =	stream.linear.gather [spmem:s0], $0x80, $0x38;
	[tilespmem:$0x1BC00] =	vst v63  }
0x89: {  	s13 =	simm.s32 $0x500;
	s0 =	spop (v2sf)  }
0x8a: {  	(v2sf) =	vpush v0, $0x7;
	[tilespmem:s13], [sflag:$0x1] =	stream.linear.gather [spmem:s0], $0x80, $0x38;
	[tilespmem:$0x1BC00] =	vst v63  }
0x8b: {  	s11 =	simm.s32 $0x900;
	s8 =	sadd.s32 $0x80, s0  }
0x8c: {  	[tilespmem:s11], [sflag:$0x1] =	stream.linear.gather [spmem:s8], $0x80, $0x38;
	[tilespmem:$0x1BC00] =	vst v63  }
0x8d: {  	s12 =	sadd.s32 $0x100, s0;
	s13 =	simm.s32 $0xD00  }
0x8e: {  	[tilespmem:s13], [sflag:$0x1] =	stream.linear.gather [spmem:s12], $0x80, $0x38;
	[tilespmem:$0x1BC00] =	vst v63  }
0x8f: {  	s8 =	sadd.s32 $0x180, s0;
	s11 =	simm.s32 $0x1100  }
0x90: {  	[tilespmem:s11], [sflag:$0x1] =	stream.linear.gather [spmem:s8], $0x80, $0x38;
	[tilespmem:$0x1BC00] =	vst v63  }
0x91: {  	s12 =	sadd.s32 $0x200, s0;
	s13 =	simm.s32 $0x1500  }
0x92: {  	[tilespmem:s13], [sflag:$0x1] =	stream.linear.gather [spmem:s12], $0x80, $0x38;
	[tilespmem:$0x1BC00] =	vst v63  }
0x93: {  	s8 =	sadd.s32 $0x280, s0;
	s11 =	simm.s32 $0x1900  }
0x94: {  	[tilespmem:s11], [sflag:$0x1] =	stream.linear.gather [spmem:s8], $0x80, $0x38;
	[tilespmem:$0x1BC00] =	vst v63  }
0x95: {  	s12 =	sadd.s32 $0x300, s0;
	s13 =	simm.s32 $0x1D00  }
0x96: {  	[tilespmem:s13], [sflag:$0x1] =	stream.linear.gather [spmem:s12], $0x80, $0x38;
	[tilespmem:$0x1BC00] =	vst v63  }
0x97: {  	s0 =	sadd.s32 $0x380, s0;
	s8 =	simm.s32 $0x2100  }
0x98: {  	[tilespmem:s8], [sflag:$0x1] =	stream.linear.gather [spmem:s0], $0x80, $0x38;
	[tilespmem:$0x1BC00] =	vst v63  }
0x99: {  	s11 =	simm.s32 $0x580;
	s0 =	spop (v2sf)  }
0x9a: {  	(v2sf) =	vpush v0, $0x8;
	[tilespmem:s11], [sflag:$0x1] =	stream.linear.gather [spmem:s0], $0x80, $0x38;
	[tilespmem:$0x1BC00] =	vst v63  }
0x9b: {  	s13 =	simm.s32 $0x980;
	s12 =	sadd.s32 $0x80, s0  }
0x9c: {  	[tilespmem:s13], [sflag:$0x1] =	stream.linear.gather [spmem:s12], $0x80, $0x38;
	[tilespmem:$0x1BC00] =	vst v63  }
0x9d: {  	s8 =	sadd.s32 $0x100, s0;
	s11 =	simm.s32 $0xD80  }
0x9e: {  	[tilespmem:s11], [sflag:$0x1] =	stream.linear.gather [spmem:s8], $0x80, $0x38;
	[tilespmem:$0x1BC00] =	vst v63  }
0x9f: {  	s12 =	sadd.s32 $0x180, s0;
	s13 =	simm.s32 $0x1180  }
0xa0: {  	[tilespmem:s13], [sflag:$0x1] =	stream.linear.gather [spmem:s12], $0x80, $0x38;
	[tilespmem:$0x1BC00] =	vst v63  }
0xa1: {  	s8 =	sadd.s32 $0x200, s0;
	s11 =	simm.s32 $0x1580  }
0xa2: {  	[tilespmem:s11], [sflag:$0x1] =	stream.linear.gather [spmem:s8], $0x80, $0x38;
	[tilespmem:$0x1BC00] =	vst v63  }
0xa3: {  	s12 =	sadd.s32 $0x280, s0;
	s13 =	simm.s32 $0x1980  }
0xa4: {  	[tilespmem:s13], [sflag:$0x1] =	stream.linear.gather [spmem:s12], $0x80, $0x38;
	[tilespmem:$0x1BC00] =	vst v63  }
0xa5: {  	s8 =	sadd.s32 $0x300, s0;
	s11 =	simm.s32 $0x1D80  }
0xa6: {  	[tilespmem:s11], [sflag:$0x1] =	stream.linear.gather [spmem:s8], $0x80, $0x38;
	[tilespmem:$0x1BC00] =	vst v63  }
0xa7: {  	s0 =	sadd.s32 $0x380, s0;
	s12 =	simm.s32 $0x2180  }
0xa8: {  	[tilespmem:s12], [sflag:$0x1] =	stream.linear.gather [spmem:s0], $0x80, $0x38;
	[tilespmem:$0x1BC00] =	vst v63  }
0xa9: {  	s13 =	simm.s32 $0x2200;
	s0 =	spop (v2sf)  }
0xaa: {  	(v2sf) =	vpush v0, $0x9;
	[tilespmem:s13], [sflag:$0x1] =	stream.linear.gather [spmem:s0], $0x80, $0x38;
	[tilespmem:$0x1BC00] =	vst v63  }
0xab: {  	s11 =	simm.s32 $0x2600;
	s8 =	sadd.s32 $0x80, s0  }
0xac: {  	[tilespmem:s11], [sflag:$0x1] =	stream.linear.gather [spmem:s8], $0x80, $0x38;
	[tilespmem:$0x1BC00] =	vst v63  }
0xad: {  	s12 =	sadd.s32 $0x100, s0;
	s13 =	simm.s32 $0x2A00  }
0xae: {  	[tilespmem:s13], [sflag:$0x1] =	stream.linear.gather [spmem:s12], $0x80, $0x38;
	[tilespmem:$0x1BC00] =	vst v63  }
0xaf: {  	s8 =	sadd.s32 $0x180, s0;
	s11 =	simm.s32 $0x2E00  }
0xb0: {  	[tilespmem:s11], [sflag:$0x1] =	stream.linear.gather [spmem:s8], $0x80, $0x38;
	[tilespmem:$0x1BC00] =	vst v63  }
0xb1: {  	s12 =	sadd.s32 $0x200, s0;
	s13 =	simm.s32 $0x3200  }
0xb2: {  	[tilespmem:s13], [sflag:$0x1] =	stream.linear.gather [spmem:s12], $0x80, $0x38;
	[tilespmem:$0x1BC00] =	vst v63  }
0xb3: {  	s8 =	sadd.s32 $0x280, s0;
	s11 =	simm.s32 $0x3600  }
0xb4: {  	[tilespmem:s11], [sflag:$0x1] =	stream.linear.gather [spmem:s8], $0x80, $0x38;
	[tilespmem:$0x1BC00] =	vst v63  }
0xb5: {  	s12 =	sadd.s32 $0x300, s0;
	s13 =	simm.s32 $0x3A00  }
0xb6: {  	[tilespmem:s13], [sflag:$0x1] =	stream.linear.gather [spmem:s12], $0x80, $0x38;
	[tilespmem:$0x1BC00] =	vst v63  }
0xb7: {  	s0 =	sadd.s32 $0x380, s0;
	s8 =	simm.s32 $0x3E00  }
0xb8: {  	[tilespmem:s8], [sflag:$0x1] =	stream.linear.gather [spmem:s0], $0x80, $0x38;
	[tilespmem:$0x1BC00] =	vst v63  }
0xb9: {  	s11 =	simm.s32 $0x2280;
	s0 =	spop (v2sf)  }
0xba: {  	(v2sf) =	vpush v0, $0xA;
	[tilespmem:s11], [sflag:$0x1] =	stream.linear.gather [spmem:s0], $0x80, $0x38;
	[tilespmem:$0x1BC00] =	vst v63  }
0xbb: {  	s13 =	simm.s32 $0x2680;
	s12 =	sadd.s32 $0x80, s0  }
0xbc: {  	[tilespmem:s13], [sflag:$0x1] =	stream.linear.gather [spmem:s12], $0x80, $0x38;
	[tilespmem:$0x1BC00] =	vst v63  }
0xbd: {  	s8 =	sadd.s32 $0x100, s0;
	s11 =	simm.s32 $0x2A80  }
0xbe: {  	[tilespmem:s11], [sflag:$0x1] =	stream.linear.gather [spmem:s8], $0x80, $0x38;
	[tilespmem:$0x1BC00] =	vst v63  }
0xbf: {  	s12 =	sadd.s32 $0x180, s0;
	s13 =	simm.s32 $0x2E80  }
0xc0: {  	[tilespmem:s13], [sflag:$0x1] =	stream.linear.gather [spmem:s12], $0x80, $0x38;
	[tilespmem:$0x1BC00] =	vst v63  }
0xc1: {  	s8 =	sadd.s32 $0x200, s0;
	s11 =	simm.s32 $0x3280  }
0xc2: {  	[tilespmem:s11], [sflag:$0x1] =	stream.linear.gather [spmem:s8], $0x80, $0x38;
	[tilespmem:$0x1BC00] =	vst v63  }
0xc3: {  	s12 =	sadd.s32 $0x280, s0;
	s13 =	simm.s32 $0x3680  }
0xc4: {  	[tilespmem:s13], [sflag:$0x1] =	stream.linear.gather [spmem:s12], $0x80, $0x38;
	[tilespmem:$0x1BC00] =	vst v63  }
0xc5: {  	s8 =	sadd.s32 $0x300, s0;
	s11 =	simm.s32 $0x3A80  }
0xc6: {  	[tilespmem:s11], [sflag:$0x1] =	stream.linear.gather [spmem:s8], $0x80, $0x38;
	[tilespmem:$0x1BC00] =	vst v63  }
0xc7: {  	s0 =	sadd.s32 $0x380, s0;
	s12 =	simm.s32 $0x3E80  }
0xc8: {  	[tilespmem:s12], [sflag:$0x1] =	stream.linear.gather [spmem:s0], $0x80, $0x38;
	[tilespmem:$0x1BC00] =	vst v63  }
0xc9: {  	s13 =	simm.s32 $0x2300;
	s0 =	spop (v2sf)  }
0xca: {  	(v2sf) =	vpush v0, $0xB;
	[tilespmem:s13], [sflag:$0x1] =	stream.linear.gather [spmem:s0], $0x80, $0x38;
	[tilespmem:$0x1BC00] =	vst v63  }
0xcb: {  	s11 =	simm.s32 $0x2700;
	s8 =	sadd.s32 $0x80, s0  }
0xcc: {  	[tilespmem:s11], [sflag:$0x1] =	stream.linear.gather [spmem:s8], $0x80, $0x38;
	[tilespmem:$0x1BC00] =	vst v63  }
0xcd: {  	s12 =	sadd.s32 $0x100, s0;
	s13 =	simm.s32 $0x2B00  }
0xce: {  	[tilespmem:s13], [sflag:$0x1] =	stream.linear.gather [spmem:s12], $0x80, $0x38;
	[tilespmem:$0x1BC00] =	vst v63  }
0xcf: {  	s8 =	sadd.s32 $0x180, s0;
	s11 =	simm.s32 $0x2F00  }
0xd0: {  	[tilespmem:s11], [sflag:$0x1] =	stream.linear.gather [spmem:s8], $0x80, $0x38;
	[tilespmem:$0x1BC00] =	vst v63  }
0xd1: {  	s12 =	sadd.s32 $0x200, s0;
	s13 =	simm.s32 $0x3300  }
0xd2: {  	[tilespmem:s13], [sflag:$0x1] =	stream.linear.gather [spmem:s12], $0x80, $0x38;
	[tilespmem:$0x1BC00] =	vst v63  }
0xd3: {  	s8 =	sadd.s32 $0x280, s0;
	s11 =	simm.s32 $0x3700  }
0xd4: {  	[tilespmem:s11], [sflag:$0x1] =	stream.linear.gather [spmem:s8], $0x80, $0x38;
	[tilespmem:$0x1BC00] =	vst v63  }
0xd5: {  	s12 =	sadd.s32 $0x300, s0;
	s13 =	simm.s32 $0x3B00  }
0xd6: {  	[tilespmem:s13], [sflag:$0x1] =	stream.linear.gather [spmem:s12], $0x80, $0x38;
	[tilespmem:$0x1BC00] =	vst v63  }
0xd7: {  	s0 =	sadd.s32 $0x380, s0;
	s8 =	simm.s32 $0x3F00  }
0xd8: {  	[tilespmem:s8], [sflag:$0x1] =	stream.linear.gather [spmem:s0], $0x80, $0x38;
	[tilespmem:$0x1BC00] =	vst v63  }
0xd9: {  	s11 =	simm.s32 $0x2380;
	s0 =	spop (v2sf)  }
0xda: {  	(v2sf) =	vpush v0, $0xC;
	[tilespmem:s11], [sflag:$0x1] =	stream.linear.gather [spmem:s0], $0x80, $0x38;
	[tilespmem:$0x1BC00] =	vst v63  }
0xdb: {  	s13 =	simm.s32 $0x2780;
	s12 =	sadd.s32 $0x80, s0  }
0xdc: {  	[tilespmem:s13], [sflag:$0x1] =	stream.linear.gather [spmem:s12], $0x80, $0x38;
	[tilespmem:$0x1BC00] =	vst v63  }
0xdd: {  	s8 =	sadd.s32 $0x100, s0;
	s11 =	simm.s32 $0x2B80  }
0xde: {  	[tilespmem:s11], [sflag:$0x1] =	stream.linear.gather [spmem:s8], $0x80, $0x38;
	[tilespmem:$0x1BC00] =	vst v63  }
0xdf: {  	s12 =	sadd.s32 $0x180, s0;
	s13 =	simm.s32 $0x2F80  }
0xe0: {  	[tilespmem:s13], [sflag:$0x1] =	stream.linear.gather [spmem:s12], $0x80, $0x38;
	[tilespmem:$0x1BC00] =	vst v63  }
0xe1: {  	s8 =	sadd.s32 $0x200, s0;
	s11 =	simm.s32 $0x3380  }
0xe2: {  	[tilespmem:s11], [sflag:$0x1] =	stream.linear.gather [spmem:s8], $0x80, $0x38;
	[tilespmem:$0x1BC00] =	vst v63  }
0xe3: {  	s12 =	sadd.s32 $0x280, s0;
	s13 =	simm.s32 $0x3780  }
0xe4: {  	[tilespmem:s13], [sflag:$0x1] =	stream.linear.gather [spmem:s12], $0x80, $0x38;
	[tilespmem:$0x1BC00] =	vst v63  }
0xe5: {  	s8 =	sadd.s32 $0x300, s0;
	s11 =	simm.s32 $0x3B80  }
0xe6: {  	[tilespmem:s11], [sflag:$0x1] =	stream.linear.gather [spmem:s8], $0x80, $0x38;
	[tilespmem:$0x1BC00] =	vst v63  }
0xe7: {  	s0 =	sadd.s32 $0x380, s0;
	s12 =	simm.s32 $0x3F80  }
0xe8: {  	[tilespmem:s12], [sflag:$0x1] =	stream.linear.gather [spmem:s0], $0x80, $0x38;
	[tilespmem:$0x1BC00] =	vst v63  }
0xe9: {  	s13 =	simm.s32 $0x2400;
	s0 =	spop (v2sf)  }
0xea: {  	(v2sf) =	vpush v0, $0xD;
	[tilespmem:s13], [sflag:$0x1] =	stream.linear.gather [spmem:s0], $0x80, $0x38;
	[tilespmem:$0x1BC00] =	vst v63  }
0xeb: {  	s11 =	simm.s32 $0x2800;
	s8 =	sadd.s32 $0x80, s0  }
0xec: {  	[tilespmem:s11], [sflag:$0x1] =	stream.linear.gather [spmem:s8], $0x80, $0x38;
	[tilespmem:$0x1BC00] =	vst v63  }
0xed: {  	s12 =	sadd.s32 $0x100, s0;
	s13 =	simm.s32 $0x2C00  }
0xee: {  	[tilespmem:s13], [sflag:$0x1] =	stream.linear.gather [spmem:s12], $0x80, $0x38;
	[tilespmem:$0x1BC00] =	vst v63  }
0xef: {  	s8 =	sadd.s32 $0x180, s0;
	s11 =	simm.s32 $0x3000  }
0xf0: {  	[tilespmem:s11], [sflag:$0x1] =	stream.linear.gather [spmem:s8], $0x80, $0x38;
	[tilespmem:$0x1BC00] =	vst v63  }
0xf1: {  	s12 =	sadd.s32 $0x200, s0;
	s13 =	simm.s32 $0x3400  }
0xf2: {  	[tilespmem:s13], [sflag:$0x1] =	stream.linear.gather [spmem:s12], $0x80, $0x38;
	[tilespmem:$0x1BC00] =	vst v63  }
0xf3: {  	s8 =	sadd.s32 $0x280, s0;
	s11 =	simm.s32 $0x3800  }
0xf4: {  	[tilespmem:s11], [sflag:$0x1] =	stream.linear.gather [spmem:s8], $0x80, $0x38;
	[tilespmem:$0x1BC00] =	vst v63  }
0xf5: {  	s12 =	sadd.s32 $0x300, s0;
	s13 =	simm.s32 $0x3C00  }
0xf6: {  	[tilespmem:s13], [sflag:$0x1] =	stream.linear.gather [spmem:s12], $0x80, $0x38;
	[tilespmem:$0x1BC00] =	vst v63  }
0xf7: {  	s0 =	sadd.s32 $0x380, s0;
	s8 =	simm.s32 $0x4000  }
0xf8: {  	[tilespmem:s8], [sflag:$0x1] =	stream.linear.gather [spmem:s0], $0x80, $0x38;
	[tilespmem:$0x1BC00] =	vst v63  }
0xf9: {  	s11 =	simm.s32 $0x2480;
	s0 =	spop (v2sf)  }
0xfa: {  	(v2sf) =	vpush v0, $0xE;
	[tilespmem:s11], [sflag:$0x1] =	stream.linear.gather [spmem:s0], $0x80, $0x38;
	[tilespmem:$0x1BC00] =	vst v63  }
0xfb: {  	s13 =	simm.s32 $0x2880;
	s12 =	sadd.s32 $0x80, s0  }
0xfc: {  	[tilespmem:s13], [sflag:$0x1] =	stream.linear.gather [spmem:s12], $0x80, $0x38;
	[tilespmem:$0x1BC00] =	vst v63  }
0xfd: {  	s8 =	sadd.s32 $0x100, s0;
	s11 =	simm.s32 $0x2C80  }
0xfe: {  	[tilespmem:s11], [sflag:$0x1] =	stream.linear.gather [spmem:s8], $0x80, $0x38;
	[tilespmem:$0x1BC00] =	vst v63  }
0xff: {  	s12 =	sadd.s32 $0x180, s0;
	s13 =	simm.s32 $0x3080  }
0x100: {  	[tilespmem:s13], [sflag:$0x1] =	stream.linear.gather [spmem:s12], $0x80, $0x38;
	[tilespmem:$0x1BC00] =	vst v63  }
0x101: {  	s8 =	sadd.s32 $0x200, s0;
	s11 =	simm.s32 $0x3480  }
0x102: {  	[tilespmem:s11], [sflag:$0x1] =	stream.linear.gather [spmem:s8], $0x80, $0x38;
	[tilespmem:$0x1BC00] =	vst v63  }
0x103: {  	s12 =	sadd.s32 $0x280, s0;
	s13 =	simm.s32 $0x3880  }
0x104: {  	[tilespmem:s13], [sflag:$0x1] =	stream.linear.gather [spmem:s12], $0x80, $0x38;
	[tilespmem:$0x1BC00] =	vst v63  }
0x105: {  	s8 =	sadd.s32 $0x300, s0;
	s11 =	simm.s32 $0x3C80  }
0x106: {  	[tilespmem:s11], [sflag:$0x1] =	stream.linear.gather [spmem:s8], $0x80, $0x38;
	[tilespmem:$0x1BC00] =	vst v63  }
0x107: {  	s0 =	sadd.s32 $0x380, s0;
	s12 =	simm.s32 $0x4080  }
0x108: {  	[tilespmem:s12], [sflag:$0x1] =	stream.linear.gather [spmem:s0], $0x80, $0x38;
	[tilespmem:$0x1BC00] =	vst v63  }
0x109: {  	s13 =	simm.s32 $0x2500;
	s0 =	spop (v2sf)  }
0x10a: {  	(v2sf) =	vpush v0, $0xF;
	[tilespmem:s13], [sflag:$0x1] =	stream.linear.gather [spmem:s0], $0x80, $0x38;
	[tilespmem:$0x1BC00] =	vst v63  }
0x10b: {  	s11 =	simm.s32 $0x2900;
	s8 =	sadd.s32 $0x80, s0  }
0x10c: {  	[tilespmem:s11], [sflag:$0x1] =	stream.linear.gather [spmem:s8], $0x80, $0x38;
	[tilespmem:$0x1BC00] =	vst v63  }
0x10d: {  	s12 =	sadd.s32 $0x100, s0;
	s13 =	simm.s32 $0x2D00  }
0x10e: {  	[tilespmem:s13], [sflag:$0x1] =	stream.linear.gather [spmem:s12], $0x80, $0x38;
	[tilespmem:$0x1BC00] =	vst v63  }
0x10f: {  	s8 =	sadd.s32 $0x180, s0;
	s11 =	simm.s32 $0x3100  }
0x110: {  	[tilespmem:s11], [sflag:$0x1] =	stream.linear.gather [spmem:s8], $0x80, $0x38;
	[tilespmem:$0x1BC00] =	vst v63  }
0x111: {  	s12 =	sadd.s32 $0x200, s0;
	s13 =	simm.s32 $0x3500  }
0x112: {  	[tilespmem:s13], [sflag:$0x1] =	stream.linear.gather [spmem:s12], $0x80, $0x38;
	[tilespmem:$0x1BC00] =	vst v63  }
0x113: {  	s8 =	sadd.s32 $0x280, s0;
	s11 =	simm.s32 $0x3900  }
0x114: {  	[tilespmem:s11], [sflag:$0x1] =	stream.linear.gather [spmem:s8], $0x80, $0x38;
	[tilespmem:$0x1BC00] =	vst v63  }
0x115: {  	s12 =	sadd.s32 $0x300, s0;
	s13 =	simm.s32 $0x3D00  }
0x116: {  	[tilespmem:s13], [sflag:$0x1] =	stream.linear.gather [spmem:s12], $0x80, $0x38;
	[tilespmem:$0x1BC00] =	vst v63  }
0x117: {  	s0 =	sadd.s32 $0x380, s0;
	s8 =	simm.s32 $0x4100  }
0x118: {  	[tilespmem:s8], [sflag:$0x1] =	stream.linear.gather [spmem:s0], $0x80, $0x38;
	[tilespmem:$0x1BC00] =	vst v63  }
0x119: {  	s11 =	simm.s32 $0x2580;
	s0 =	spop (v2sf)  }
0x11a: {  	[tilespmem:s11], [sflag:$0x1] =	stream.linear.gather [spmem:s0], $0x80, $0x38;
	[tilespmem:$0x1BC00] =	vst v63  }
0x11b: {  	s13 =	simm.s32 $0x2980;
	s12 =	sadd.s32 $0x80, s0  }
0x11c: {  	[tilespmem:s13], [sflag:$0x1] =	stream.linear.gather [spmem:s12], $0x80, $0x38;
	[tilespmem:$0x1BC00] =	vst v63  }
0x11d: {  	s8 =	sadd.s32 $0x100, s0;
	s11 =	simm.s32 $0x2D80  }
0x11e: {  	[tilespmem:s11], [sflag:$0x1] =	stream.linear.gather [spmem:s8], $0x80, $0x38;
	[tilespmem:$0x1BC00] =	vst v63  }
0x11f: {  	s12 =	sadd.s32 $0x180, s0;
	s13 =	simm.s32 $0x3180  }
0x120: {  	[tilespmem:s13], [sflag:$0x1] =	stream.linear.gather [spmem:s12], $0x80, $0x38;
	[tilespmem:$0x1BC00] =	vst v63  }
0x121: {  	s8 =	sadd.s32 $0x200, s0;
	s11 =	simm.s32 $0x3580  }
0x122: {  	[tilespmem:s11], [sflag:$0x1] =	stream.linear.gather [spmem:s8], $0x80, $0x38;
	[tilespmem:$0x1BC00] =	vst v63  }
0x123: {  	s12 =	sadd.s32 $0x280, s0;
	s13 =	simm.s32 $0x3980  }
0x124: {  	[tilespmem:s13], [sflag:$0x1] =	stream.linear.gather [spmem:s12], $0x80, $0x38;
	[tilespmem:$0x1BC00] =	vst v63  }
0x125: {  	s8 =	sadd.s32 $0x300, s0;
	s11 =	simm.s32 $0x3D80  }
0x126: {  	[tilespmem:s11], [sflag:$0x1] =	stream.linear.gather [spmem:s8], $0x80, $0x38;
	[tilespmem:$0x1BC00] =	vst v63  }
0x127: {  	s0 =	sadd.s32 $0x380, s0;
	s12 =	simm.s32 $0x4180  }
0x128: {  	[tilespmem:s12], [sflag:$0x1] =	stream.linear.gather [spmem:s0], $0x80, $0x38;
	[tilespmem:$0x1BC00] =	vst v63  }
0x129: {  	v63 =	vld [tilespmem:$0x10];
	_ =	sdelay $0x4  }
0x12a: {  	v0 =	vshll.u32 v63, $0xC  }
0x12b: {  	v0 =	vshra.s32 v0, $0x2  }
0x12c: {  	v0 =	vadd.s32 s2, v0  }
0x12d: {  	(v2sf) =	vpush v0, $0x0;
	_ =	sdelay $0xe  }
0x12e: {  	s13 =	simm.s32 $0x4200;
	s0 =	spop (v2sf)  }
0x12f: {  	(v2sf) =	vpush v0, $0x1;
	[tilespmem:s13], [sflag:$0x2] =	stream.linear.gather [spmem:s0], $0x80, $0x38;
	[tilespmem:$0x1BC00] =	vst v63  }
0x130: {  	s11 =	simm.s32 $0x4600;
	s8 =	sadd.s32 $0x80, s0  }
0x131: {  	[tilespmem:s11], [sflag:$0x2] =	stream.linear.gather [spmem:s8], $0x80, $0x38;
	[tilespmem:$0x1BC00] =	vst v63  }
0x132: {  	s12 =	sadd.s32 $0x100, s0;
	s13 =	simm.s32 $0x4A00  }
0x133: {  	[tilespmem:s13], [sflag:$0x2] =	stream.linear.gather [spmem:s12], $0x80, $0x38;
	[tilespmem:$0x1BC00] =	vst v63  }
0x134: {  	s8 =	sadd.s32 $0x180, s0;
	s11 =	simm.s32 $0x4E00  }
0x135: {  	[tilespmem:s11], [sflag:$0x2] =	stream.linear.gather [spmem:s8], $0x80, $0x38;
	[tilespmem:$0x1BC00] =	vst v63  }
0x136: {  	s12 =	sadd.s32 $0x200, s0;
	s13 =	simm.s32 $0x5200  }
0x137: {  	[tilespmem:s13], [sflag:$0x2] =	stream.linear.gather [spmem:s12], $0x80, $0x38;
	[tilespmem:$0x1BC00] =	vst v63  }
0x138: {  	s8 =	sadd.s32 $0x280, s0;
	s11 =	simm.s32 $0x5600  }
0x139: {  	[tilespmem:s11], [sflag:$0x2] =	stream.linear.gather [spmem:s8], $0x80, $0x38;
	[tilespmem:$0x1BC00] =	vst v63  }
0x13a: {  	s12 =	sadd.s32 $0x300, s0;
	s13 =	simm.s32 $0x5A00  }
0x13b: {  	[tilespmem:s13], [sflag:$0x2] =	stream.linear.gather [spmem:s12], $0x80, $0x38;
	[tilespmem:$0x1BC00] =	vst v63  }
0x13c: {  	s0 =	sadd.s32 $0x380, s0;
	s8 =	simm.s32 $0x5E00  }
0x13d: {  	[tilespmem:s8], [sflag:$0x2] =	stream.linear.gather [spmem:s0], $0x80, $0x38;
	[tilespmem:$0x1BC00] =	vst v63  }
0x13e: {  	s11 =	simm.s32 $0x4280;
	s0 =	spop (v2sf)  }
0x13f: {  	(v2sf) =	vpush v0, $0x2;
	[tilespmem:s11], [sflag:$0x2] =	stream.linear.gather [spmem:s0], $0x80, $0x38;
	[tilespmem:$0x1BC00] =	vst v63  }
0x140: {  	s13 =	simm.s32 $0x4680;
	s12 =	sadd.s32 $0x80, s0  }
0x141: {  	[tilespmem:s13], [sflag:$0x2] =	stream.linear.gather [spmem:s12], $0x80, $0x38;
	[tilespmem:$0x1BC00] =	vst v63  }
0x142: {  	s8 =	sadd.s32 $0x100, s0;
	s11 =	simm.s32 $0x4A80  }
0x143: {  	[tilespmem:s11], [sflag:$0x2] =	stream.linear.gather [spmem:s8], $0x80, $0x38;
	[tilespmem:$0x1BC00] =	vst v63  }
0x144: {  	s12 =	sadd.s32 $0x180, s0;
	s13 =	simm.s32 $0x4E80  }
0x145: {  	[tilespmem:s13], [sflag:$0x2] =	stream.linear.gather [spmem:s12], $0x80, $0x38;
	[tilespmem:$0x1BC00] =	vst v63  }
0x146: {  	s8 =	sadd.s32 $0x200, s0;
	s11 =	simm.s32 $0x5280  }
0x147: {  	[tilespmem:s11], [sflag:$0x2] =	stream.linear.gather [spmem:s8], $0x80, $0x38;
	[tilespmem:$0x1BC00] =	vst v63  }
0x148: {  	s12 =	sadd.s32 $0x280, s0;
	s13 =	simm.s32 $0x5680  }
0x149: {  	[tilespmem:s13], [sflag:$0x2] =	stream.linear.gather [spmem:s12], $0x80, $0x38;
	[tilespmem:$0x1BC00] =	vst v63  }
0x14a: {  	s8 =	sadd.s32 $0x300, s0;
	s11 =	simm.s32 $0x5A80  }
0x14b: {  	[tilespmem:s11], [sflag:$0x2] =	stream.linear.gather [spmem:s8], $0x80, $0x38;
	[tilespmem:$0x1BC00] =	vst v63  }
0x14c: {  	s0 =	sadd.s32 $0x380, s0;
	s12 =	simm.s32 $0x5E80  }
0x14d: {  	[tilespmem:s12], [sflag:$0x2] =	stream.linear.gather [spmem:s0], $0x80, $0x38;
	[tilespmem:$0x1BC00] =	vst v63  }
0x14e: {  	s13 =	simm.s32 $0x4300;
	s0 =	spop (v2sf)  }
0x14f: {  	(v2sf) =	vpush v0, $0x3;
	[tilespmem:s13], [sflag:$0x2] =	stream.linear.gather [spmem:s0], $0x80, $0x38;
	[tilespmem:$0x1BC00] =	vst v63  }
0x150: {  	s11 =	simm.s32 $0x4700;
	s8 =	sadd.s32 $0x80, s0  }
0x151: {  	[tilespmem:s11], [sflag:$0x2] =	stream.linear.gather [spmem:s8], $0x80, $0x38;
	[tilespmem:$0x1BC00] =	vst v63  }
0x152: {  	s12 =	sadd.s32 $0x100, s0;
	s13 =	simm.s32 $0x4B00  }
0x153: {  	[tilespmem:s13], [sflag:$0x2] =	stream.linear.gather [spmem:s12], $0x80, $0x38;
	[tilespmem:$0x1BC00] =	vst v63  }
0x154: {  	s8 =	sadd.s32 $0x180, s0;
	s11 =	simm.s32 $0x4F00  }
0x155: {  	[tilespmem:s11], [sflag:$0x2] =	stream.linear.gather [spmem:s8], $0x80, $0x38;
	[tilespmem:$0x1BC00] =	vst v63  }
0x156: {  	s12 =	sadd.s32 $0x200, s0;
	s13 =	simm.s32 $0x5300  }
0x157: {  	[tilespmem:s13], [sflag:$0x2] =	stream.linear.gather [spmem:s12], $0x80, $0x38;
	[tilespmem:$0x1BC00] =	vst v63  }
0x158: {  	s8 =	sadd.s32 $0x280, s0;
	s11 =	simm.s32 $0x5700  }
0x159: {  	[tilespmem:s11], [sflag:$0x2] =	stream.linear.gather [spmem:s8], $0x80, $0x38;
	[tilespmem:$0x1BC00] =	vst v63  }
0x15a: {  	s12 =	sadd.s32 $0x300, s0;
	s13 =	simm.s32 $0x5B00  }
0x15b: {  	[tilespmem:s13], [sflag:$0x2] =	stream.linear.gather [spmem:s12], $0x80, $0x38;
	[tilespmem:$0x1BC00] =	vst v63  }
0x15c: {  	s0 =	sadd.s32 $0x380, s0;
	s8 =	simm.s32 $0x5F00  }
0x15d: {  	[tilespmem:s8], [sflag:$0x2] =	stream.linear.gather [spmem:s0], $0x80, $0x38;
	[tilespmem:$0x1BC00] =	vst v63  }
0x15e: {  	s11 =	simm.s32 $0x4380;
	s0 =	spop (v2sf)  }
0x15f: {  	(v2sf) =	vpush v0, $0x4;
	[tilespmem:s11], [sflag:$0x2] =	stream.linear.gather [spmem:s0], $0x80, $0x38;
	[tilespmem:$0x1BC00] =	vst v63  }
0x160: {  	s13 =	simm.s32 $0x4780;
	s12 =	sadd.s32 $0x80, s0  }
0x161: {  	[tilespmem:s13], [sflag:$0x2] =	stream.linear.gather [spmem:s12], $0x80, $0x38;
	[tilespmem:$0x1BC00] =	vst v63  }
0x162: {  	s8 =	sadd.s32 $0x100, s0;
	s11 =	simm.s32 $0x4B80  }
0x163: {  	[tilespmem:s11], [sflag:$0x2] =	stream.linear.gather [spmem:s8], $0x80, $0x38;
	[tilespmem:$0x1BC00] =	vst v63  }
0x164: {  	s12 =	sadd.s32 $0x180, s0;
	s13 =	simm.s32 $0x4F80  }
0x165: {  	[tilespmem:s13], [sflag:$0x2] =	stream.linear.gather [spmem:s12], $0x80, $0x38;
	[tilespmem:$0x1BC00] =	vst v63  }
0x166: {  	s8 =	sadd.s32 $0x200, s0;
	s11 =	simm.s32 $0x5380  }
0x167: {  	[tilespmem:s11], [sflag:$0x2] =	stream.linear.gather [spmem:s8], $0x80, $0x38;
	[tilespmem:$0x1BC00] =	vst v63  }
0x168: {  	s12 =	sadd.s32 $0x280, s0;
	s13 =	simm.s32 $0x5780  }
0x169: {  	[tilespmem:s13], [sflag:$0x2] =	stream.linear.gather [spmem:s12], $0x80, $0x38;
	[tilespmem:$0x1BC00] =	vst v63  }
0x16a: {  	s8 =	sadd.s32 $0x300, s0;
	s11 =	simm.s32 $0x5B80  }
0x16b: {  	[tilespmem:s11], [sflag:$0x2] =	stream.linear.gather [spmem:s8], $0x80, $0x38;
	[tilespmem:$0x1BC00] =	vst v63  }
0x16c: {  	s0 =	sadd.s32 $0x380, s0;
	s12 =	simm.s32 $0x5F80  }
0x16d: {  	[tilespmem:s12], [sflag:$0x2] =	stream.linear.gather [spmem:s0], $0x80, $0x38;
	[tilespmem:$0x1BC00] =	vst v63  }
0x16e: {  	s13 =	simm.s32 $0x4400;
	s0 =	spop (v2sf)  }
0x16f: {  	(v2sf) =	vpush v0, $0x5;
	[tilespmem:s13], [sflag:$0x2] =	stream.linear.gather [spmem:s0], $0x80, $0x38;
	[tilespmem:$0x1BC00] =	vst v63  }
0x170: {  	s11 =	simm.s32 $0x4800;
	s8 =	sadd.s32 $0x80, s0  }
0x171: {  	[tilespmem:s11], [sflag:$0x2] =	stream.linear.gather [spmem:s8], $0x80, $0x38;
	[tilespmem:$0x1BC00] =	vst v63  }
0x172: {  	s12 =	sadd.s32 $0x100, s0;
	s13 =	simm.s32 $0x4C00  }
0x173: {  	[tilespmem:s13], [sflag:$0x2] =	stream.linear.gather [spmem:s12], $0x80, $0x38;
	[tilespmem:$0x1BC00] =	vst v63  }
0x174: {  	s8 =	sadd.s32 $0x180, s0;
	s11 =	simm.s32 $0x5000  }
0x175: {  	[tilespmem:s11], [sflag:$0x2] =	stream.linear.gather [spmem:s8], $0x80, $0x38;
	[tilespmem:$0x1BC00] =	vst v63  }
0x176: {  	s12 =	sadd.s32 $0x200, s0;
	s13 =	simm.s32 $0x5400  }
0x177: {  	[tilespmem:s13], [sflag:$0x2] =	stream.linear.gather [spmem:s12], $0x80, $0x38;
	[tilespmem:$0x1BC00] =	vst v63  }
0x178: {  	s8 =	sadd.s32 $0x280, s0;
	s11 =	simm.s32 $0x5800  }
0x179: {  	[tilespmem:s11], [sflag:$0x2] =	stream.linear.gather [spmem:s8], $0x80, $0x38;
	[tilespmem:$0x1BC00] =	vst v63  }
0x17a: {  	s12 =	sadd.s32 $0x300, s0;
	s13 =	simm.s32 $0x5C00  }
0x17b: {  	[tilespmem:s13], [sflag:$0x2] =	stream.linear.gather [spmem:s12], $0x80, $0x38;
	[tilespmem:$0x1BC00] =	vst v63  }
0x17c: {  	s0 =	sadd.s32 $0x380, s0;
	s8 =	simm.s32 $0x6000  }
0x17d: {  	[tilespmem:s8], [sflag:$0x2] =	stream.linear.gather [spmem:s0], $0x80, $0x38;
	[tilespmem:$0x1BC00] =	vst v63  }
0x17e: {  	s11 =	simm.s32 $0x4480;
	s0 =	spop (v2sf)  }
0x17f: {  	(v2sf) =	vpush v0, $0x6;
	[tilespmem:s11], [sflag:$0x2] =	stream.linear.gather [spmem:s0], $0x80, $0x38;
	[tilespmem:$0x1BC00] =	vst v63  }
0x180: {  	s13 =	simm.s32 $0x4880;
	s12 =	sadd.s32 $0x80, s0  }
0x181: {  	[tilespmem:s13], [sflag:$0x2] =	stream.linear.gather [spmem:s12], $0x80, $0x38;
	[tilespmem:$0x1BC00] =	vst v63  }
0x182: {  	s8 =	sadd.s32 $0x100, s0;
	s11 =	simm.s32 $0x4C80  }
0x183: {  	[tilespmem:s11], [sflag:$0x2] =	stream.linear.gather [spmem:s8], $0x80, $0x38;
	[tilespmem:$0x1BC00] =	vst v63  }
0x184: {  	s12 =	sadd.s32 $0x180, s0;
	s13 =	simm.s32 $0x5080  }
0x185: {  	[tilespmem:s13], [sflag:$0x2] =	stream.linear.gather [spmem:s12], $0x80, $0x38;
	[tilespmem:$0x1BC00] =	vst v63  }
0x186: {  	s8 =	sadd.s32 $0x200, s0;
	s11 =	simm.s32 $0x5480  }
0x187: {  	[tilespmem:s11], [sflag:$0x2] =	stream.linear.gather [spmem:s8], $0x80, $0x38;
	[tilespmem:$0x1BC00] =	vst v63  }
0x188: {  	s12 =	sadd.s32 $0x280, s0;
	s13 =	simm.s32 $0x5880  }
0x189: {  	[tilespmem:s13], [sflag:$0x2] =	stream.linear.gather [spmem:s12], $0x80, $0x38;
	[tilespmem:$0x1BC00] =	vst v63  }
0x18a: {  	s8 =	sadd.s32 $0x300, s0;
	s11 =	simm.s32 $0x5C80  }
0x18b: {  	[tilespmem:s11], [sflag:$0x2] =	stream.linear.gather [spmem:s8], $0x80, $0x38;
	[tilespmem:$0x1BC00] =	vst v63  }
0x18c: {  	s0 =	sadd.s32 $0x380, s0;
	s12 =	simm.s32 $0x6080  }
0x18d: {  	[tilespmem:s12], [sflag:$0x2] =	stream.linear.gather [spmem:s0], $0x80, $0x38;
	[tilespmem:$0x1BC00] =	vst v63  }
0x18e: {  	s13 =	simm.s32 $0x4500;
	s0 =	spop (v2sf)  }
0x18f: {  	(v2sf) =	vpush v0, $0x7;
	[tilespmem:s13], [sflag:$0x2] =	stream.linear.gather [spmem:s0], $0x80, $0x38;
	[tilespmem:$0x1BC00] =	vst v63  }
0x190: {  	s11 =	simm.s32 $0x4900;
	s8 =	sadd.s32 $0x80, s0  }
0x191: {  	[tilespmem:s11], [sflag:$0x2] =	stream.linear.gather [spmem:s8], $0x80, $0x38;
	[tilespmem:$0x1BC00] =	vst v63  }
0x192: {  	s12 =	sadd.s32 $0x100, s0;
	s13 =	simm.s32 $0x4D00  }
0x193: {  	[tilespmem:s13], [sflag:$0x2] =	stream.linear.gather [spmem:s12], $0x80, $0x38;
	[tilespmem:$0x1BC00] =	vst v63  }
0x194: {  	s8 =	sadd.s32 $0x180, s0;
	s11 =	simm.s32 $0x5100  }
0x195: {  	[tilespmem:s11], [sflag:$0x2] =	stream.linear.gather [spmem:s8], $0x80, $0x38;
	[tilespmem:$0x1BC00] =	vst v63  }
0x196: {  	s12 =	sadd.s32 $0x200, s0;
	s13 =	simm.s32 $0x5500  }
0x197: {  	[tilespmem:s13], [sflag:$0x2] =	stream.linear.gather [spmem:s12], $0x80, $0x38;
	[tilespmem:$0x1BC00] =	vst v63  }
0x198: {  	s8 =	sadd.s32 $0x280, s0;
	s11 =	simm.s32 $0x5900  }
0x199: {  	[tilespmem:s11], [sflag:$0x2] =	stream.linear.gather [spmem:s8], $0x80, $0x38;
	[tilespmem:$0x1BC00] =	vst v63  }
0x19a: {  	s12 =	sadd.s32 $0x300, s0;
	s13 =	simm.s32 $0x5D00  }
0x19b: {  	[tilespmem:s13], [sflag:$0x2] =	stream.linear.gather [spmem:s12], $0x80, $0x38;
	[tilespmem:$0x1BC00] =	vst v63  }
0x19c: {  	s0 =	sadd.s32 $0x380, s0;
	s8 =	simm.s32 $0x6100  }
0x19d: {  	[tilespmem:s8], [sflag:$0x2] =	stream.linear.gather [spmem:s0], $0x80, $0x38;
	[tilespmem:$0x1BC00] =	vst v63  }
0x19e: {  	s11 =	simm.s32 $0x4580;
	s0 =	spop (v2sf)  }
0x19f: {  	(v2sf) =	vpush v0, $0x8;
	[tilespmem:s11], [sflag:$0x2] =	stream.linear.gather [spmem:s0], $0x80, $0x38;
	[tilespmem:$0x1BC00] =	vst v63  }
0x1a0: {  	s13 =	simm.s32 $0x4980;
	s12 =	sadd.s32 $0x80, s0  }
0x1a1: {  	[tilespmem:s13], [sflag:$0x2] =	stream.linear.gather [spmem:s12], $0x80, $0x38;
	[tilespmem:$0x1BC00] =	vst v63  }
0x1a2: {  	s8 =	sadd.s32 $0x100, s0;
	s11 =	simm.s32 $0x4D80  }
0x1a3: {  	[tilespmem:s11], [sflag:$0x2] =	stream.linear.gather [spmem:s8], $0x80, $0x38;
	[tilespmem:$0x1BC00] =	vst v63  }
0x1a4: {  	s12 =	sadd.s32 $0x180, s0;
	s13 =	simm.s32 $0x5180  }
0x1a5: {  	[tilespmem:s13], [sflag:$0x2] =	stream.linear.gather [spmem:s12], $0x80, $0x38;
	[tilespmem:$0x1BC00] =	vst v63  }
0x1a6: {  	s8 =	sadd.s32 $0x200, s0;
	s11 =	simm.s32 $0x5580  }
0x1a7: {  	[tilespmem:s11], [sflag:$0x2] =	stream.linear.gather [spmem:s8], $0x80, $0x38;
	[tilespmem:$0x1BC00] =	vst v63  }
0x1a8: {  	s12 =	sadd.s32 $0x280, s0;
	s13 =	simm.s32 $0x5980  }
0x1a9: {  	[tilespmem:s13], [sflag:$0x2] =	stream.linear.gather [spmem:s12], $0x80, $0x38;
	[tilespmem:$0x1BC00] =	vst v63  }
0x1aa: {  	s8 =	sadd.s32 $0x300, s0;
	s11 =	simm.s32 $0x5D80  }
0x1ab: {  	[tilespmem:s11], [sflag:$0x2] =	stream.linear.gather [spmem:s8], $0x80, $0x38;
	[tilespmem:$0x1BC00] =	vst v63  }
0x1ac: {  	s0 =	sadd.s32 $0x380, s0;
	s12 =	simm.s32 $0x6180  }
0x1ad: {  	[tilespmem:s12], [sflag:$0x2] =	stream.linear.gather [spmem:s0], $0x80, $0x38;
	[tilespmem:$0x1BC00] =	vst v63  }
0x1ae: {  	s13 =	simm.s32 $0x6200;
	s0 =	spop (v2sf)  }
0x1af: {  	(v2sf) =	vpush v0, $0x9;
	[tilespmem:s13], [sflag:$0x2] =	stream.linear.gather [spmem:s0], $0x80, $0x38;
	[tilespmem:$0x1BC00] =	vst v63  }
0x1b0: {  	s11 =	simm.s32 $0x6600;
	s8 =	sadd.s32 $0x80, s0  }
0x1b1: {  	[tilespmem:s11], [sflag:$0x2] =	stream.linear.gather [spmem:s8], $0x80, $0x38;
	[tilespmem:$0x1BC00] =	vst v63  }
0x1b2: {  	s12 =	sadd.s32 $0x100, s0;
	s13 =	simm.s32 $0x6A00  }
0x1b3: {  	[tilespmem:s13], [sflag:$0x2] =	stream.linear.gather [spmem:s12], $0x80, $0x38;
	[tilespmem:$0x1BC00] =	vst v63  }
0x1b4: {  	s8 =	sadd.s32 $0x180, s0;
	s11 =	simm.s32 $0x6E00  }
0x1b5: {  	[tilespmem:s11], [sflag:$0x2] =	stream.linear.gather [spmem:s8], $0x80, $0x38;
	[tilespmem:$0x1BC00] =	vst v63  }
0x1b6: {  	s12 =	sadd.s32 $0x200, s0;
	s13 =	simm.s32 $0x7200  }
0x1b7: {  	[tilespmem:s13], [sflag:$0x2] =	stream.linear.gather [spmem:s12], $0x80, $0x38;
	[tilespmem:$0x1BC00] =	vst v63  }
0x1b8: {  	s8 =	sadd.s32 $0x280, s0;
	s11 =	simm.s32 $0x7600  }
0x1b9: {  	[tilespmem:s11], [sflag:$0x2] =	stream.linear.gather [spmem:s8], $0x80, $0x38;
	[tilespmem:$0x1BC00] =	vst v63  }
0x1ba: {  	s12 =	sadd.s32 $0x300, s0;
	s13 =	simm.s32 $0x7A00  }
0x1bb: {  	[tilespmem:s13], [sflag:$0x2] =	stream.linear.gather [spmem:s12], $0x80, $0x38;
	[tilespmem:$0x1BC00] =	vst v63  }
0x1bc: {  	s0 =	sadd.s32 $0x380, s0;
	s8 =	simm.s32 $0x7E00  }
0x1bd: {  	[tilespmem:s8], [sflag:$0x2] =	stream.linear.gather [spmem:s0], $0x80, $0x38;
	[tilespmem:$0x1BC00] =	vst v63  }
0x1be: {  	s11 =	simm.s32 $0x6280;
	s0 =	spop (v2sf)  }
0x1bf: {  	(v2sf) =	vpush v0, $0xA;
	[tilespmem:s11], [sflag:$0x2] =	stream.linear.gather [spmem:s0], $0x80, $0x38;
	[tilespmem:$0x1BC00] =	vst v63  }
0x1c0: {  	s13 =	simm.s32 $0x6680;
	s12 =	sadd.s32 $0x80, s0  }
0x1c1: {  	[tilespmem:s13], [sflag:$0x2] =	stream.linear.gather [spmem:s12], $0x80, $0x38;
	[tilespmem:$0x1BC00] =	vst v63  }
0x1c2: {  	s8 =	sadd.s32 $0x100, s0;
	s11 =	simm.s32 $0x6A80  }
0x1c3: {  	[tilespmem:s11], [sflag:$0x2] =	stream.linear.gather [spmem:s8], $0x80, $0x38;
	[tilespmem:$0x1BC00] =	vst v63  }
0x1c4: {  	s12 =	sadd.s32 $0x180, s0;
	s13 =	simm.s32 $0x6E80  }
0x1c5: {  	[tilespmem:s13], [sflag:$0x2] =	stream.linear.gather [spmem:s12], $0x80, $0x38;
	[tilespmem:$0x1BC00] =	vst v63  }
0x1c6: {  	s8 =	sadd.s32 $0x200, s0;
	s11 =	simm.s32 $0x7280  }
0x1c7: {  	[tilespmem:s11], [sflag:$0x2] =	stream.linear.gather [spmem:s8], $0x80, $0x38;
	[tilespmem:$0x1BC00] =	vst v63  }
0x1c8: {  	s12 =	sadd.s32 $0x280, s0;
	s13 =	simm.s32 $0x7680  }
0x1c9: {  	[tilespmem:s13], [sflag:$0x2] =	stream.linear.gather [spmem:s12], $0x80, $0x38;
	[tilespmem:$0x1BC00] =	vst v63  }
0x1ca: {  	s8 =	sadd.s32 $0x300, s0;
	s11 =	simm.s32 $0x7A80  }
0x1cb: {  	[tilespmem:s11], [sflag:$0x2] =	stream.linear.gather [spmem:s8], $0x80, $0x38;
	[tilespmem:$0x1BC00] =	vst v63  }
0x1cc: {  	s0 =	sadd.s32 $0x380, s0;
	s12 =	simm.s32 $0x7E80  }
0x1cd: {  	[tilespmem:s12], [sflag:$0x2] =	stream.linear.gather [spmem:s0], $0x80, $0x38;
	[tilespmem:$0x1BC00] =	vst v63  }
0x1ce: {  	s13 =	simm.s32 $0x6300;
	s0 =	spop (v2sf)  }
0x1cf: {  	(v2sf) =	vpush v0, $0xB;
	[tilespmem:s13], [sflag:$0x2] =	stream.linear.gather [spmem:s0], $0x80, $0x38;
	[tilespmem:$0x1BC00] =	vst v63  }
0x1d0: {  	s11 =	simm.s32 $0x6700;
	s8 =	sadd.s32 $0x80, s0  }
0x1d1: {  	[tilespmem:s11], [sflag:$0x2] =	stream.linear.gather [spmem:s8], $0x80, $0x38;
	[tilespmem:$0x1BC00] =	vst v63  }
0x1d2: {  	s12 =	sadd.s32 $0x100, s0;
	s13 =	simm.s32 $0x6B00  }
0x1d3: {  	[tilespmem:s13], [sflag:$0x2] =	stream.linear.gather [spmem:s12], $0x80, $0x38;
	[tilespmem:$0x1BC00] =	vst v63  }
0x1d4: {  	s8 =	sadd.s32 $0x180, s0;
	s11 =	simm.s32 $0x6F00  }
0x1d5: {  	[tilespmem:s11], [sflag:$0x2] =	stream.linear.gather [spmem:s8], $0x80, $0x38;
	[tilespmem:$0x1BC00] =	vst v63  }
0x1d6: {  	s12 =	sadd.s32 $0x200, s0;
	s13 =	simm.s32 $0x7300  }
0x1d7: {  	[tilespmem:s13], [sflag:$0x2] =	stream.linear.gather [spmem:s12], $0x80, $0x38;
	[tilespmem:$0x1BC00] =	vst v63  }
0x1d8: {  	s8 =	sadd.s32 $0x280, s0;
	s11 =	simm.s32 $0x7700  }
0x1d9: {  	[tilespmem:s11], [sflag:$0x2] =	stream.linear.gather [spmem:s8], $0x80, $0x38;
	[tilespmem:$0x1BC00] =	vst v63  }
0x1da: {  	s12 =	sadd.s32 $0x300, s0;
	s13 =	simm.s32 $0x7B00  }
0x1db: {  	[tilespmem:s13], [sflag:$0x2] =	stream.linear.gather [spmem:s12], $0x80, $0x38;
	[tilespmem:$0x1BC00] =	vst v63  }
0x1dc: {  	s0 =	sadd.s32 $0x380, s0;
	s8 =	simm.s32 $0x7F00  }
0x1dd: {  	[tilespmem:s8], [sflag:$0x2] =	stream.linear.gather [spmem:s0], $0x80, $0x38;
	[tilespmem:$0x1BC00] =	vst v63  }
0x1de: {  	s11 =	simm.s32 $0x6380;
	s0 =	spop (v2sf)  }
0x1df: {  	(v2sf) =	vpush v0, $0xC;
	[tilespmem:s11], [sflag:$0x2] =	stream.linear.gather [spmem:s0], $0x80, $0x38;
	[tilespmem:$0x1BC00] =	vst v63  }
0x1e0: {  	s13 =	simm.s32 $0x6780;
	s12 =	sadd.s32 $0x80, s0  }
0x1e1: {  	[tilespmem:s13], [sflag:$0x2] =	stream.linear.gather [spmem:s12], $0x80, $0x38;
	[tilespmem:$0x1BC00] =	vst v63  }
0x1e2: {  	s8 =	sadd.s32 $0x100, s0;
	s11 =	simm.s32 $0x6B80  }
0x1e3: {  	[tilespmem:s11], [sflag:$0x2] =	stream.linear.gather [spmem:s8], $0x80, $0x38;
	[tilespmem:$0x1BC00] =	vst v63  }
0x1e4: {  	s12 =	sadd.s32 $0x180, s0;
	s13 =	simm.s32 $0x6F80  }
0x1e5: {  	[tilespmem:s13], [sflag:$0x2] =	stream.linear.gather [spmem:s12], $0x80, $0x38;
	[tilespmem:$0x1BC00] =	vst v63  }
0x1e6: {  	s8 =	sadd.s32 $0x200, s0;
	s11 =	simm.s32 $0x7380  }
0x1e7: {  	[tilespmem:s11], [sflag:$0x2] =	stream.linear.gather [spmem:s8], $0x80, $0x38;
	[tilespmem:$0x1BC00] =	vst v63  }
0x1e8: {  	s12 =	sadd.s32 $0x280, s0;
	s13 =	simm.s32 $0x7780  }
0x1e9: {  	[tilespmem:s13], [sflag:$0x2] =	stream.linear.gather [spmem:s12], $0x80, $0x38;
	[tilespmem:$0x1BC00] =	vst v63  }
0x1ea: {  	s8 =	sadd.s32 $0x300, s0;
	s11 =	simm.s32 $0x7B80  }
0x1eb: {  	[tilespmem:s11], [sflag:$0x2] =	stream.linear.gather [spmem:s8], $0x80, $0x38;
	[tilespmem:$0x1BC00] =	vst v63  }
0x1ec: {  	s0 =	sadd.s32 $0x380, s0;
	s12 =	simm.s32 $0x7F80  }
0x1ed: {  	[tilespmem:s12], [sflag:$0x2] =	stream.linear.gather [spmem:s0], $0x80, $0x38;
	[tilespmem:$0x1BC00] =	vst v63  }
0x1ee: {  	s13 =	simm.s32 $0x6400;
	s0 =	spop (v2sf)  }
0x1ef: {  	(v2sf) =	vpush v0, $0xD;
	[tilespmem:s13], [sflag:$0x2] =	stream.linear.gather [spmem:s0], $0x80, $0x38;
	[tilespmem:$0x1BC00] =	vst v63  }
0x1f0: {  	s11 =	simm.s32 $0x6800;
	s8 =	sadd.s32 $0x80, s0  }
0x1f1: {  	[tilespmem:s11], [sflag:$0x2] =	stream.linear.gather [spmem:s8], $0x80, $0x38;
	[tilespmem:$0x1BC00] =	vst v63  }
0x1f2: {  	s12 =	sadd.s32 $0x100, s0;
	s13 =	simm.s32 $0x6C00  }
0x1f3: {  	[tilespmem:s13], [sflag:$0x2] =	stream.linear.gather [spmem:s12], $0x80, $0x38;
	[tilespmem:$0x1BC00] =	vst v63  }
0x1f4: {  	s8 =	sadd.s32 $0x180, s0;
	s11 =	simm.s32 $0x7000  }
0x1f5: {  	[tilespmem:s11], [sflag:$0x2] =	stream.linear.gather [spmem:s8], $0x80, $0x38;
	[tilespmem:$0x1BC00] =	vst v63  }
0x1f6: {  	s12 =	sadd.s32 $0x200, s0;
	s13 =	simm.s32 $0x7400  }
0x1f7: {  	[tilespmem:s13], [sflag:$0x2] =	stream.linear.gather [spmem:s12], $0x80, $0x38;
	[tilespmem:$0x1BC00] =	vst v63  }
0x1f8: {  	s8 =	sadd.s32 $0x280, s0;
	s11 =	simm.s32 $0x7800  }
0x1f9: {  	[tilespmem:s11], [sflag:$0x2] =	stream.linear.gather [spmem:s8], $0x80, $0x38;
	[tilespmem:$0x1BC00] =	vst v63  }
0x1fa: {  	s12 =	sadd.s32 $0x300, s0;
	s13 =	simm.s32 $0x7C00  }
0x1fb: {  	[tilespmem:s13], [sflag:$0x2] =	stream.linear.gather [spmem:s12], $0x80, $0x38;
	[tilespmem:$0x1BC00] =	vst v63  }
0x1fc: {  	s0 =	sadd.s32 $0x380, s0;
	s8 =	simm.s32 $0x8000  }
0x1fd: {  	[tilespmem:s8], [sflag:$0x2] =	stream.linear.gather [spmem:s0], $0x80, $0x38;
	[tilespmem:$0x1BC00] =	vst v63  }
0x1fe: {  	s11 =	simm.s32 $0x6480;
	s0 =	spop (v2sf)  }
0x1ff: {  	(v2sf) =	vpush v0, $0xE;
	[tilespmem:s11], [sflag:$0x2] =	stream.linear.gather [spmem:s0], $0x80, $0x38;
	[tilespmem:$0x1BC00] =	vst v63  }
0x200: {  	s13 =	simm.s32 $0x6880;
	s12 =	sadd.s32 $0x80, s0  }
0x201: {  	[tilespmem:s13], [sflag:$0x2] =	stream.linear.gather [spmem:s12], $0x80, $0x38;
	[tilespmem:$0x1BC00] =	vst v63  }
0x202: {  	s8 =	sadd.s32 $0x100, s0;
	s11 =	simm.s32 $0x6C80  }
0x203: {  	[tilespmem:s11], [sflag:$0x2] =	stream.linear.gather [spmem:s8], $0x80, $0x38;
	[tilespmem:$0x1BC00] =	vst v63  }
0x204: {  	s12 =	sadd.s32 $0x180, s0;
	s13 =	simm.s32 $0x7080  }
0x205: {  	[tilespmem:s13], [sflag:$0x2] =	stream.linear.gather [spmem:s12], $0x80, $0x38;
	[tilespmem:$0x1BC00] =	vst v63  }
0x206: {  	s8 =	sadd.s32 $0x200, s0;
	s11 =	simm.s32 $0x7480  }
0x207: {  	[tilespmem:s11], [sflag:$0x2] =	stream.linear.gather [spmem:s8], $0x80, $0x38;
	[tilespmem:$0x1BC00] =	vst v63  }
0x208: {  	s12 =	sadd.s32 $0x280, s0;
	s13 =	simm.s32 $0x7880  }
0x209: {  	[tilespmem:s13], [sflag:$0x2] =	stream.linear.gather [spmem:s12], $0x80, $0x38;
	[tilespmem:$0x1BC00] =	vst v63  }
0x20a: {  	s8 =	sadd.s32 $0x300, s0;
	s11 =	simm.s32 $0x7C80  }
0x20b: {  	[tilespmem:s11], [sflag:$0x2] =	stream.linear.gather [spmem:s8], $0x80, $0x38;
	[tilespmem:$0x1BC00] =	vst v63  }
0x20c: {  	s0 =	sadd.s32 $0x380, s0;
	s12 =	simm.s32 $0x8080  }
0x20d: {  	[tilespmem:s12], [sflag:$0x2] =	stream.linear.gather [spmem:s0], $0x80, $0x38;
	[tilespmem:$0x1BC00] =	vst v63  }
0x20e: {  	s13 =	simm.s32 $0x6500;
	s0 =	spop (v2sf)  }
0x20f: {  	(v2sf) =	vpush v0, $0xF;
	[tilespmem:s13], [sflag:$0x2] =	stream.linear.gather [spmem:s0], $0x80, $0x38;
	[tilespmem:$0x1BC00] =	vst v63  }
0x210: {  	s11 =	simm.s32 $0x6900;
	s8 =	sadd.s32 $0x80, s0  }
0x211: {  	[tilespmem:s11], [sflag:$0x2] =	stream.linear.gather [spmem:s8], $0x80, $0x38;
	[tilespmem:$0x1BC00] =	vst v63  }
0x212: {  	s12 =	sadd.s32 $0x100, s0;
	s13 =	simm.s32 $0x6D00  }
0x213: {  	[tilespmem:s13], [sflag:$0x2] =	stream.linear.gather [spmem:s12], $0x80, $0x38;
	[tilespmem:$0x1BC00] =	vst v63  }
0x214: {  	s8 =	sadd.s32 $0x180, s0;
	s11 =	simm.s32 $0x7100  }
0x215: {  	[tilespmem:s11], [sflag:$0x2] =	stream.linear.gather [spmem:s8], $0x80, $0x38;
	[tilespmem:$0x1BC00] =	vst v63  }
0x216: {  	s12 =	sadd.s32 $0x200, s0;
	s13 =	simm.s32 $0x7500  }
0x217: {  	[tilespmem:s13], [sflag:$0x2] =	stream.linear.gather [spmem:s12], $0x80, $0x38;
	[tilespmem:$0x1BC00] =	vst v63  }
0x218: {  	s8 =	sadd.s32 $0x280, s0  }
0x219: {  	[tilespmem:s14], [sflag:$0x2] =	stream.linear.gather [spmem:s8], $0x80, $0x38;
	[tilespmem:$0x1BC00] =	vst v63  }
0x21a: {  	s11 =	sadd.s32 $0x300, s0  }
0x21b: {  	[tilespmem:s15], [sflag:$0x2] =	stream.linear.gather [spmem:s11], $0x80, $0x38;
	[tilespmem:$0x1BC00] =	vst v63  }
0x21c: {  	s0 =	sadd.s32 $0x380, s0  }
0x21d: {  	[tilespmem:s16], [sflag:$0x2] =	stream.linear.gather [spmem:s0], $0x80, $0x38;
	[tilespmem:$0x1BC00] =	vst v63  }
0x21e: {  	s0 =	spop (v2sf)  }
0x21f: {  	[tilespmem:s17], [sflag:$0x2] =	stream.linear.gather [spmem:s0], $0x80, $0x38;
	[tilespmem:$0x1BC00] =	vst v63  }
0x220: {  	s12 =	sadd.s32 $0x80, s0  }
0x221: {  	[tilespmem:s18], [sflag:$0x2] =	stream.linear.gather [spmem:s12], $0x80, $0x38;
	[tilespmem:$0x1BC00] =	vst v63  }
0x222: {  	s13 =	sadd.s32 $0x100, s0  }
0x223: {  	[tilespmem:s19], [sflag:$0x2] =	stream.linear.gather [spmem:s13], $0x80, $0x38;
	[tilespmem:$0x1BC00] =	vst v63  }
0x224: {  	s8 =	sadd.s32 $0x180, s0  }
0x225: {  	[tilespmem:s20], [sflag:$0x2] =	stream.linear.gather [spmem:s8], $0x80, $0x38;
	[tilespmem:$0x1BC00] =	vst v63  }
0x226: {  	s11 =	sadd.s32 $0x200, s0  }
0x227: {  	[tilespmem:s21], [sflag:$0x2] =	stream.linear.gather [spmem:s11], $0x80, $0x38;
	[tilespmem:$0x1BC00] =	vst v63  }
0x228: {  	s12 =	sadd.s32 $0x280, s0  }
0x229: {  	[tilespmem:s22], [sflag:$0x2] =	stream.linear.gather [spmem:s12], $0x80, $0x38;
	[tilespmem:$0x1BC00] =	vst v63  }
.Ltmp2:
0x22a: {  	_ = 	snop;
	(pc) =	sbr.rel .LBB2_2-.Ltmp2, $4  }
0x22b: {  	s29 =	simm.s32 $0x20;
	s13 =	sadd.s32 $0x300, s0  }
0x22c: {  	[tilespmem:s23], [sflag:$0x2] =	stream.linear.gather [spmem:s13], $0x80, $0x38;
	[tilespmem:$0x1BC00] =	vst v63  }
0x22d: {  	s31 =	simm.s32 $0x0;
	s0 =	sadd.s32 $0x380, s0;
	s8 =	smov.u32 s30  }
0x22e: {  	[tilespmem:s24], [sflag:$0x2] =	stream.linear.gather [spmem:s0], $0x80, $0x38;
	[tilespmem:$0x1BC00] =	vst v63  }
.LBB2_4:
0x22f: {  	s31 =	sadd.s32 $0x1, s31  }
0x230: {  	p0 =	sne.s32 s31, $0x20  }
.Ltmp3:
0x231: {  	_ = 	snop;
	(pc) =	sbr.rel @!p0 .LBB2_5-.Ltmp3, $2  }
0x232: {  	_ =	sdelay $0x2  }
0x233: {  	s29 =	sadd.s32 $0x10, s29;
	s8 =	sadd.s32 $0x800, s8  }
.LBB2_2:
0x234: {  	s0 =	smul.u32 $0xAB, s31;
	_ =	sdelay $0x1  }
0x235: {  	s0 =	sshrl.u32 s0, $0x9  }
0x236: {  	s0 =	sand.u32 $0x7F, s0  }
0x237: {  	s0 =	smul.u32 $0x3, s0;
	_ =	sdelay $0x1  }
0x238: {  	s0 =	ssub.s32 s31, s0  }
0x239: {  	s0 =	sand.u32 $0xFF, s0  }
0x23a: {  	s1 =	sadd.s32 $0x1, s0  }
0x23b: {  	_ =	swait.ge [sflag:s1], $0x400  }
0x23c: {  	[sflag:s1] =	ssyncset.done $0x0  }
0x23d: {  	[sflag:s1] =	ssyncadd.s32 $0xFFFFFC00  }
0x23e: {  	_ =	swait.ge [sflag:s1], $0x400  }
0x23f: {  	[sflag:s1] =	ssyncset.done $0x0  }
0x240: {  	[sflag:s1] =	ssyncadd.s32 $0xFFFFFC00  }
0x241: {  	_ =	swait.ge [sflag:s1], $0x400  }
0x242: {  	[sflag:s1] =	ssyncset.done $0x0  }
0x243: {  	[sflag:s1] =	ssyncadd.s32 $0xFFFFFC00  }
0x244: {  	_ =	swait.ge [sflag:s1], $0x400  }
0x245: {  	[sflag:s1] =	ssyncset.done $0x0  }
0x246: {  	[sflag:s1] =	ssyncadd.s32 $0xFFFFFC00  }
0x247: {  	_ =	swait.ge [sflag:s1], $0x400  }
0x248: {  	[sflag:s1] =	ssyncset.done $0x0  }
0x249: {  	[sflag:s1] =	ssyncadd.s32 $0xFFFFFC00  }
0x24a: {  	_ =	swait.ge [sflag:s1], $0x400  }
0x24b: {  	[sflag:s1] =	ssyncset.done $0x0  }
0x24c: {  	[sflag:s1] =	ssyncadd.s32 $0xFFFFFC00  }
0x24d: {  	_ =	swait.ge [sflag:s1], $0x400  }
0x24e: {  	[sflag:s1] =	ssyncset.done $0x0  }
0x24f: {  	[sflag:s1] =	ssyncadd.s32 $0xFFFFFC00  }
0x250: {  	_ =	swait.ge [sflag:s1], $0x400  }
0x251: {  	[sflag:s1] =	ssyncset.done $0x0  }
0x252: {  	[sflag:s1] =	ssyncadd.s32 $0xFFFFFC00  }
0x253: {  	_ =	swait.ge [sflag:s1], $0x400  }
0x254: {  	[sflag:s1] =	ssyncset.done $0x0  }
0x255: {  	[sflag:s1] =	ssyncadd.s32 $0xFFFFFC00  }
0x256: {  	_ =	swait.ge [sflag:s1], $0x400  }
0x257: {  	[sflag:s1] =	ssyncset.done $0x0  }
0x258: {  	[sflag:s1] =	ssyncadd.s32 $0xFFFFFC00  }
0x259: {  	_ =	swait.ge [sflag:s1], $0x400  }
0x25a: {  	[sflag:s1] =	ssyncset.done $0x0  }
0x25b: {  	[sflag:s1] =	ssyncadd.s32 $0xFFFFFC00  }
0x25c: {  	_ =	swait.ge [sflag:s1], $0x400  }
0x25d: {  	[sflag:s1] =	ssyncset.done $0x0  }
0x25e: {  	[sflag:s1] =	ssyncadd.s32 $0xFFFFFC00  }
0x25f: {  	_ =	swait.ge [sflag:s1], $0x400  }
0x260: {  	[sflag:s1] =	ssyncset.done $0x0  }
0x261: {  	[sflag:s1] =	ssyncadd.s32 $0xFFFFFC00  }
0x262: {  	_ =	swait.ge [sflag:s1], $0x400  }
0x263: {  	p0 =	slt.u32 s31, $0x2;
	[sflag:s1] =	ssyncset.done $0x0  }
0x264: {  	s11 =	sadd.s32 @!p0 $0xFFFFFFFE, s31;
	[sflag:s1] =	ssyncadd.s32 $0xFFFFFC00  }
0x265: {  	s12 =	sand.u32 @!p0 $0xFF, s11;
	_ =	swait.ge [sflag:s1], $0x400  }
0x266: {  	s12 =	smul.u32 @!p0 $0xAB, s12;
	[sflag:s1] =	ssyncset.done $0x0  }
0x267: {  	[sflag:s1] =	ssyncadd.s32 $0xFFFFFC00  }
0x268: {  	p1 =	sgt.u32 @!p0 s31, $0x1D;
	s12 =	sshrl.u32 @!p0 s12, $0x9;
	_ =	swait.ge [sflag:s1], $0x400  }
0x269: {  	s12 =	smul.u32 @!p0 $0x3, s12;
	s13 =	sshll.u32 s0, $0xE;
	[sflag:s1] =	ssyncset.done $0x0  }
0x26a: {  	s0 =	sor.u32 $0x4, s0;
	[sflag:s1] =	ssyncadd.s32 $0xFFFFFC00;
	s1 =	sor.u32 $0x200, s13  }
0x26b: {  	[hbm4b:s8+s3] =	stream.linear.scatter [tilespmem:s1], [sflag:s0], $0x4000, $0x38;
	[tilespmem:$0x1BC00] =	vst v63  }
0x26c: {  	p1 =	por p0, !p1;
	s0 =	ssub.s32 @!p0 s11, s12  }
.Ltmp4:
0x26d: {  	s0 =	sor.u32 @!p0 $0x4, s0;
	(pc) =	sbr.rel @!p1 .LBB2_4-.Ltmp4, $4  }
0x26e: {  	s0 =	sand.u32 @!p0 $0xFF, s0  }
0x26f: {  	_ =	swait.ge @!p0 [sflag:s0], $0x4000  }
0x270: {  	[sflag:s0] =	ssyncset.done @!p0 $0x0  }
0x271: {  	[sflag:s0] =	ssyncadd.s32 @!p0 $0xFFFFC000  }
0x272: {  	v0 =	vld [tilespmem:s29+$0x0];
	_ =	sdelay $0x4  }
0x273: {  	v0 =	vshll.u32 v0, $0xC  }
0x274: {  	v0 =	vshra.s32 v0, $0x2  }
0x275: {  	v0 =	vadd.s32 s2, v0  }
0x276: {  	(v2sf) =	vpush v0, $0x0;
	_ =	sdelay $0x4  }
0x277: {  	s0 =	sadd.s32 $0x2, s31  }
0x278: {  	s1 =	smul.u32 $0xAB, s0;
	_ =	sdelay $0x1  }
0x279: {  	s1 =	sshrl.u32 s1, $0x9  }
0x27a: {  	s1 =	sand.u32 $0x7F, s1  }
0x27b: {  	s1 =	smul.u32 $0x3, s1;
	_ =	sdelay $0x1  }
0x27c: {  	s0 =	ssub.s32 s0, s1  }
0x27d: {  	s0 =	sand.u32 $0xFF, s0  }
0x27e: {  	s1 =	sshll.u32 s0, $0xE  }
0x27f: {  	s0 =	sadd.s32 $0x1, s0;
	s11 =	sor.u32 $0x200, s1;
	s12 =	spop (v2sf)  }
0x280: {  	(v2sf) =	vpush v0, $0x1;
	[tilespmem:s11], [sflag:s0] =	stream.linear.gather [spmem:s12], $0x80, $0x38;
	[tilespmem:$0x1BC00] =	vst v63  }
0x281: {  	s13 =	sor.u32 $0x600, s1;
	s11 =	sadd.s32 $0x80, s12  }
0x282: {  	[tilespmem:s13], [sflag:s0] =	stream.linear.gather [spmem:s11], $0x80, $0x38;
	[tilespmem:$0x1BC00] =	vst v63  }
0x283: {  	s11 =	sadd.s32 $0x100, s12;
	s13 =	sor.u32 $0xA00, s1  }
0x284: {  	[tilespmem:s13], [sflag:s0] =	stream.linear.gather [spmem:s11], $0x80, $0x38;
	[tilespmem:$0x1BC00] =	vst v63  }
0x285: {  	s11 =	sadd.s32 $0x180, s12;
	s13 =	sor.u32 $0xE00, s1  }
0x286: {  	[tilespmem:s13], [sflag:s0] =	stream.linear.gather [spmem:s11], $0x80, $0x38;
	[tilespmem:$0x1BC00] =	vst v63  }
0x287: {  	s11 =	sadd.s32 $0x200, s12;
	s13 =	sor.u32 $0x1200, s1  }
0x288: {  	[tilespmem:s13], [sflag:s0] =	stream.linear.gather [spmem:s11], $0x80, $0x38;
	[tilespmem:$0x1BC00] =	vst v63  }
0x289: {  	s11 =	sadd.s32 $0x280, s12;
	s13 =	sor.u32 $0x1600, s1  }
0x28a: {  	[tilespmem:s13], [sflag:s0] =	stream.linear.gather [spmem:s11], $0x80, $0x38;
	[tilespmem:$0x1BC00] =	vst v63  }
0x28b: {  	s11 =	sadd.s32 $0x300, s12;
	s13 =	sor.u32 $0x1A00, s1  }
0x28c: {  	[tilespmem:s13], [sflag:s0] =	stream.linear.gather [spmem:s11], $0x80, $0x38;
	[tilespmem:$0x1BC00] =	vst v63  }
0x28d: {  	s12 =	sadd.s32 $0x380, s12;
	s13 =	sor.u32 $0x1E00, s1  }
0x28e: {  	[tilespmem:s13], [sflag:s0] =	stream.linear.gather [spmem:s12], $0x80, $0x38;
	[tilespmem:$0x1BC00] =	vst v63  }
0x28f: {  	s13 =	sor.u32 $0x280, s1;
	s12 =	spop (v2sf)  }
0x290: {  	(v2sf) =	vpush v0, $0x2;
	[tilespmem:s13], [sflag:s0] =	stream.linear.gather [spmem:s12], $0x80, $0x38;
	[tilespmem:$0x1BC00] =	vst v63  }
0x291: {  	s11 =	sadd.s32 $0x80, s12;
	s13 =	sor.u32 $0x680, s1  }
0x292: {  	[tilespmem:s13], [sflag:s0] =	stream.linear.gather [spmem:s11], $0x80, $0x38;
	[tilespmem:$0x1BC00] =	vst v63  }
0x293: {  	s11 =	sadd.s32 $0x100, s12;
	s13 =	sor.u32 $0xA80, s1  }
0x294: {  	[tilespmem:s13], [sflag:s0] =	stream.linear.gather [spmem:s11], $0x80, $0x38;
	[tilespmem:$0x1BC00] =	vst v63  }
0x295: {  	s11 =	sadd.s32 $0x180, s12;
	s13 =	sor.u32 $0xE80, s1  }
0x296: {  	[tilespmem:s13], [sflag:s0] =	stream.linear.gather [spmem:s11], $0x80, $0x38;
	[tilespmem:$0x1BC00] =	vst v63  }
0x297: {  	s11 =	sadd.s32 $0x200, s12;
	s13 =	sor.u32 $0x1280, s1  }
0x298: {  	[tilespmem:s13], [sflag:s0] =	stream.linear.gather [spmem:s11], $0x80, $0x38;
	[tilespmem:$0x1BC00] =	vst v63  }
0x299: {  	s11 =	sadd.s32 $0x280, s12;
	s13 =	sor.u32 $0x1680, s1  }
0x29a: {  	[tilespmem:s13], [sflag:s0] =	stream.linear.gather [spmem:s11], $0x80, $0x38;
	[tilespmem:$0x1BC00] =	vst v63  }
0x29b: {  	s11 =	sadd.s32 $0x300, s12;
	s13 =	sor.u32 $0x1A80, s1  }
0x29c: {  	[tilespmem:s13], [sflag:s0] =	stream.linear.gather [spmem:s11], $0x80, $0x38;
	[tilespmem:$0x1BC00] =	vst v63  }
0x29d: {  	s12 =	sadd.s32 $0x380, s12;
	s13 =	sor.u32 $0x1E80, s1  }
0x29e: {  	[tilespmem:s13], [sflag:s0] =	stream.linear.gather [spmem:s12], $0x80, $0x38;
	[tilespmem:$0x1BC00] =	vst v63  }
0x29f: {  	s13 =	sor.u32 $0x300, s1;
	s12 =	spop (v2sf)  }
0x2a0: {  	(v2sf) =	vpush v0, $0x3;
	[tilespmem:s13], [sflag:s0] =	stream.linear.gather [spmem:s12], $0x80, $0x38;
	[tilespmem:$0x1BC00] =	vst v63  }
0x2a1: {  	s11 =	sadd.s32 $0x80, s12;
	s13 =	sor.u32 $0x700, s1  }
0x2a2: {  	[tilespmem:s13], [sflag:s0] =	stream.linear.gather [spmem:s11], $0x80, $0x38;
	[tilespmem:$0x1BC00] =	vst v63  }
0x2a3: {  	s11 =	sadd.s32 $0x100, s12;
	s13 =	sor.u32 $0xB00, s1  }
0x2a4: {  	[tilespmem:s13], [sflag:s0] =	stream.linear.gather [spmem:s11], $0x80, $0x38;
	[tilespmem:$0x1BC00] =	vst v63  }
0x2a5: {  	s11 =	sadd.s32 $0x180, s12;
	s13 =	sor.u32 $0xF00, s1  }
0x2a6: {  	[tilespmem:s13], [sflag:s0] =	stream.linear.gather [spmem:s11], $0x80, $0x38;
	[tilespmem:$0x1BC00] =	vst v63  }
0x2a7: {  	s11 =	sadd.s32 $0x200, s12;
	s13 =	sor.u32 $0x1300, s1  }
0x2a8: {  	[tilespmem:s13], [sflag:s0] =	stream.linear.gather [spmem:s11], $0x80, $0x38;
	[tilespmem:$0x1BC00] =	vst v63  }
0x2a9: {  	s11 =	sadd.s32 $0x280, s12;
	s13 =	sor.u32 $0x1700, s1  }
0x2aa: {  	[tilespmem:s13], [sflag:s0] =	stream.linear.gather [spmem:s11], $0x80, $0x38;
	[tilespmem:$0x1BC00] =	vst v63  }
0x2ab: {  	s11 =	sadd.s32 $0x300, s12;
	s13 =	sor.u32 $0x1B00, s1  }
0x2ac: {  	[tilespmem:s13], [sflag:s0] =	stream.linear.gather [spmem:s11], $0x80, $0x38;
	[tilespmem:$0x1BC00] =	vst v63  }
0x2ad: {  	s12 =	sadd.s32 $0x380, s12;
	s13 =	sor.u32 $0x1F00, s1  }
0x2ae: {  	[tilespmem:s13], [sflag:s0] =	stream.linear.gather [spmem:s12], $0x80, $0x38;
	[tilespmem:$0x1BC00] =	vst v63  }
0x2af: {  	s13 =	sor.u32 $0x380, s1;
	s12 =	spop (v2sf)  }
0x2b0: {  	(v2sf) =	vpush v0, $0x4;
	[tilespmem:s13], [sflag:s0] =	stream.linear.gather [spmem:s12], $0x80, $0x38;
	[tilespmem:$0x1BC00] =	vst v63  }
0x2b1: {  	s11 =	sadd.s32 $0x80, s12;
	s13 =	sor.u32 $0x780, s1  }
0x2b2: {  	[tilespmem:s13], [sflag:s0] =	stream.linear.gather [spmem:s11], $0x80, $0x38;
	[tilespmem:$0x1BC00] =	vst v63  }
0x2b3: {  	s11 =	sadd.s32 $0x100, s12;
	s13 =	sor.u32 $0xB80, s1  }
0x2b4: {  	[tilespmem:s13], [sflag:s0] =	stream.linear.gather [spmem:s11], $0x80, $0x38;
	[tilespmem:$0x1BC00] =	vst v63  }
0x2b5: {  	s11 =	sadd.s32 $0x180, s12;
	s13 =	sor.u32 $0xF80, s1  }
0x2b6: {  	[tilespmem:s13], [sflag:s0] =	stream.linear.gather [spmem:s11], $0x80, $0x38;
	[tilespmem:$0x1BC00] =	vst v63  }
0x2b7: {  	s11 =	sadd.s32 $0x200, s12;
	s13 =	sor.u32 $0x1380, s1  }
0x2b8: {  	[tilespmem:s13], [sflag:s0] =	stream.linear.gather [spmem:s11], $0x80, $0x38;
	[tilespmem:$0x1BC00] =	vst v63  }
0x2b9: {  	s11 =	sadd.s32 $0x280, s12;
	s13 =	sor.u32 $0x1780, s1  }
0x2ba: {  	[tilespmem:s13], [sflag:s0] =	stream.linear.gather [spmem:s11], $0x80, $0x38;
	[tilespmem:$0x1BC00] =	vst v63  }
0x2bb: {  	s11 =	sadd.s32 $0x300, s12;
	s13 =	sor.u32 $0x1B80, s1  }
0x2bc: {  	[tilespmem:s13], [sflag:s0] =	stream.linear.gather [spmem:s11], $0x80, $0x38;
	[tilespmem:$0x1BC00] =	vst v63  }
0x2bd: {  	s12 =	sadd.s32 $0x380, s12;
	s13 =	sor.u32 $0x1F80, s1  }
0x2be: {  	[tilespmem:s13], [sflag:s0] =	stream.linear.gather [spmem:s12], $0x80, $0x38;
	[tilespmem:$0x1BC00] =	vst v63  }
0x2bf: {  	s13 =	sor.u32 $0x400, s1;
	s12 =	spop (v2sf)  }
0x2c0: {  	(v2sf) =	vpush v0, $0x5;
	[tilespmem:s13], [sflag:s0] =	stream.linear.gather [spmem:s12], $0x80, $0x38;
	[tilespmem:$0x1BC00] =	vst v63  }
0x2c1: {  	s11 =	sadd.s32 $0x80, s12;
	s13 =	sor.u32 $0x800, s1  }
0x2c2: {  	[tilespmem:s13], [sflag:s0] =	stream.linear.gather [spmem:s11], $0x80, $0x38;
	[tilespmem:$0x1BC00] =	vst v63  }
0x2c3: {  	s11 =	sadd.s32 $0x100, s12;
	s13 =	sor.u32 $0xC00, s1  }
0x2c4: {  	[tilespmem:s13], [sflag:s0] =	stream.linear.gather [spmem:s11], $0x80, $0x38;
	[tilespmem:$0x1BC00] =	vst v63  }
0x2c5: {  	s11 =	sadd.s32 $0x180, s12;
	s13 =	sor.u32 $0x1000, s1  }
0x2c6: {  	[tilespmem:s13], [sflag:s0] =	stream.linear.gather [spmem:s11], $0x80, $0x38;
	[tilespmem:$0x1BC00] =	vst v63  }
0x2c7: {  	s11 =	sadd.s32 $0x200, s12;
	s13 =	sor.u32 $0x1400, s1  }
0x2c8: {  	[tilespmem:s13], [sflag:s0] =	stream.linear.gather [spmem:s11], $0x80, $0x38;
	[tilespmem:$0x1BC00] =	vst v63  }
0x2c9: {  	s11 =	sadd.s32 $0x280, s12;
	s13 =	sor.u32 $0x1800, s1  }
0x2ca: {  	[tilespmem:s13], [sflag:s0] =	stream.linear.gather [spmem:s11], $0x80, $0x38;
	[tilespmem:$0x1BC00] =	vst v63  }
0x2cb: {  	s11 =	sadd.s32 $0x300, s12;
	s13 =	sor.u32 $0x1C00, s1  }
0x2cc: {  	[tilespmem:s13], [sflag:s0] =	stream.linear.gather [spmem:s11], $0x80, $0x38;
	[tilespmem:$0x1BC00] =	vst v63  }
0x2cd: {  	s12 =	sadd.s32 $0x380, s12;
	s13 =	sor.u32 $0x2000, s1  }
0x2ce: {  	[tilespmem:s13], [sflag:s0] =	stream.linear.gather [spmem:s12], $0x80, $0x38;
	[tilespmem:$0x1BC00] =	vst v63  }
0x2cf: {  	s13 =	sor.u32 $0x480, s1;
	s12 =	spop (v2sf)  }
0x2d0: {  	(v2sf) =	vpush v0, $0x6;
	[tilespmem:s13], [sflag:s0] =	stream.linear.gather [spmem:s12], $0x80, $0x38;
	[tilespmem:$0x1BC00] =	vst v63  }
0x2d1: {  	s11 =	sadd.s32 $0x80, s12;
	s13 =	sor.u32 $0x880, s1  }
0x2d2: {  	[tilespmem:s13], [sflag:s0] =	stream.linear.gather [spmem:s11], $0x80, $0x38;
	[tilespmem:$0x1BC00] =	vst v63  }
0x2d3: {  	s11 =	sadd.s32 $0x100, s12;
	s13 =	sor.u32 $0xC80, s1  }
0x2d4: {  	[tilespmem:s13], [sflag:s0] =	stream.linear.gather [spmem:s11], $0x80, $0x38;
	[tilespmem:$0x1BC00] =	vst v63  }
0x2d5: {  	s11 =	sadd.s32 $0x180, s12;
	s13 =	sor.u32 $0x1080, s1  }
0x2d6: {  	[tilespmem:s13], [sflag:s0] =	stream.linear.gather [spmem:s11], $0x80, $0x38;
	[tilespmem:$0x1BC00] =	vst v63  }
0x2d7: {  	s11 =	sadd.s32 $0x200, s12;
	s13 =	sor.u32 $0x1480, s1  }
0x2d8: {  	[tilespmem:s13], [sflag:s0] =	stream.linear.gather [spmem:s11], $0x80, $0x38;
	[tilespmem:$0x1BC00] =	vst v63  }
0x2d9: {  	s11 =	sadd.s32 $0x280, s12;
	s13 =	sor.u32 $0x1880, s1  }
0x2da: {  	[tilespmem:s13], [sflag:s0] =	stream.linear.gather [spmem:s11], $0x80, $0x38;
	[tilespmem:$0x1BC00] =	vst v63  }
0x2db: {  	s11 =	sadd.s32 $0x300, s12;
	s13 =	sor.u32 $0x1C80, s1  }
0x2dc: {  	[tilespmem:s13], [sflag:s0] =	stream.linear.gather [spmem:s11], $0x80, $0x38;
	[tilespmem:$0x1BC00] =	vst v63  }
0x2dd: {  	s12 =	sadd.s32 $0x380, s12;
	s13 =	sor.u32 $0x2080, s1  }
0x2de: {  	[tilespmem:s13], [sflag:s0] =	stream.linear.gather [spmem:s12], $0x80, $0x38;
	[tilespmem:$0x1BC00] =	vst v63  }
0x2df: {  	s13 =	sor.u32 $0x500, s1;
	s12 =	spop (v2sf)  }
0x2e0: {  	(v2sf) =	vpush v0, $0x7;
	[tilespmem:s13], [sflag:s0] =	stream.linear.gather [spmem:s12], $0x80, $0x38;
	[tilespmem:$0x1BC00] =	vst v63  }
0x2e1: {  	s11 =	sadd.s32 $0x80, s12;
	s13 =	sor.u32 $0x900, s1  }
0x2e2: {  	[tilespmem:s13], [sflag:s0] =	stream.linear.gather [spmem:s11], $0x80, $0x38;
	[tilespmem:$0x1BC00] =	vst v63  }
0x2e3: {  	s11 =	sadd.s32 $0x100, s12;
	s13 =	sor.u32 $0xD00, s1  }
0x2e4: {  	[tilespmem:s13], [sflag:s0] =	stream.linear.gather [spmem:s11], $0x80, $0x38;
	[tilespmem:$0x1BC00] =	vst v63  }
0x2e5: {  	s11 =	sadd.s32 $0x180, s12;
	s13 =	sor.u32 $0x1100, s1  }
0x2e6: {  	[tilespmem:s13], [sflag:s0] =	stream.linear.gather [spmem:s11], $0x80, $0x38;
	[tilespmem:$0x1BC00] =	vst v63  }
0x2e7: {  	s11 =	sadd.s32 $0x200, s12;
	s13 =	sor.u32 $0x1500, s1  }
0x2e8: {  	[tilespmem:s13], [sflag:s0] =	stream.linear.gather [spmem:s11], $0x80, $0x38;
	[tilespmem:$0x1BC00] =	vst v63  }
0x2e9: {  	s11 =	sadd.s32 $0x280, s12;
	s13 =	sor.u32 $0x1900, s1  }
0x2ea: {  	[tilespmem:s13], [sflag:s0] =	stream.linear.gather [spmem:s11], $0x80, $0x38;
	[tilespmem:$0x1BC00] =	vst v63  }
0x2eb: {  	s11 =	sadd.s32 $0x300, s12;
	s13 =	sor.u32 $0x1D00, s1  }
0x2ec: {  	[tilespmem:s13], [sflag:s0] =	stream.linear.gather [spmem:s11], $0x80, $0x38;
	[tilespmem:$0x1BC00] =	vst v63  }
0x2ed: {  	s12 =	sadd.s32 $0x380, s12;
	s13 =	sor.u32 $0x2100, s1  }
0x2ee: {  	[tilespmem:s13], [sflag:s0] =	stream.linear.gather [spmem:s12], $0x80, $0x38;
	[tilespmem:$0x1BC00] =	vst v63  }
0x2ef: {  	s13 =	sor.u32 $0x580, s1;
	s12 =	spop (v2sf)  }
0x2f0: {  	(v2sf) =	vpush v0, $0x8;
	[tilespmem:s13], [sflag:s0] =	stream.linear.gather [spmem:s12], $0x80, $0x38;
	[tilespmem:$0x1BC00] =	vst v63  }
0x2f1: {  	s11 =	sadd.s32 $0x80, s12;
	s13 =	sor.u32 $0x980, s1  }
0x2f2: {  	[tilespmem:s13], [sflag:s0] =	stream.linear.gather [spmem:s11], $0x80, $0x38;
	[tilespmem:$0x1BC00] =	vst v63  }
0x2f3: {  	s11 =	sadd.s32 $0x100, s12;
	s13 =	sor.u32 $0xD80, s1  }
0x2f4: {  	[tilespmem:s13], [sflag:s0] =	stream.linear.gather [spmem:s11], $0x80, $0x38;
	[tilespmem:$0x1BC00] =	vst v63  }
0x2f5: {  	s11 =	sadd.s32 $0x180, s12;
	s13 =	sor.u32 $0x1180, s1  }
0x2f6: {  	[tilespmem:s13], [sflag:s0] =	stream.linear.gather [spmem:s11], $0x80, $0x38;
	[tilespmem:$0x1BC00] =	vst v63  }
0x2f7: {  	s11 =	sadd.s32 $0x200, s12;
	s13 =	sor.u32 $0x1580, s1  }
0x2f8: {  	[tilespmem:s13], [sflag:s0] =	stream.linear.gather [spmem:s11], $0x80, $0x38;
	[tilespmem:$0x1BC00] =	vst v63  }
0x2f9: {  	s11 =	sadd.s32 $0x280, s12;
	s13 =	sor.u32 $0x1980, s1  }
0x2fa: {  	[tilespmem:s13], [sflag:s0] =	stream.linear.gather [spmem:s11], $0x80, $0x38;
	[tilespmem:$0x1BC00] =	vst v63  }
0x2fb: {  	s11 =	sadd.s32 $0x300, s12;
	s13 =	sor.u32 $0x1D80, s1  }
0x2fc: {  	[tilespmem:s13], [sflag:s0] =	stream.linear.gather [spmem:s11], $0x80, $0x38;
	[tilespmem:$0x1BC00] =	vst v63  }
0x2fd: {  	s12 =	sadd.s32 $0x380, s12;
	s13 =	sor.u32 $0x2180, s1  }
0x2fe: {  	[tilespmem:s13], [sflag:s0] =	stream.linear.gather [spmem:s12], $0x80, $0x38;
	[tilespmem:$0x1BC00] =	vst v63  }
0x2ff: {  	s13 =	sor.u32 $0x2200, s1;
	s12 =	spop (v2sf)  }
0x300: {  	(v2sf) =	vpush v0, $0x9;
	[tilespmem:s13], [sflag:s0] =	stream.linear.gather [spmem:s12], $0x80, $0x38;
	[tilespmem:$0x1BC00] =	vst v63  }
0x301: {  	s11 =	sadd.s32 $0x80, s12;
	s13 =	sor.u32 $0x2600, s1  }
0x302: {  	[tilespmem:s13], [sflag:s0] =	stream.linear.gather [spmem:s11], $0x80, $0x38;
	[tilespmem:$0x1BC00] =	vst v63  }
0x303: {  	s11 =	sadd.s32 $0x100, s12;
	s13 =	sor.u32 $0x2A00, s1  }
0x304: {  	[tilespmem:s13], [sflag:s0] =	stream.linear.gather [spmem:s11], $0x80, $0x38;
	[tilespmem:$0x1BC00] =	vst v63  }
0x305: {  	s11 =	sadd.s32 $0x180, s12;
	s13 =	sor.u32 $0x2E00, s1  }
0x306: {  	[tilespmem:s13], [sflag:s0] =	stream.linear.gather [spmem:s11], $0x80, $0x38;
	[tilespmem:$0x1BC00] =	vst v63  }
0x307: {  	s11 =	sadd.s32 $0x200, s12;
	s13 =	sor.u32 $0x3200, s1  }
0x308: {  	[tilespmem:s13], [sflag:s0] =	stream.linear.gather [spmem:s11], $0x80, $0x38;
	[tilespmem:$0x1BC00] =	vst v63  }
0x309: {  	s11 =	sadd.s32 $0x280, s12;
	s13 =	sor.u32 $0x3600, s1  }
0x30a: {  	[tilespmem:s13], [sflag:s0] =	stream.linear.gather [spmem:s11], $0x80, $0x38;
	[tilespmem:$0x1BC00] =	vst v63  }
0x30b: {  	s11 =	sadd.s32 $0x300, s12;
	s13 =	sor.u32 $0x3A00, s1  }
0x30c: {  	[tilespmem:s13], [sflag:s0] =	stream.linear.gather [spmem:s11], $0x80, $0x38;
	[tilespmem:$0x1BC00] =	vst v63  }
0x30d: {  	s12 =	sadd.s32 $0x380, s12;
	s13 =	sor.u32 $0x3E00, s1  }
0x30e: {  	[tilespmem:s13], [sflag:s0] =	stream.linear.gather [spmem:s12], $0x80, $0x38;
	[tilespmem:$0x1BC00] =	vst v63  }
0x30f: {  	s13 =	sor.u32 $0x2280, s1;
	s12 =	spop (v2sf)  }
0x310: {  	(v2sf) =	vpush v0, $0xA;
	[tilespmem:s13], [sflag:s0] =	stream.linear.gather [spmem:s12], $0x80, $0x38;
	[tilespmem:$0x1BC00] =	vst v63  }
0x311: {  	s11 =	sadd.s32 $0x80, s12;
	s13 =	sor.u32 $0x2680, s1  }
0x312: {  	[tilespmem:s13], [sflag:s0] =	stream.linear.gather [spmem:s11], $0x80, $0x38;
	[tilespmem:$0x1BC00] =	vst v63  }
0x313: {  	s11 =	sadd.s32 $0x100, s12;
	s13 =	sor.u32 $0x2A80, s1  }
0x314: {  	[tilespmem:s13], [sflag:s0] =	stream.linear.gather [spmem:s11], $0x80, $0x38;
	[tilespmem:$0x1BC00] =	vst v63  }
0x315: {  	s11 =	sadd.s32 $0x180, s12;
	s13 =	sor.u32 $0x2E80, s1  }
0x316: {  	[tilespmem:s13], [sflag:s0] =	stream.linear.gather [spmem:s11], $0x80, $0x38;
	[tilespmem:$0x1BC00] =	vst v63  }
0x317: {  	s11 =	sadd.s32 $0x200, s12;
	s13 =	sor.u32 $0x3280, s1  }
0x318: {  	[tilespmem:s13], [sflag:s0] =	stream.linear.gather [spmem:s11], $0x80, $0x38;
	[tilespmem:$0x1BC00] =	vst v63  }
0x319: {  	s11 =	sadd.s32 $0x280, s12;
	s13 =	sor.u32 $0x3680, s1  }
0x31a: {  	[tilespmem:s13], [sflag:s0] =	stream.linear.gather [spmem:s11], $0x80, $0x38;
	[tilespmem:$0x1BC00] =	vst v63  }
0x31b: {  	s11 =	sadd.s32 $0x300, s12;
	s13 =	sor.u32 $0x3A80, s1  }
0x31c: {  	[tilespmem:s13], [sflag:s0] =	stream.linear.gather [spmem:s11], $0x80, $0x38;
	[tilespmem:$0x1BC00] =	vst v63  }
0x31d: {  	s12 =	sadd.s32 $0x380, s12;
	s13 =	sor.u32 $0x3E80, s1  }
0x31e: {  	[tilespmem:s13], [sflag:s0] =	stream.linear.gather [spmem:s12], $0x80, $0x38;
	[tilespmem:$0x1BC00] =	vst v63  }
0x31f: {  	s13 =	sor.u32 $0x2300, s1;
	s12 =	spop (v2sf)  }
0x320: {  	(v2sf) =	vpush v0, $0xB;
	[tilespmem:s13], [sflag:s0] =	stream.linear.gather [spmem:s12], $0x80, $0x38;
	[tilespmem:$0x1BC00] =	vst v63  }
0x321: {  	s11 =	sadd.s32 $0x80, s12;
	s13 =	sor.u32 $0x2700, s1  }
0x322: {  	[tilespmem:s13], [sflag:s0] =	stream.linear.gather [spmem:s11], $0x80, $0x38;
	[tilespmem:$0x1BC00] =	vst v63  }
0x323: {  	s11 =	sadd.s32 $0x100, s12;
	s13 =	sor.u32 $0x2B00, s1  }
0x324: {  	[tilespmem:s13], [sflag:s0] =	stream.linear.gather [spmem:s11], $0x80, $0x38;
	[tilespmem:$0x1BC00] =	vst v63  }
0x325: {  	s11 =	sadd.s32 $0x180, s12;
	s13 =	sor.u32 $0x2F00, s1  }
0x326: {  	[tilespmem:s13], [sflag:s0] =	stream.linear.gather [spmem:s11], $0x80, $0x38;
	[tilespmem:$0x1BC00] =	vst v63  }
0x327: {  	s11 =	sadd.s32 $0x200, s12;
	s13 =	sor.u32 $0x3300, s1  }
0x328: {  	[tilespmem:s13], [sflag:s0] =	stream.linear.gather [spmem:s11], $0x80, $0x38;
	[tilespmem:$0x1BC00] =	vst v63  }
0x329: {  	s11 =	sadd.s32 $0x280, s12;
	s13 =	sor.u32 $0x3700, s1  }
0x32a: {  	[tilespmem:s13], [sflag:s0] =	stream.linear.gather [spmem:s11], $0x80, $0x38;
	[tilespmem:$0x1BC00] =	vst v63  }
0x32b: {  	s11 =	sadd.s32 $0x300, s12;
	s13 =	sor.u32 $0x3B00, s1  }
0x32c: {  	[tilespmem:s13], [sflag:s0] =	stream.linear.gather [spmem:s11], $0x80, $0x38;
	[tilespmem:$0x1BC00] =	vst v63  }
0x32d: {  	s12 =	sadd.s32 $0x380, s12;
	s13 =	sor.u32 $0x3F00, s1  }
0x32e: {  	[tilespmem:s13], [sflag:s0] =	stream.linear.gather [spmem:s12], $0x80, $0x38;
	[tilespmem:$0x1BC00] =	vst v63  }
0x32f: {  	s13 =	sor.u32 $0x2380, s1;
	s12 =	spop (v2sf)  }
0x330: {  	(v2sf) =	vpush v0, $0xC;
	[tilespmem:s13], [sflag:s0] =	stream.linear.gather [spmem:s12], $0x80, $0x38;
	[tilespmem:$0x1BC00] =	vst v63  }
0x331: {  	s11 =	sadd.s32 $0x80, s12;
	s13 =	sor.u32 $0x2780, s1  }
0x332: {  	[tilespmem:s13], [sflag:s0] =	stream.linear.gather [spmem:s11], $0x80, $0x38;
	[tilespmem:$0x1BC00] =	vst v63  }
0x333: {  	s11 =	sadd.s32 $0x100, s12;
	s13 =	sor.u32 $0x2B80, s1  }
0x334: {  	[tilespmem:s13], [sflag:s0] =	stream.linear.gather [spmem:s11], $0x80, $0x38;
	[tilespmem:$0x1BC00] =	vst v63  }
0x335: {  	s11 =	sadd.s32 $0x180, s12;
	s13 =	sor.u32 $0x2F80, s1  }
0x336: {  	[tilespmem:s13], [sflag:s0] =	stream.linear.gather [spmem:s11], $0x80, $0x38;
	[tilespmem:$0x1BC00] =	vst v63  }
0x337: {  	s11 =	sadd.s32 $0x200, s12;
	s13 =	sor.u32 $0x3380, s1  }
0x338: {  	[tilespmem:s13], [sflag:s0] =	stream.linear.gather [spmem:s11], $0x80, $0x38;
	[tilespmem:$0x1BC00] =	vst v63  }
0x339: {  	s11 =	sadd.s32 $0x280, s12;
	s13 =	sor.u32 $0x3780, s1  }
0x33a: {  	[tilespmem:s13], [sflag:s0] =	stream.linear.gather [spmem:s11], $0x80, $0x38;
	[tilespmem:$0x1BC00] =	vst v63  }
0x33b: {  	s11 =	sadd.s32 $0x300, s12;
	s13 =	sor.u32 $0x3B80, s1  }
0x33c: {  	[tilespmem:s13], [sflag:s0] =	stream.linear.gather [spmem:s11], $0x80, $0x38;
	[tilespmem:$0x1BC00] =	vst v63  }
0x33d: {  	s12 =	sadd.s32 $0x380, s12;
	s13 =	sor.u32 $0x3F80, s1  }
0x33e: {  	[tilespmem:s13], [sflag:s0] =	stream.linear.gather [spmem:s12], $0x80, $0x38;
	[tilespmem:$0x1BC00] =	vst v63  }
0x33f: {  	s13 =	sor.u32 $0x2400, s1;
	s12 =	spop (v2sf)  }
0x340: {  	(v2sf) =	vpush v0, $0xD;
	[tilespmem:s13], [sflag:s0] =	stream.linear.gather [spmem:s12], $0x80, $0x38;
	[tilespmem:$0x1BC00] =	vst v63  }
0x341: {  	s11 =	sadd.s32 $0x80, s12;
	s13 =	sor.u32 $0x2800, s1  }
0x342: {  	[tilespmem:s13], [sflag:s0] =	stream.linear.gather [spmem:s11], $0x80, $0x38;
	[tilespmem:$0x1BC00] =	vst v63  }
0x343: {  	s11 =	sadd.s32 $0x100, s12;
	s13 =	sor.u32 $0x2C00, s1  }
0x344: {  	[tilespmem:s13], [sflag:s0] =	stream.linear.gather [spmem:s11], $0x80, $0x38;
	[tilespmem:$0x1BC00] =	vst v63  }
0x345: {  	s11 =	sadd.s32 $0x180, s12;
	s13 =	sor.u32 $0x3000, s1  }
0x346: {  	[tilespmem:s13], [sflag:s0] =	stream.linear.gather [spmem:s11], $0x80, $0x38;
	[tilespmem:$0x1BC00] =	vst v63  }
0x347: {  	s11 =	sadd.s32 $0x200, s12;
	s13 =	sor.u32 $0x3400, s1  }
0x348: {  	[tilespmem:s13], [sflag:s0] =	stream.linear.gather [spmem:s11], $0x80, $0x38;
	[tilespmem:$0x1BC00] =	vst v63  }
0x349: {  	s11 =	sadd.s32 $0x280, s12;
	s13 =	sor.u32 $0x3800, s1  }
0x34a: {  	[tilespmem:s13], [sflag:s0] =	stream.linear.gather [spmem:s11], $0x80, $0x38;
	[tilespmem:$0x1BC00] =	vst v63  }
0x34b: {  	s11 =	sadd.s32 $0x300, s12;
	s13 =	sor.u32 $0x3C00, s1  }
0x34c: {  	[tilespmem:s13], [sflag:s0] =	stream.linear.gather [spmem:s11], $0x80, $0x38;
	[tilespmem:$0x1BC00] =	vst v63  }
0x34d: {  	s12 =	sadd.s32 $0x380, s12;
	s13 =	sadd.s32 $0x4000, s1  }
0x34e: {  	[tilespmem:s13], [sflag:s0] =	stream.linear.gather [spmem:s12], $0x80, $0x38;
	[tilespmem:$0x1BC00] =	vst v63  }
0x34f: {  	s13 =	sor.u32 $0x2480, s1;
	s12 =	spop (v2sf)  }
0x350: {  	(v2sf) =	vpush v0, $0xE;
	[tilespmem:s13], [sflag:s0] =	stream.linear.gather [spmem:s12], $0x80, $0x38;
	[tilespmem:$0x1BC00] =	vst v63  }
0x351: {  	s11 =	sadd.s32 $0x80, s12;
	s13 =	sor.u32 $0x2880, s1  }
0x352: {  	[tilespmem:s13], [sflag:s0] =	stream.linear.gather [spmem:s11], $0x80, $0x38;
	[tilespmem:$0x1BC00] =	vst v63  }
0x353: {  	s11 =	sadd.s32 $0x100, s12;
	s13 =	sor.u32 $0x2C80, s1  }
0x354: {  	[tilespmem:s13], [sflag:s0] =	stream.linear.gather [spmem:s11], $0x80, $0x38;
	[tilespmem:$0x1BC00] =	vst v63  }
0x355: {  	s11 =	sadd.s32 $0x180, s12;
	s13 =	sor.u32 $0x3080, s1  }
0x356: {  	[tilespmem:s13], [sflag:s0] =	stream.linear.gather [spmem:s11], $0x80, $0x38;
	[tilespmem:$0x1BC00] =	vst v63  }
0x357: {  	s11 =	sadd.s32 $0x200, s12;
	s13 =	sor.u32 $0x3480, s1  }
0x358: {  	[tilespmem:s13], [sflag:s0] =	stream.linear.gather [spmem:s11], $0x80, $0x38;
	[tilespmem:$0x1BC00] =	vst v63  }
0x359: {  	s11 =	sadd.s32 $0x280, s12;
	s13 =	sor.u32 $0x3880, s1  }
0x35a: {  	[tilespmem:s13], [sflag:s0] =	stream.linear.gather [spmem:s11], $0x80, $0x38;
	[tilespmem:$0x1BC00] =	vst v63  }
0x35b: {  	s11 =	sadd.s32 $0x300, s12;
	s13 =	sor.u32 $0x3C80, s1  }
0x35c: {  	[tilespmem:s13], [sflag:s0] =	stream.linear.gather [spmem:s11], $0x80, $0x38;
	[tilespmem:$0x1BC00] =	vst v63  }
0x35d: {  	s12 =	sadd.s32 $0x380, s12;
	s13 =	sadd.s32 $0x4080, s1  }
0x35e: {  	[tilespmem:s13], [sflag:s0] =	stream.linear.gather [spmem:s12], $0x80, $0x38;
	[tilespmem:$0x1BC00] =	vst v63  }
0x35f: {  	s13 =	sor.u32 $0x2500, s1;
	s12 =	spop (v2sf)  }
0x360: {  	(v2sf) =	vpush v0, $0xF;
	[tilespmem:s13], [sflag:s0] =	stream.linear.gather [spmem:s12], $0x80, $0x38;
	[tilespmem:$0x1BC00] =	vst v63  }
0x361: {  	s11 =	sadd.s32 $0x80, s12;
	s13 =	sor.u32 $0x2900, s1  }
0x362: {  	[tilespmem:s13], [sflag:s0] =	stream.linear.gather [spmem:s11], $0x80, $0x38;
	[tilespmem:$0x1BC00] =	vst v63  }
0x363: {  	s11 =	sadd.s32 $0x100, s12;
	s13 =	sor.u32 $0x2D00, s1  }
0x364: {  	[tilespmem:s13], [sflag:s0] =	stream.linear.gather [spmem:s11], $0x80, $0x38;
	[tilespmem:$0x1BC00] =	vst v63  }
0x365: {  	s11 =	sadd.s32 $0x180, s12;
	s13 =	sor.u32 $0x3100, s1  }
0x366: {  	[tilespmem:s13], [sflag:s0] =	stream.linear.gather [spmem:s11], $0x80, $0x38;
	[tilespmem:$0x1BC00] =	vst v63  }
0x367: {  	s11 =	sadd.s32 $0x200, s12;
	s13 =	sor.u32 $0x3500, s1  }
0x368: {  	[tilespmem:s13], [sflag:s0] =	stream.linear.gather [spmem:s11], $0x80, $0x38;
	[tilespmem:$0x1BC00] =	vst v63  }
0x369: {  	s11 =	sadd.s32 $0x280, s12;
	s13 =	sor.u32 $0x3900, s1  }
0x36a: {  	[tilespmem:s13], [sflag:s0] =	stream.linear.gather [spmem:s11], $0x80, $0x38;
	[tilespmem:$0x1BC00] =	vst v63  }
0x36b: {  	s11 =	sadd.s32 $0x300, s12;
	s13 =	sor.u32 $0x3D00, s1  }
0x36c: {  	[tilespmem:s13], [sflag:s0] =	stream.linear.gather [spmem:s11], $0x80, $0x38;
	[tilespmem:$0x1BC00] =	vst v63  }
0x36d: {  	s12 =	sadd.s32 $0x380, s12;
	s13 =	sadd.s32 $0x4100, s1  }
0x36e: {  	[tilespmem:s13], [sflag:s0] =	stream.linear.gather [spmem:s12], $0x80, $0x38;
	[tilespmem:$0x1BC00] =	vst v63  }
0x36f: {  	s13 =	sor.u32 $0x2580, s1;
	s12 =	spop (v2sf)  }
0x370: {  	[tilespmem:s13], [sflag:s0] =	stream.linear.gather [spmem:s12], $0x80, $0x38;
	[tilespmem:$0x1BC00] =	vst v63  }
0x371: {  	s11 =	sadd.s32 $0x80, s12;
	s13 =	sor.u32 $0x2980, s1  }
0x372: {  	[tilespmem:s13], [sflag:s0] =	stream.linear.gather [spmem:s11], $0x80, $0x38;
	[tilespmem:$0x1BC00] =	vst v63  }
0x373: {  	s11 =	sadd.s32 $0x100, s12;
	s13 =	sor.u32 $0x2D80, s1  }
0x374: {  	[tilespmem:s13], [sflag:s0] =	stream.linear.gather [spmem:s11], $0x80, $0x38;
	[tilespmem:$0x1BC00] =	vst v63  }
0x375: {  	s11 =	sadd.s32 $0x180, s12;
	s13 =	sor.u32 $0x3180, s1  }
0x376: {  	[tilespmem:s13], [sflag:s0] =	stream.linear.gather [spmem:s11], $0x80, $0x38;
	[tilespmem:$0x1BC00] =	vst v63  }
0x377: {  	s11 =	sadd.s32 $0x200, s12;
	s13 =	sor.u32 $0x3580, s1  }
0x378: {  	[tilespmem:s13], [sflag:s0] =	stream.linear.gather [spmem:s11], $0x80, $0x38;
	[tilespmem:$0x1BC00] =	vst v63  }
0x379: {  	s11 =	sadd.s32 $0x280, s12;
	s13 =	sor.u32 $0x3980, s1  }
0x37a: {  	[tilespmem:s13], [sflag:s0] =	stream.linear.gather [spmem:s11], $0x80, $0x38;
	[tilespmem:$0x1BC00] =	vst v63  }
.Ltmp5:
0x37b: {  	_ = 	snop;
	(pc) =	sbr.rel .LBB2_4-.Ltmp5, $4  }
0x37c: {  	s11 =	sadd.s32 $0x300, s12;
	s13 =	sor.u32 $0x3D80, s1  }
0x37d: {  	[tilespmem:s13], [sflag:s0] =	stream.linear.gather [spmem:s11], $0x80, $0x38;
	[tilespmem:$0x1BC00] =	vst v63  }
0x37e: {  	s1 =	sadd.s32 $0x4180, s1;
	s13 =	sadd.s32 $0x380, s12  }
0x37f: {  	[tilespmem:s1], [sflag:s0] =	stream.linear.gather [spmem:s13], $0x80, $0x38;
	[tilespmem:$0x1BC00] =	vst v63  }
.LBB2_6:
0x380: {  	_ =	sfence.sel $0x180000  }
0x381: {  	[bflag:$0x0] =	sbarrier.arrive $0xFFFF  }
0x382: {  	_ =	strace $0x90000047  }
0x383: {  	s0 =	stileid.u32;
	[bflag:$0x2] =	sbarrier.arrive $0xFFFF  }
0x384: {  	p0 =	sne.s32 s0, $0x0;
	s0 =	rddreg [dreg:$0x4]  }
0x385: {  	s0 =	sadd.s32 @!p0 $0x100000, s0  }
0x386: {  	[sflag:s0] =	ssyncadd.tile.s32 @!p0 $0x1;
	_ =	shalt  }
.Lfunc_end2:
_tile_overlayer_lowered:
.L_overlay_start_2:
0x387: {  	(tag) =	ssettag $0x2  }
0x388: {  	s0 =	rddreg [dreg:$0x0];
	s2 =	stileid.u32  }
0x389: {  	s1 =	rddreg [dreg:$0x1];
	p0 =	sne.s32 s2, $0x0  }
0x38a: {  	s3 =	rddreg [dreg:$0x2];
	[bflag:$0x3] =	sbarrier.arrive $0xFFFF;
	s2 =	simm.s32 @!p0 $0x1C07  }
0x38b: {  	[timem:s3], [sflag:s2] =	dma.local @!p0 [hbm:s0], s1  }
0x38c: {  	s0 =	simm.s32 @!p0 $0x7  }
0x38d: {  	_ =	swait.ge @!p0 [sflag:s0], s1  }
0x38e: {  	s1 =	ssub.s32 @!p0 $0x0, s1;
	[sflag:s0] =	ssyncset.done @!p0 $0x0  }
0x38f: {  	[sflag:s0] =	ssyncadd.s32 @!p0 s1  }
0x390: {  	[bflag:$0x3] =	sbarrier.arrive $0xFFFF  }
0x391: {  	_ =	shalt  }

</sc_bundles>
